<compile_context>
chip_gen: v7x
topology: tpu7x:2x2x1
jax: 0.10.2.dev20260603
libtpu: 0.0.44.dev20260713+nightly
codegen_flags: <defaults>
</compile_context>

<pallas_src>
import functools

import jax
import jax.numpy as jnp
from jax import lax
from jax.experimental import pallas as pl
from jax.experimental.pallas import tpu as pltpu
from jax.experimental.pallas import tpu_sc as plsc

NC = 2
NS = 16
CHUNK = 128


def _sc_degree(np_rows, e_pad):
    epw = e_pad // (NC * NS)
    nch = epw // CHUNK
    rpt = np_rows // NS
    mesh = plsc.VectorSubcoreMesh(core_axis_name="c", subcore_axis_name="s")

    @functools.partial(
        pl.kernel,
        out_type=jax.ShapeDtypeStruct((NC, np_rows), jnp.float32),
        mesh=mesh,
        scratch_types=[
            pltpu.VMEM((nch, CHUNK), jnp.int32),
            pltpu.VMEM((CHUNK,), jnp.float32),
            pltpu.VMEM((rpt,), jnp.float32),
            pltpu.VMEM_SHARED((np_rows,), jnp.float32),
            pltpu.SemaphoreType.DMA,
        ],
    )
    def deg_kernel(dst_hbm, out_hbm, didx, ones, zbuf, acc, sem0):
        c = lax.axis_index("c")
        s = lax.axis_index("s")
        wid = c * NS + s
        row0 = s * rpt

        def fill(i, _):
            ones[pl.ds(i * 16, 16)] = jnp.ones((16,), jnp.float32)
            return _
        lax.fori_loop(0, CHUNK // 16, fill, None)

        def zfill(i, _):
            zbuf[pl.ds(i * 16, 16)] = jnp.zeros((16,), jnp.float32)
            return _
        lax.fori_loop(0, rpt // 16, zfill, None)
        pltpu.sync_copy(zbuf, acc.at[pl.ds(row0, rpt)])
        plsc.subcore_barrier()

        pltpu.sync_copy(dst_hbm.at[pl.ds(wid * nch, nch)], didx)

        k = 16

        def outer(t, _):
            def fire(i, _):
                pltpu.async_copy(ones, acc.at[didx.at[t * k + i]], sem0,
                                 add=True)
                return _
            lax.fori_loop(0, k, fire, None)

            def drain(i, _):
                pltpu.make_async_copy(ones, acc.at[didx.at[t * k + i]],
                                      sem0).wait()
                return _
            lax.fori_loop(0, k, drain, None)
            return _
        lax.fori_loop(0, nch // k, outer, None)
        plsc.subcore_barrier()

        pltpu.sync_copy(acc.at[pl.ds(row0, rpt)],
                        out_hbm.at[c, pl.ds(row0, rpt)])

    return deg_kernel


def _sc_aggregate(np_rows, e_pad, d):
    epw = e_pad // (NC * NS)
    nch = epw // CHUNK
    rpt = np_rows // NS
    mesh = plsc.VectorSubcoreMesh(core_axis_name="c", subcore_axis_name="s")

    nbuf = 4
    koff = 2

    @functools.partial(
        pl.kernel,
        out_type=jax.ShapeDtypeStruct((NC, np_rows, d), jnp.float32),
        mesh=mesh,
        compiler_params=pltpu.CompilerParams(use_tc_tiling_on_sc=False),
        scratch_types=[
            pltpu.VMEM((nch, CHUNK), jnp.int32),
            pltpu.VMEM((nch, CHUNK), jnp.int32),
            pltpu.VMEM((nbuf, CHUNK, d), jnp.float32),
            pltpu.VMEM((CHUNK, d), jnp.float32),
            pltpu.VMEM_SHARED((np_rows, d), jnp.float32),
        ] + [pltpu.SemaphoreType.DMA] * (2 * nbuf),
    )
    def agg_kernel(src_hbm, dst_hbm, table_hbm, out_hbm,
                   sidx, didx, rows, zbuf, acc, *sems):
        gsem = sems[:nbuf]
        ssem = sems[nbuf:]
        c = lax.axis_index("c")
        s = lax.axis_index("s")
        wid = c * NS + s
        row0 = s * rpt

        kd = max(d // 16, 1)

        def zfill(t, _):
            r = t // kd
            k = t % kd
            zbuf[r, pl.ds(k * 16, 16)] = jnp.zeros((16,), jnp.float32)
            return _
        lax.fori_loop(0, CHUNK * d // 16, zfill, None)
        for i in range(rpt // CHUNK):
            pltpu.sync_copy(zbuf, acc.at[pl.ds(row0 + i * CHUNK, CHUNK)])
        plsc.subcore_barrier()

        pltpu.sync_copy(src_hbm.at[pl.ds(wid * nch, nch)], sidx)
        pltpu.sync_copy(dst_hbm.at[pl.ds(wid * nch, nch)], didx)

        for b in range(koff):
            pltpu.async_copy(table_hbm.at[sidx.at[b]], rows.at[b], gsem[b])

        def outer(t, _):
            for b in range(nbuf):
                j = t * nbuf + b
                pltpu.make_async_copy(table_hbm.at[sidx.at[j]], rows.at[b],
                                      gsem[b]).wait()
                pltpu.async_copy(rows.at[b], acc.at[didx.at[j]], ssem[b],
                                 add=True)
                jn = j + koff
                bn = (b + koff) % nbuf

                @pl.when(jn < nch)
                def _start_next():
                    @pl.when(j >= nbuf - koff)
                    def _wait_prev_scatter():
                        pltpu.make_async_copy(
                            rows.at[bn], acc.at[didx.at[jn - nbuf]],
                            ssem[bn]).wait()
                    pltpu.async_copy(table_hbm.at[sidx.at[jn]], rows.at[bn],
                                     gsem[bn])
            return _
        lax.fori_loop(0, nch // nbuf, outer, None)

        for jj in range(nch - nbuf, nch):
            b = jj % nbuf
            pltpu.make_async_copy(rows.at[b], acc.at[didx.at[jj]],
                                  ssem[b]).wait()
        plsc.subcore_barrier()

        pltpu.sync_copy(acc.at[pl.ds(row0, rpt)],
                        out_hbm.at[c, pl.ds(row0, rpt)])

    return agg_kernel


def _sc_aggregate_1d(np_rows, e_pad):
    epw = e_pad // (NC * NS)
    nch = epw // CHUNK
    rpt = np_rows // NS
    mesh = plsc.VectorSubcoreMesh(core_axis_name="c", subcore_axis_name="s")

    nbuf = 4
    koff = 2

    @functools.partial(
        pl.kernel,
        out_type=jax.ShapeDtypeStruct((NC, np_rows), jnp.float32),
        mesh=mesh,
        scratch_types=[
            pltpu.VMEM((nch, CHUNK), jnp.int32),
            pltpu.VMEM((nch, CHUNK), jnp.int32),
            pltpu.VMEM((nbuf, CHUNK), jnp.float32),
            pltpu.VMEM((rpt,), jnp.float32),
            pltpu.VMEM_SHARED((np_rows,), jnp.float32),
        ] + [pltpu.SemaphoreType.DMA] * (2 * nbuf),
    )
    def agg1d_kernel(src_hbm, dst_hbm, table_hbm, out_hbm,
                     sidx, didx, rows, zbuf, acc, *sems):
        gsem = sems[:nbuf]
        ssem = sems[nbuf:]
        c = lax.axis_index("c")
        s = lax.axis_index("s")
        wid = c * NS + s
        row0 = s * rpt

        def zfill(i, _):
            zbuf[pl.ds(i * 16, 16)] = jnp.zeros((16,), jnp.float32)
            return _
        lax.fori_loop(0, rpt // 16, zfill, None)
        pltpu.sync_copy(zbuf, acc.at[pl.ds(row0, rpt)])
        plsc.subcore_barrier()

        pltpu.sync_copy(src_hbm.at[pl.ds(wid * nch, nch)], sidx)
        pltpu.sync_copy(dst_hbm.at[pl.ds(wid * nch, nch)], didx)

        for b in range(koff):
            pltpu.async_copy(table_hbm.at[sidx.at[b]], rows.at[b], gsem[b])

        def outer(t, _):
            for b in range(nbuf):
                j = t * nbuf + b
                pltpu.make_async_copy(table_hbm.at[sidx.at[j]], rows.at[b],
                                      gsem[b]).wait()
                pltpu.async_copy(rows.at[b], acc.at[didx.at[j]], ssem[b],
                                 add=True)
                jn = j + koff
                bn = (b + koff) % nbuf

                @pl.when(jn < nch)
                def _start_next():
                    @pl.when(j >= nbuf - koff)
                    def _wait_prev_scatter():
                        pltpu.make_async_copy(
                            rows.at[bn], acc.at[didx.at[jn - nbuf]],
                            ssem[bn]).wait()
                    pltpu.async_copy(table_hbm.at[sidx.at[jn]], rows.at[bn],
                                     gsem[bn])
            return _
        lax.fori_loop(0, nch // nbuf, outer, None)

        for jj in range(nch - nbuf, nch):
            b = jj % nbuf
            pltpu.make_async_copy(rows.at[b], acc.at[didx.at[jj]],
                                  ssem[b]).wait()
        plsc.subcore_barrier()

        pltpu.sync_copy(acc.at[pl.ds(row0, rpt)],
                        out_hbm.at[c, pl.ds(row0, rpt)])

    return agg1d_kernel


def _tc_first(np_rows, n, d_in, d_out, blk):
    grid = (np_rows // blk,)

    def body(deg_ref, x_ref, w_ref, dis_ref, scaled_ref):
        i = pl.program_id(0)
        deg = deg_ref[0] + deg_ref[1] + 1.0
        dis = lax.rsqrt(deg)
        row = jax.lax.broadcasted_iota(jnp.int32, (blk, 1), 0) + i * blk
        dis = jnp.where(row < n, dis, 0.0)
        pre = jnp.dot(x_ref[...], w_ref[...],
                      preferred_element_type=jnp.float32)
        dis_ref[...] = dis
        scaled_ref[...] = jnp.where(row < n, dis * pre, 0.0)

    return pl.pallas_call(
        body,
        grid=grid,
        in_specs=[
            pl.BlockSpec((2, blk, 1), lambda i: (0, i, 0)),
            pl.BlockSpec((blk, d_in), lambda i: (i, 0)),
            pl.BlockSpec((d_in, d_out), lambda i: (0, 0)),
        ],
        out_specs=[
            pl.BlockSpec((blk, 1), lambda i: (i, 0)),
            pl.BlockSpec((blk, d_out), lambda i: (i, 0)),
        ],
        out_shape=[
            jax.ShapeDtypeStruct((np_rows, 1), jnp.float32),
            jax.ShapeDtypeStruct((np_rows, d_out), jnp.float32),
        ],
    )


def _tc_mid(np_rows, d, d_next, blk):
    grid = (np_rows // blk,)

    def body(agg_ref, scaled_ref, dis_ref, b_ref, w_ref, out_ref):
        a = agg_ref[0] + agg_ref[1] + scaled_ref[...]
        h = jnp.maximum(dis_ref[...] * a + b_ref[...], 0.0)
        out_ref[...] = dis_ref[...] * jnp.dot(
            h, w_ref[...], preferred_element_type=jnp.float32)

    return pl.pallas_call(
        body,
        grid=grid,
        in_specs=[
            pl.BlockSpec((2, blk, d), lambda i: (0, i, 0)),
            pl.BlockSpec((blk, d), lambda i: (i, 0)),
            pl.BlockSpec((blk, 1), lambda i: (i, 0)),
            pl.BlockSpec((1, d), lambda i: (0, 0)),
            pl.BlockSpec((d, d_next), lambda i: (0, 0)),
        ],
        out_specs=pl.BlockSpec((blk, d_next), lambda i: (i, 0)),
        out_shape=jax.ShapeDtypeStruct((np_rows, d_next), jnp.float32),
    )


def _tc_last(np_rows, n, blk):
    grid = (np_rows // blk,)

    def body(agg_ref, scaled_ref, dis_ref, b_ref, out_ref):
        a = agg_ref[0] + agg_ref[1] + scaled_ref[...]
        out_ref[...] = dis_ref[...] * a + b_ref[...]

    return pl.pallas_call(
        body,
        grid=grid,
        in_specs=[
            pl.BlockSpec((2, blk, 1), lambda i: (0, i, 0)),
            pl.BlockSpec((blk, 1), lambda i: (i, 0)),
            pl.BlockSpec((blk, 1), lambda i: (i, 0)),
            pl.BlockSpec((1, 1), lambda i: (0, 0)),
        ],
        out_specs=pl.BlockSpec((blk, 1), lambda i: (i, 0)),
        out_shape=jax.ShapeDtypeStruct((n, 1), jnp.float32),
    )


@jax.jit
def kernel(x, edge_index, W1, b1, W2, b2, W3, b3):
    n, d_in = x.shape
    e = edge_index.shape[1]
    d1 = W1.shape[1]
    d2 = W2.shape[1]

    blk = 1024
    np_rows = ((n + 1 + blk - 1) // blk) * blk
    unit = NC * NS * CHUNK * 8
    e_pad = ((e + unit - 1) // unit) * unit
    pad = e_pad - e
    fillv = jnp.full((pad,), n, jnp.int32)
    src2d = jnp.concatenate([edge_index[0], fillv]).reshape(-1, CHUNK)
    dst2d = jnp.concatenate([edge_index[1], fillv]).reshape(-1, CHUNK)

    deg2 = _sc_degree(np_rows, e_pad)(dst2d)
    dis, scaled1 = _tc_first(np_rows, n, d_in, d1, blk)(
        deg2.reshape(NC, np_rows, 1), x, W1)
    agg1 = _sc_aggregate(np_rows, e_pad, d1)(src2d, dst2d, scaled1)
    scaled2 = _tc_mid(np_rows, d1, d2, blk)(
        agg1, scaled1, dis, b1.reshape(1, -1), W2)
    agg2 = _sc_aggregate(np_rows, e_pad, d2)(src2d, dst2d, scaled2)
    scaled3 = _tc_mid(np_rows, d2, W3.shape[1], blk)(
        agg2, scaled2, dis, b2.reshape(1, -1), W3)
    agg3 = _sc_aggregate_1d(np_rows, e_pad)(
        src2d, dst2d, scaled3.reshape(np_rows))
    out = _tc_last(np_rows, n, blk)(
        agg3.reshape(NC, np_rows, 1), scaled3, dis, b3.reshape(1, 1))
    return out

# --- scband reference (transcript-rebuilt; emitter-appended) ---
"""Pipeline reference for scband-gnn-16724602650757 (READ-ONLY COPY).

The authoritative reference and input builder live on the scoring server;
editing this copy changes nothing except your own understanding.
"""

import jax, jax.numpy as jnp
import numpy as np

N = 10000
E = 320000
D_IN = 128


def setup_inputs(seed: int = 0) -> dict:
    key = jax.random.key(seed)
    ks = jax.random.split(key, 8)
    x = jax.random.normal(ks[0], (N, D_IN), dtype=jnp.float32)
    edge_index = jax.random.randint(ks[1], (2, E), 0, N, dtype=jnp.int32)
    W1 = jax.random.normal(ks[2], (D_IN, 32), dtype=jnp.float32) * (1.0 / np.sqrt(D_IN))
    b1 = jnp.zeros((32,), dtype=jnp.float32)
    W2 = jax.random.normal(ks[3], (32, 16), dtype=jnp.float32) * (1.0 / np.sqrt(32))
    b2 = jnp.zeros((16,), dtype=jnp.float32)
    W3 = jax.random.normal(ks[4], (16, 1), dtype=jnp.float32) * (1.0 / np.sqrt(16))
    b3 = jnp.zeros((1,), dtype=jnp.float32)
    return {"x": x, "edge_index": edge_index, "W1": W1, "b1": b1, "W2": W2, "b2": b2, "W3": W3, "b3": b3}


def _gcn_conv(x, src, dst, norm, W, b):
    # GCNConv: x' = D^{-1/2} (A + I) D^{-1/2} x W + b
    h = x @ W
    msg = norm[:, None] * jnp.take(h, src, axis=0)
    out = jax.ops.segment_sum(msg, dst, num_segments=N)
    return out + b


def _build_norm(edge_index):
    loop = jnp.arange(N, dtype=edge_index.dtype)
    src = jnp.concatenate([edge_index[0], loop])
    dst = jnp.concatenate([edge_index[1], loop])
    deg = jax.ops.segment_sum(jnp.ones_like(dst, dtype=jnp.float32), dst, num_segments=N)
    deg_inv_sqrt = jnp.where(deg > 0, 1.0 / jnp.sqrt(deg), 0.0)
    norm = jnp.take(deg_inv_sqrt, src) * jnp.take(deg_inv_sqrt, dst)
    return src, dst, norm


def reference(x, edge_index, W1, b1, W2, b2, W3, b3):
    src, dst, norm = _build_norm(edge_index)
    h = _gcn_conv(x, src, dst, norm, W1, b1)
    h = jax.nn.relu(h)
    h = _gcn_conv(h, src, dst, norm, W2, b2)
    h = jax.nn.relu(h)
    out = _gcn_conv(h, src, dst, norm, W3, b3)
    return out

if __name__ == "__main__":
    import jax
    _d = setup_inputs()
    print(jax.jit(kernel)(*tuple(_d.values())))

</pallas_src>

<mosaic_0001>
#map = affine_map<(d0, d1) -> (0, 0)>
#map1 = affine_map<(d0, d1) -> (0)>
module attributes {stable_mosaic.version = 14 : i64} {
  func.func @agg1d_kernel(%arg0: i32, %arg1: i32, %arg2: memref<2560x128xi32, #tpu.memory_space<hbm>>, %arg3: memref<2560x128xi32, #tpu.memory_space<hbm>>, %arg4: memref<10240xf32, #tpu.memory_space<hbm>>, %arg5: memref<2x10240xf32, #tpu.memory_space<hbm>>, %arg6: memref<80x128xi32, #tpu.memory_space<vmem>>, %arg7: memref<80x128xi32, #tpu.memory_space<vmem>>, %arg8: memref<4x128xf32, #tpu.memory_space<vmem>>, %arg9: memref<640xf32, #tpu.memory_space<vmem>>, %arg10: memref<10240xf32, #tpu.memory_space<vmem_shared>>, %arg11: memref<!tpu.dma_semaphore, #tpu.memory_space<semaphore_mem>>, %arg12: memref<!tpu.dma_semaphore, #tpu.memory_space<semaphore_mem>>, %arg13: memref<!tpu.dma_semaphore, #tpu.memory_space<semaphore_mem>>, %arg14: memref<!tpu.dma_semaphore, #tpu.memory_space<semaphore_mem>>, %arg15: memref<!tpu.dma_semaphore, #tpu.memory_space<semaphore_mem>>, %arg16: memref<!tpu.dma_semaphore, #tpu.memory_space<semaphore_mem>>, %arg17: memref<!tpu.dma_semaphore, #tpu.memory_space<semaphore_mem>>, %arg18: memref<!tpu.dma_semaphore, #tpu.memory_space<semaphore_mem>>) attributes {dimension_semantics = [#tpu.dimension_semantics<core_parallel>, #tpu.dimension_semantics<subcore_parallel>], iteration_bounds = array<i64: 2, 16>, scalar_prefetch = 0 : i64, scratch_operands = 13 : i64, tpu.core_type = #tpu.core_type<sc_vector_subcore>, window_params = [{transform_indices = #map}, {transform_indices = #map}, {transform_indices = #map1}, {transform_indices = #map}]} {
    %mul3A = arith.constant 16 : i32
    %mul3A_0 = arith.muli %arg0, %mul3A : i32
    %add3A = arith.addi %mul3A_0, %arg1 : i32
    %mul3A_1 = arith.constant 640 : i32
    %mul3A_2 = arith.muli %arg1, %mul3A_1 : i32
    %scan3A = arith.constant 0 : i32
    %scan3A_3 = arith.constant 40 : i32
    %scan3A_4 = arith.addi %scan3A, %scan3A_3 : i32
    %scan3A_5 = arith.constant 1 : i32
    scf.for %scan3A_75 = %scan3A to %scan3A_4 step %scan3A_5  : i32 {
      %broadcast_in_dim3A = arith.constant 0.000000e+00 : f32
      %broadcast_in_dim3A_76 = vector.broadcast %broadcast_in_dim3A : f32 to vector<16xf32>
      %mul3A_77 = arith.constant 16 : i32
      %mul3A_78 = arith.muli %scan3A_75, %mul3A_77 : i32
      %swap3A = arith.index_cast %mul3A_78 : i32 to index
      %swap3A_79 = tpu.vector_load %arg9[%swap3A] {strides = array<i32>} : memref<640xf32, #tpu.memory_space<vmem>>, vector<16xf32>,
      %swap3A_80 = vector.shape_cast %swap3A_79 : vector<16xf32> to vector<16xf32>
      %swap3A_81 = vector.shape_cast %broadcast_in_dim3A_76 : vector<16xf32> to vector<16xf32>
      tpu.vector_store %arg9[%swap3A], %swap3A_81 {strides = array<i32>} : memref<640xf32, #tpu.memory_space<vmem>>, vector<16xf32>,
    }
    %scan3A_6 = arith.constant 40 : i32
    "tpu.region"() ({
      %run_scoped3A = tpu.sem_alloc : memref<!tpu.dma_semaphore, #tpu.memory_space<semaphore_mem>>
      %dma_start3A_75 = tpu.memref_slice %arg10[%mul3A_2] : memref<10240xf32, #tpu.memory_space<vmem_shared>> -> memref<640xf32, #tpu.memory_space<vmem_shared>>
      %dma_start3A_76 = tpu.memref_slice %arg10[%mul3A_2] : memref<10240xf32, #tpu.memory_space<vmem_shared>> -> memref<640xf32, #tpu.memory_space<vmem_shared>>
      tpu.enqueue_dma source(%arg9 : memref<640xf32, #tpu.memory_space<vmem>>) target(%dma_start3A_76 : memref<640xf32, #tpu.memory_space<vmem_shared>>) target_semaphore(%run_scoped3A : memref<!tpu.dma_semaphore, #tpu.memory_space<semaphore_mem>>)
      %dma_wait3A_77 = tpu.memref_slice %arg10[%mul3A_2] : memref<10240xf32, #tpu.memory_space<vmem_shared>> -> memref<640xf32, #tpu.memory_space<vmem_shared>>
      %dma_wait3A_78 = tpu.memref_slice %arg10[%mul3A_2] : memref<10240xf32, #tpu.memory_space<vmem_shared>> -> memref<640xf32, #tpu.memory_space<vmem_shared>>
      tpu.wait_dma2 semaphore(%run_scoped3A : memref<!tpu.dma_semaphore, #tpu.memory_space<semaphore_mem>>) src(%arg9 : memref<640xf32, #tpu.memory_space<vmem>>) dst(%dma_wait3A_78 : memref<640xf32, #tpu.memory_space<vmem_shared>>)
      tpu.yield
    }) : () -> ()
    %barrier3A = arith.constant 0 : index
    tpu.barrier barrier_id(%barrier3A)
    %mul3A_7 = arith.constant 80 : i32
    %mul3A_8 = arith.muli %add3A, %mul3A_7 : i32
    "tpu.region"() ({
      %run_scoped3A = tpu.sem_alloc : memref<!tpu.dma_semaphore, #tpu.memory_space<semaphore_mem>>
      %dma_start3A_75 = arith.constant 0 : i32
      %dma_start3A_76 = tpu.memref_slice %arg2[%mul3A_8, %dma_start3A_75] : memref<2560x128xi32, #tpu.memory_space<hbm>> -> memref<80x128xi32, #tpu.memory_space<hbm>>
      %dma_start3A_77 = arith.constant 0 : i32
      %dma_start3A_78 = tpu.memref_slice %arg2[%mul3A_8, %dma_start3A_77] : memref<2560x128xi32, #tpu.memory_space<hbm>> -> memref<80x128xi32, #tpu.memory_space<hbm>>
      tpu.enqueue_dma source(%dma_start3A_78 : memref<80x128xi32, #tpu.memory_space<hbm>>) target(%arg6 : memref<80x128xi32, #tpu.memory_space<vmem>>) target_semaphore(%run_scoped3A : memref<!tpu.dma_semaphore, #tpu.memory_space<semaphore_mem>>)
      %dma_wait3A_79 = arith.constant 0 : i32
      %dma_wait3A_80 = tpu.memref_slice %arg2[%mul3A_8, %dma_wait3A_79] : memref<2560x128xi32, #tpu.memory_space<hbm>> -> memref<80x128xi32, #tpu.memory_space<hbm>>
      %dma_wait3A_81 = arith.constant 0 : i32
      %dma_wait3A_82 = tpu.memref_slice %arg2[%mul3A_8, %dma_wait3A_81] : memref<2560x128xi32, #tpu.memory_space<hbm>> -> memref<80x128xi32, #tpu.memory_space<hbm>>
      tpu.wait_dma2 semaphore(%run_scoped3A : memref<!tpu.dma_semaphore, #tpu.memory_space<semaphore_mem>>) src(%dma_wait3A_82 : memref<80x128xi32, #tpu.memory_space<hbm>>) dst(%arg6 : memref<80x128xi32, #tpu.memory_space<vmem>>)
      tpu.yield
    }) : () -> ()
    %mul3A_9 = arith.constant 80 : i32
    %mul3A_10 = arith.muli %add3A, %mul3A_9 : i32
    "tpu.region"() ({
      %run_scoped3A = tpu.sem_alloc : memref<!tpu.dma_semaphore, #tpu.memory_space<semaphore_mem>>
      %dma_start3A_75 = arith.constant 0 : i32
      %dma_start3A_76 = tpu.memref_slice %arg3[%mul3A_10, %dma_start3A_75] : memref<2560x128xi32, #tpu.memory_space<hbm>> -> memref<80x128xi32, #tpu.memory_space<hbm>>
      %dma_start3A_77 = arith.constant 0 : i32
      %dma_start3A_78 = tpu.memref_slice %arg3[%mul3A_10, %dma_start3A_77] : memref<2560x128xi32, #tpu.memory_space<hbm>> -> memref<80x128xi32, #tpu.memory_space<hbm>>
      tpu.enqueue_dma source(%dma_start3A_78 : memref<80x128xi32, #tpu.memory_space<hbm>>) target(%arg7 : memref<80x128xi32, #tpu.memory_space<vmem>>) target_semaphore(%run_scoped3A : memref<!tpu.dma_semaphore, #tpu.memory_space<semaphore_mem>>)
      %dma_wait3A_79 = arith.constant 0 : i32
      %dma_wait3A_80 = tpu.memref_slice %arg3[%mul3A_10, %dma_wait3A_79] : memref<2560x128xi32, #tpu.memory_space<hbm>> -> memref<80x128xi32, #tpu.memory_space<hbm>>
      %dma_wait3A_81 = arith.constant 0 : i32
      %dma_wait3A_82 = tpu.memref_slice %arg3[%mul3A_10, %dma_wait3A_81] : memref<2560x128xi32, #tpu.memory_space<hbm>> -> memref<80x128xi32, #tpu.memory_space<hbm>>
      tpu.wait_dma2 semaphore(%run_scoped3A : memref<!tpu.dma_semaphore, #tpu.memory_space<semaphore_mem>>) src(%dma_wait3A_82 : memref<80x128xi32, #tpu.memory_space<hbm>>) dst(%arg7 : memref<80x128xi32, #tpu.memory_space<vmem>>)
      tpu.yield
    }) : () -> ()
    %dma_start3A = arith.constant 0 : i32
    %dma_start3A_11 = arith.constant 0 : i32
    %dma_start3A_12 = arith.constant 0 : i32
    %dma_start3A_13 = tpu.memref_slice %arg8[%dma_start3A_11, %dma_start3A_12] : memref<4x128xf32, #tpu.memory_space<vmem>> -> memref<1x128xf32, #tpu.memory_space<vmem>>
    %dma_start3A_14 = tpu.memref_squeeze %dma_start3A_13 : memref<1x128xf32, #tpu.memory_space<vmem>> -> memref<128xf32, #tpu.memory_space<vmem>>
    %dma_start3A_15 = arith.constant 0 : i32
    %dma_start3A_16 = tpu.memref_slice %arg6[%dma_start3A, %dma_start3A_15] : memref<80x128xi32, #tpu.memory_space<vmem>> -> memref<1x128xi32, #tpu.memory_space<vmem>>
    %dma_start3A_17 = tpu.memref_squeeze %dma_start3A_16 : memref<1x128xi32, #tpu.memory_space<vmem>> -> memref<128xi32, #tpu.memory_space<vmem>>
    %dma_start3A_18 = arith.constant 0 : i32
    %dma_start3A_19 = tpu.memref_slice %arg4[%dma_start3A_18] : memref<10240xf32, #tpu.memory_space<hbm>> -> memref<10240xf32, #tpu.memory_space<hbm>>
    tpu.enqueue_indirect_dma source(%dma_start3A_19 : memref<10240xf32, #tpu.memory_space<hbm>>) target(%dma_start3A_14 : memref<128xf32, #tpu.memory_space<vmem>>) offsets(%dma_start3A_17 : memref<128xi32, #tpu.memory_space<vmem>>) semaphore(%arg11 : memref<!tpu.dma_semaphore, #tpu.memory_space<semaphore_mem>>)
    %dma_start3A_20 = arith.constant 1 : i32
    %dma_start3A_21 = arith.constant 1 : i32
    %dma_start3A_22 = arith.constant 0 : i32
    %dma_start3A_23 = tpu.memref_slice %arg8[%dma_start3A_21, %dma_start3A_22] : memref<4x128xf32, #tpu.memory_space<vmem>> -> memref<1x128xf32, #tpu.memory_space<vmem>>
    %dma_start3A_24 = tpu.memref_squeeze %dma_start3A_23 : memref<1x128xf32, #tpu.memory_space<vmem>> -> memref<128xf32, #tpu.memory_space<vmem>>
    %dma_start3A_25 = arith.constant 0 : i32
    %dma_start3A_26 = tpu.memref_slice %arg6[%dma_start3A_20, %dma_start3A_25] : memref<80x128xi32, #tpu.memory_space<vmem>> -> memref<1x128xi32, #tpu.memory_space<vmem>>
    %dma_start3A_27 = tpu.memref_squeeze %dma_start3A_26 : memref<1x128xi32, #tpu.memory_space<vmem>> -> memref<128xi32, #tpu.memory_space<vmem>>
    %dma_start3A_28 = arith.constant 0 : i32
    %dma_start3A_29 = tpu.memref_slice %arg4[%dma_start3A_28] : memref<10240xf32, #tpu.memory_space<hbm>> -> memref<10240xf32, #tpu.memory_space<hbm>>
    tpu.enqueue_indirect_dma source(%dma_start3A_29 : memref<10240xf32, #tpu.memory_space<hbm>>) target(%dma_start3A_24 : memref<128xf32, #tpu.memory_space<vmem>>) offsets(%dma_start3A_27 : memref<128xi32, #tpu.memory_space<vmem>>) semaphore(%arg12 : memref<!tpu.dma_semaphore, #tpu.memory_space<semaphore_mem>>)
    %scan3A_30 = arith.constant 0 : i32
    %scan3A_31 = arith.constant 20 : i32
    %scan3A_32 = arith.addi %scan3A_30, %scan3A_31 : i32
    %scan3A_33 = arith.constant 1 : i32
    scf.for %scan3A_75 = %scan3A_30 to %scan3A_32 step %scan3A_33  : i32 {
      %mul3A_76 = arith.constant 4 : i32
      %mul3A_77 = arith.muli %scan3A_75, %mul3A_76 : i32
      %add3A_78 = arith.constant 0 : i32
      %add3A_79 = arith.addi %mul3A_77, %add3A_78 : i32
      %dma_wait3A_80 = arith.constant 0 : i32
      %dma_wait3A_81 = arith.constant 0 : i32
      %dma_wait3A_82 = tpu.memref_slice %arg8[%dma_wait3A_80, %dma_wait3A_81] : memref<4x128xf32, #tpu.memory_space<vmem>> -> memref<1x128xf32, #tpu.memory_space<vmem>>
      %dma_wait3A_83 = tpu.memref_squeeze %dma_wait3A_82 : memref<1x128xf32, #tpu.memory_space<vmem>> -> memref<128xf32, #tpu.memory_space<vmem>>
      %dma_wait3A_84 = arith.constant 0 : i32
      %dma_wait3A_85 = tpu.memref_slice %arg6[%add3A_79, %dma_wait3A_84] : memref<80x128xi32, #tpu.memory_space<vmem>> -> memref<1x128xi32, #tpu.memory_space<vmem>>
      %dma_wait3A_86 = tpu.memref_squeeze %dma_wait3A_85 : memref<1x128xi32, #tpu.memory_space<vmem>> -> memref<128xi32, #tpu.memory_space<vmem>>
      %dma_wait3A_87 = arith.constant 0 : i32
      %dma_wait3A_88 = tpu.memref_slice %arg4[%dma_wait3A_87] : memref<10240xf32, #tpu.memory_space<hbm>> -> memref<10240xf32, #tpu.memory_space<hbm>>
      tpu.wait_indirect_dma semaphore(%arg11 : memref<!tpu.dma_semaphore, #tpu.memory_space<semaphore_mem>>) src(%dma_wait3A_88 : memref<10240xf32, #tpu.memory_space<hbm>>) dst(%dma_wait3A_83 : memref<128xf32, #tpu.memory_space<vmem>>)
      %dma_start3A_89 = arith.constant 0 : i32
      %dma_start3A_90 = arith.constant 0 : i32
      %dma_start3A_91 = tpu.memref_slice %arg8[%dma_start3A_89, %dma_start3A_90] : memref<4x128xf32, #tpu.memory_space<vmem>> -> memref<1x128xf32, #tpu.memory_space<vmem>>
      %dma_start3A_92 = tpu.memref_squeeze %dma_start3A_91 : memref<1x128xf32, #tpu.memory_space<vmem>> -> memref<128xf32, #tpu.memory_space<vmem>>
      %dma_start3A_93 = arith.constant 0 : i32
      %dma_start3A_94 = tpu.memref_slice %arg7[%add3A_79, %dma_start3A_93] : memref<80x128xi32, #tpu.memory_space<vmem>> -> memref<1x128xi32, #tpu.memory_space<vmem>>
      %dma_start3A_95 = tpu.memref_squeeze %dma_start3A_94 : memref<1x128xi32, #tpu.memory_space<vmem>> -> memref<128xi32, #tpu.memory_space<vmem>>
      %dma_start3A_96 = arith.constant 0 : i32
      %dma_start3A_97 = tpu.memref_slice %arg10[%dma_start3A_96] : memref<10240xf32, #tpu.memory_space<vmem_shared>> -> memref<10240xf32, #tpu.memory_space<vmem_shared>>
      tpu.enqueue_indirect_dma source(%dma_start3A_92 : memref<128xf32, #tpu.memory_space<vmem>>) target(%dma_start3A_97 : memref<10240xf32, #tpu.memory_space<vmem_shared>>) offsets(%dma_start3A_95 : memref<128xi32, #tpu.memory_space<vmem>>) semaphore(%arg15 : memref<!tpu.dma_semaphore, #tpu.memory_space<semaphore_mem>>) {add = true}
      %add3A_98 = arith.constant 2 : i32
      %add3A_99 = arith.addi %add3A_79, %add3A_98 : i32
      %lt3A = arith.constant 80 : i32
      %lt3A_100 = arith.cmpi slt, %add3A_99, %lt3A : i32
      %convert_element_type3A = arith.extui %lt3A_100 : i1 to i32
      %cond3A = arith.constant 0 : i32
      %cond3A_101 = arith.cmpi ne, %convert_element_type3A, %cond3A : i32
      scf.if %cond3A_101 {
        %ge3A = arith.constant 2 : i32
        %ge3A_189 = arith.cmpi sge, %add3A_79, %ge3A : i32
        %convert_element_type3A_190 = arith.extui %ge3A_189 : i1 to i32
        %cond3A_191 = arith.constant 0 : i32
        %cond3A_192 = arith.cmpi ne, %convert_element_type3A_190, %cond3A_191 : i32
        scf.if %cond3A_192 {
          %sub3A = arith.constant 4 : i32
          %sub3A_202 = arith.subi %add3A_99, %sub3A : i32
          %dma_wait3A_203 = arith.constant 2 : i32
          %dma_wait3A_204 = arith.constant 0 : i32
          %dma_wait3A_205 = tpu.memref_slice %arg8[%dma_wait3A_203, %dma_wait3A_204] : memref<4x128xf32, #tpu.memory_space<vmem>> -> memref<1x128xf32, #tpu.memory_space<vmem>>
          %dma_wait3A_206 = tpu.memref_squeeze %dma_wait3A_205 : memref<1x128xf32, #tpu.memory_space<vmem>> -> memref<128xf32, #tpu.memory_space<vmem>>
          %dma_wait3A_207 = arith.constant 0 : i32
          %dma_wait3A_208 = tpu.memref_slice %arg7[%sub3A_202, %dma_wait3A_207] : memref<80x128xi32, #tpu.memory_space<vmem>> -> memref<1x128xi32, #tpu.memory_space<vmem>>
          %dma_wait3A_209 = tpu.memref_squeeze %dma_wait3A_208 : memref<1x128xi32, #tpu.memory_space<vmem>> -> memref<128xi32, #tpu.memory_space<vmem>>
          %dma_wait3A_210 = arith.constant 0 : i32
          %dma_wait3A_211 = tpu.memref_slice %arg10[%dma_wait3A_210] : memref<10240xf32, #tpu.memory_space<vmem_shared>> -> memref<10240xf32, #tpu.memory_space<vmem_shared>>
          tpu.wait_indirect_dma semaphore(%arg17 : memref<!tpu.dma_semaphore, #tpu.memory_space<semaphore_mem>>) src(%dma_wait3A_206 : memref<128xf32, #tpu.memory_space<vmem>>) dst(%dma_wait3A_211 : memref<10240xf32, #tpu.memory_space<vmem_shared>>)
        } else {
        }
        %dma_start3A_193 = arith.constant 2 : i32
        %dma_start3A_194 = arith.constant 0 : i32
        %dma_start3A_195 = tpu.memref_slice %arg8[%dma_start3A_193, %dma_start3A_194] : memref<4x128xf32, #tpu.memory_space<vmem>> -> memref<1x128xf32, #tpu.memory_space<vmem>>
        %dma_start3A_196 = tpu.memref_squeeze %dma_start3A_195 : memref<1x128xf32, #tpu.memory_space<vmem>> -> memref<128xf32, #tpu.memory_space<vmem>>
        %dma_start3A_197 = arith.constant 0 : i32
        %dma_start3A_198 = tpu.memref_slice %arg6[%add3A_99, %dma_start3A_197] : memref<80x128xi32, #tpu.memory_space<vmem>> -> memref<1x128xi32, #tpu.memory_space<vmem>>
        %dma_start3A_199 = tpu.memref_squeeze %dma_start3A_198 : memref<1x128xi32, #tpu.memory_space<vmem>> -> memref<128xi32, #tpu.memory_space<vmem>>
        %dma_start3A_200 = arith.constant 0 : i32
        %dma_start3A_201 = tpu.memref_slice %arg4[%dma_start3A_200] : memref<10240xf32, #tpu.memory_space<hbm>> -> memref<10240xf32, #tpu.memory_space<hbm>>
        tpu.enqueue_indirect_dma source(%dma_start3A_201 : memref<10240xf32, #tpu.memory_space<hbm>>) target(%dma_start3A_196 : memref<128xf32, #tpu.memory_space<vmem>>) offsets(%dma_start3A_199 : memref<128xi32, #tpu.memory_space<vmem>>) semaphore(%arg13 : memref<!tpu.dma_semaphore, #tpu.memory_space<semaphore_mem>>)
      } else {
      }
      %mul3A_102 = arith.constant 4 : i32
      %mul3A_103 = arith.muli %scan3A_75, %mul3A_102 : i32
      %add3A_104 = arith.constant 1 : i32
      %add3A_105 = arith.addi %mul3A_103, %add3A_104 : i32
      %dma_wait3A_106 = arith.constant 1 : i32
      %dma_wait3A_107 = arith.constant 0 : i32
      %dma_wait3A_108 = tpu.memref_slice %arg8[%dma_wait3A_106, %dma_wait3A_107] : memref<4x128xf32, #tpu.memory_space<vmem>> -> memref<1x128xf32, #tpu.memory_space<vmem>>
      %dma_wait3A_109 = tpu.memref_squeeze %dma_wait3A_108 : memref<1x128xf32, #tpu.memory_space<vmem>> -> memref<128xf32, #tpu.memory_space<vmem>>
      %dma_wait3A_110 = arith.constant 0 : i32
      %dma_wait3A_111 = tpu.memref_slice %arg6[%add3A_105, %dma_wait3A_110] : memref<80x128xi32, #tpu.memory_space<vmem>> -> memref<1x128xi32, #tpu.memory_space<vmem>>
      %dma_wait3A_112 = tpu.memref_squeeze %dma_wait3A_111 : memref<1x128xi32, #tpu.memory_space<vmem>> -> memref<128xi32, #tpu.memory_space<vmem>>
      %dma_wait3A_113 = arith.constant 0 : i32
      %dma_wait3A_114 = tpu.memref_slice %arg4[%dma_wait3A_113] : memref<10240xf32, #tpu.memory_space<hbm>> -> memref<10240xf32, #tpu.memory_space<hbm>>
      tpu.wait_indirect_dma semaphore(%arg12 : memref<!tpu.dma_semaphore, #tpu.memory_space<semaphore_mem>>) src(%dma_wait3A_114 : memref<10240xf32, #tpu.memory_space<hbm>>) dst(%dma_wait3A_109 : memref<128xf32, #tpu.memory_space<vmem>>)
      %dma_start3A_115 = arith.constant 1 : i32
      %dma_start3A_116 = arith.constant 0 : i32
      %dma_start3A_117 = tpu.memref_slice %arg8[%dma_start3A_115, %dma_start3A_116] : memref<4x128xf32, #tpu.memory_space<vmem>> -> memref<1x128xf32, #tpu.memory_space<vmem>>
      %dma_start3A_118 = tpu.memref_squeeze %dma_start3A_117 : memref<1x128xf32, #tpu.memory_space<vmem>> -> memref<128xf32, #tpu.memory_space<vmem>>
      %dma_start3A_119 = arith.constant 0 : i32
      %dma_start3A_120 = tpu.memref_slice %arg7[%add3A_105, %dma_start3A_119] : memref<80x128xi32, #tpu.memory_space<vmem>> -> memref<1x128xi32, #tpu.memory_space<vmem>>
      %dma_start3A_121 = tpu.memref_squeeze %dma_start3A_120 : memref<1x128xi32, #tpu.memory_space<vmem>> -> memref<128xi32, #tpu.memory_space<vmem>>
      %dma_start3A_122 = arith.constant 0 : i32
      %dma_start3A_123 = tpu.memref_slice %arg10[%dma_start3A_122] : memref<10240xf32, #tpu.memory_space<vmem_shared>> -> memref<10240xf32, #tpu.memory_space<vmem_shared>>
      tpu.enqueue_indirect_dma source(%dma_start3A_118 : memref<128xf32, #tpu.memory_space<vmem>>) target(%dma_start3A_123 : memref<10240xf32, #tpu.memory_space<vmem_shared>>) offsets(%dma_start3A_121 : memref<128xi32, #tpu.memory_space<vmem>>) semaphore(%arg16 : memref<!tpu.dma_semaphore, #tpu.memory_space<semaphore_mem>>) {add = true}
      %add3A_124 = arith.constant 2 : i32
      %add3A_125 = arith.addi %add3A_105, %add3A_124 : i32
      %lt3A_126 = arith.constant 80 : i32
      %lt3A_127 = arith.cmpi slt, %add3A_125, %lt3A_126 : i32
      %convert_element_type3A_128 = arith.extui %lt3A_127 : i1 to i32
      %cond3A_129 = arith.constant 0 : i32
      %cond3A_130 = arith.cmpi ne, %convert_element_type3A_128, %cond3A_129 : i32
      scf.if %cond3A_130 {
        %ge3A = arith.constant 2 : i32
        %ge3A_189 = arith.cmpi sge, %add3A_105, %ge3A : i32
        %convert_element_type3A_190 = arith.extui %ge3A_189 : i1 to i32
        %cond3A_191 = arith.constant 0 : i32
        %cond3A_192 = arith.cmpi ne, %convert_element_type3A_190, %cond3A_191 : i32
        scf.if %cond3A_192 {
          %sub3A = arith.constant 4 : i32
          %sub3A_202 = arith.subi %add3A_125, %sub3A : i32
          %dma_wait3A_203 = arith.constant 3 : i32
          %dma_wait3A_204 = arith.constant 0 : i32
          %dma_wait3A_205 = tpu.memref_slice %arg8[%dma_wait3A_203, %dma_wait3A_204] : memref<4x128xf32, #tpu.memory_space<vmem>> -> memref<1x128xf32, #tpu.memory_space<vmem>>
          %dma_wait3A_206 = tpu.memref_squeeze %dma_wait3A_205 : memref<1x128xf32, #tpu.memory_space<vmem>> -> memref<128xf32, #tpu.memory_space<vmem>>
          %dma_wait3A_207 = arith.constant 0 : i32
          %dma_wait3A_208 = tpu.memref_slice %arg7[%sub3A_202, %dma_wait3A_207] : memref<80x128xi32, #tpu.memory_space<vmem>> -> memref<1x128xi32, #tpu.memory_space<vmem>>
          %dma_wait3A_209 = tpu.memref_squeeze %dma_wait3A_208 : memref<1x128xi32, #tpu.memory_space<vmem>> -> memref<128xi32, #tpu.memory_space<vmem>>
          %dma_wait3A_210 = arith.constant 0 : i32
          %dma_wait3A_211 = tpu.memref_slice %arg10[%dma_wait3A_210] : memref<10240xf32, #tpu.memory_space<vmem_shared>> -> memref<10240xf32, #tpu.memory_space<vmem_shared>>
          tpu.wait_indirect_dma semaphore(%arg18 : memref<!tpu.dma_semaphore, #tpu.memory_space<semaphore_mem>>) src(%dma_wait3A_206 : memref<128xf32, #tpu.memory_space<vmem>>) dst(%dma_wait3A_211 : memref<10240xf32, #tpu.memory_space<vmem_shared>>)
        } else {
        }
        %dma_start3A_193 = arith.constant 3 : i32
        %dma_start3A_194 = arith.constant 0 : i32
        %dma_start3A_195 = tpu.memref_slice %arg8[%dma_start3A_193, %dma_start3A_194] : memref<4x128xf32, #tpu.memory_space<vmem>> -> memref<1x128xf32, #tpu.memory_space<vmem>>
        %dma_start3A_196 = tpu.memref_squeeze %dma_start3A_195 : memref<1x128xf32, #tpu.memory_space<vmem>> -> memref<128xf32, #tpu.memory_space<vmem>>
        %dma_start3A_197 = arith.constant 0 : i32
        %dma_start3A_198 = tpu.memref_slice %arg6[%add3A_125, %dma_start3A_197] : memref<80x128xi32, #tpu.memory_space<vmem>> -> memref<1x128xi32, #tpu.memory_space<vmem>>
        %dma_start3A_199 = tpu.memref_squeeze %dma_start3A_198 : memref<1x128xi32, #tpu.memory_space<vmem>> -> memref<128xi32, #tpu.memory_space<vmem>>
        %dma_start3A_200 = arith.constant 0 : i32
        %dma_start3A_201 = tpu.memref_slice %arg4[%dma_start3A_200] : memref<10240xf32, #tpu.memory_space<hbm>> -> memref<10240xf32, #tpu.memory_space<hbm>>
        tpu.enqueue_indirect_dma source(%dma_start3A_201 : memref<10240xf32, #tpu.memory_space<hbm>>) target(%dma_start3A_196 : memref<128xf32, #tpu.memory_space<vmem>>) offsets(%dma_start3A_199 : memref<128xi32, #tpu.memory_space<vmem>>) semaphore(%arg14 : memref<!tpu.dma_semaphore, #tpu.memory_space<semaphore_mem>>)
      } else {
      }
      %mul3A_131 = arith.constant 4 : i32
      %mul3A_132 = arith.muli %scan3A_75, %mul3A_131 : i32
      %add3A_133 = arith.constant 2 : i32
      %add3A_134 = arith.addi %mul3A_132, %add3A_133 : i32
      %dma_wait3A_135 = arith.constant 2 : i32
      %dma_wait3A_136 = arith.constant 0 : i32
      %dma_wait3A_137 = tpu.memref_slice %arg8[%dma_wait3A_135, %dma_wait3A_136] : memref<4x128xf32, #tpu.memory_space<vmem>> -> memref<1x128xf32, #tpu.memory_space<vmem>>
      %dma_wait3A_138 = tpu.memref_squeeze %dma_wait3A_137 : memref<1x128xf32, #tpu.memory_space<vmem>> -> memref<128xf32, #tpu.memory_space<vmem>>
      %dma_wait3A_139 = arith.constant 0 : i32
      %dma_wait3A_140 = tpu.memref_slice %arg6[%add3A_134, %dma_wait3A_139] : memref<80x128xi32, #tpu.memory_space<vmem>> -> memref<1x128xi32, #tpu.memory_space<vmem>>
      %dma_wait3A_141 = tpu.memref_squeeze %dma_wait3A_140 : memref<1x128xi32, #tpu.memory_space<vmem>> -> memref<128xi32, #tpu.memory_space<vmem>>
      %dma_wait3A_142 = arith.constant 0 : i32
      %dma_wait3A_143 = tpu.memref_slice %arg4[%dma_wait3A_142] : memref<10240xf32, #tpu.memory_space<hbm>> -> memref<10240xf32, #tpu.memory_space<hbm>>
      tpu.wait_indirect_dma semaphore(%arg13 : memref<!tpu.dma_semaphore, #tpu.memory_space<semaphore_mem>>) src(%dma_wait3A_143 : memref<10240xf32, #tpu.memory_space<hbm>>) dst(%dma_wait3A_138 : memref<128xf32, #tpu.memory_space<vmem>>)
      %dma_start3A_144 = arith.constant 2 : i32
      %dma_start3A_145 = arith.constant 0 : i32
      %dma_start3A_146 = tpu.memref_slice %arg8[%dma_start3A_144, %dma_start3A_145] : memref<4x128xf32, #tpu.memory_space<vmem>> -> memref<1x128xf32, #tpu.memory_space<vmem>>
      %dma_start3A_147 = tpu.memref_squeeze %dma_start3A_146 : memref<1x128xf32, #tpu.memory_space<vmem>> -> memref<128xf32, #tpu.memory_space<vmem>>
      %dma_start3A_148 = arith.constant 0 : i32
      %dma_start3A_149 = tpu.memref_slice %arg7[%add3A_134, %dma_start3A_148] : memref<80x128xi32, #tpu.memory_space<vmem>> -> memref<1x128xi32, #tpu.memory_space<vmem>>
      %dma_start3A_150 = tpu.memref_squeeze %dma_start3A_149 : memref<1x128xi32, #tpu.memory_space<vmem>> -> memref<128xi32, #tpu.memory_space<vmem>>
      %dma_start3A_151 = arith.constant 0 : i32
      %dma_start3A_152 = tpu.memref_slice %arg10[%dma_start3A_151] : memref<10240xf32, #tpu.memory_space<vmem_shared>> -> memref<10240xf32, #tpu.memory_space<vmem_shared>>
      tpu.enqueue_indirect_dma source(%dma_start3A_147 : memref<128xf32, #tpu.memory_space<vmem>>) target(%dma_start3A_152 : memref<10240xf32, #tpu.memory_space<vmem_shared>>) offsets(%dma_start3A_150 : memref<128xi32, #tpu.memory_space<vmem>>) semaphore(%arg17 : memref<!tpu.dma_semaphore, #tpu.memory_space<semaphore_mem>>) {add = true}
      %add3A_153 = arith.constant 2 : i32
      %add3A_154 = arith.addi %add3A_134, %add3A_153 : i32
      %lt3A_155 = arith.constant 80 : i32
      %lt3A_156 = arith.cmpi slt, %add3A_154, %lt3A_155 : i32
      %convert_element_type3A_157 = arith.extui %lt3A_156 : i1 to i32
      %cond3A_158 = arith.constant 0 : i32
      %cond3A_159 = arith.cmpi ne, %convert_element_type3A_157, %cond3A_158 : i32
      scf.if %cond3A_159 {
        %ge3A = arith.constant 2 : i32
        %ge3A_189 = arith.cmpi sge, %add3A_134, %ge3A : i32
        %convert_element_type3A_190 = arith.extui %ge3A_189 : i1 to i32
        %cond3A_191 = arith.constant 0 : i32
        %cond3A_192 = arith.cmpi ne, %convert_element_type3A_190, %cond3A_191 : i32
        scf.if %cond3A_192 {
          %sub3A = arith.constant 4 : i32
          %sub3A_202 = arith.subi %add3A_154, %sub3A : i32
          %dma_wait3A_203 = arith.constant 0 : i32
          %dma_wait3A_204 = arith.constant 0 : i32
          %dma_wait3A_205 = tpu.memref_slice %arg8[%dma_wait3A_203, %dma_wait3A_204] : memref<4x128xf32, #tpu.memory_space<vmem>> -> memref<1x128xf32, #tpu.memory_space<vmem>>
          %dma_wait3A_206 = tpu.memref_squeeze %dma_wait3A_205 : memref<1x128xf32, #tpu.memory_space<vmem>> -> memref<128xf32, #tpu.memory_space<vmem>>
          %dma_wait3A_207 = arith.constant 0 : i32
          %dma_wait3A_208 = tpu.memref_slice %arg7[%sub3A_202, %dma_wait3A_207] : memref<80x128xi32, #tpu.memory_space<vmem>> -> memref<1x128xi32, #tpu.memory_space<vmem>>
          %dma_wait3A_209 = tpu.memref_squeeze %dma_wait3A_208 : memref<1x128xi32, #tpu.memory_space<vmem>> -> memref<128xi32, #tpu.memory_space<vmem>>
          %dma_wait3A_210 = arith.constant 0 : i32
          %dma_wait3A_211 = tpu.memref_slice %arg10[%dma_wait3A_210] : memref<10240xf32, #tpu.memory_space<vmem_shared>> -> memref<10240xf32, #tpu.memory_space<vmem_shared>>
          tpu.wait_indirect_dma semaphore(%arg15 : memref<!tpu.dma_semaphore, #tpu.memory_space<semaphore_mem>>) src(%dma_wait3A_206 : memref<128xf32, #tpu.memory_space<vmem>>) dst(%dma_wait3A_211 : memref<10240xf32, #tpu.memory_space<vmem_shared>>)
        } else {
        }
        %dma_start3A_193 = arith.constant 0 : i32
        %dma_start3A_194 = arith.constant 0 : i32
        %dma_start3A_195 = tpu.memref_slice %arg8[%dma_start3A_193, %dma_start3A_194] : memref<4x128xf32, #tpu.memory_space<vmem>> -> memref<1x128xf32, #tpu.memory_space<vmem>>
        %dma_start3A_196 = tpu.memref_squeeze %dma_start3A_195 : memref<1x128xf32, #tpu.memory_space<vmem>> -> memref<128xf32, #tpu.memory_space<vmem>>
        %dma_start3A_197 = arith.constant 0 : i32
        %dma_start3A_198 = tpu.memref_slice %arg6[%add3A_154, %dma_start3A_197] : memref<80x128xi32, #tpu.memory_space<vmem>> -> memref<1x128xi32, #tpu.memory_space<vmem>>
        %dma_start3A_199 = tpu.memref_squeeze %dma_start3A_198 : memref<1x128xi32, #tpu.memory_space<vmem>> -> memref<128xi32, #tpu.memory_space<vmem>>
        %dma_start3A_200 = arith.constant 0 : i32
        %dma_start3A_201 = tpu.memref_slice %arg4[%dma_start3A_200] : memref<10240xf32, #tpu.memory_space<hbm>> -> memref<10240xf32, #tpu.memory_space<hbm>>
        tpu.enqueue_indirect_dma source(%dma_start3A_201 : memref<10240xf32, #tpu.memory_space<hbm>>) target(%dma_start3A_196 : memref<128xf32, #tpu.memory_space<vmem>>) offsets(%dma_start3A_199 : memref<128xi32, #tpu.memory_space<vmem>>) semaphore(%arg11 : memref<!tpu.dma_semaphore, #tpu.memory_space<semaphore_mem>>)
      } else {
      }
      %mul3A_160 = arith.constant 4 : i32
      %mul3A_161 = arith.muli %scan3A_75, %mul3A_160 : i32
      %add3A_162 = arith.constant 3 : i32
      %add3A_163 = arith.addi %mul3A_161, %add3A_162 : i32
      %dma_wait3A_164 = arith.constant 3 : i32
      %dma_wait3A_165 = arith.constant 0 : i32
      %dma_wait3A_166 = tpu.memref_slice %arg8[%dma_wait3A_164, %dma_wait3A_165] : memref<4x128xf32, #tpu.memory_space<vmem>> -> memref<1x128xf32, #tpu.memory_space<vmem>>
      %dma_wait3A_167 = tpu.memref_squeeze %dma_wait3A_166 : memref<1x128xf32, #tpu.memory_space<vmem>> -> memref<128xf32, #tpu.memory_space<vmem>>
      %dma_wait3A_168 = arith.constant 0 : i32
      %dma_wait3A_169 = tpu.memref_slice %arg6[%add3A_163, %dma_wait3A_168] : memref<80x128xi32, #tpu.memory_space<vmem>> -> memref<1x128xi32, #tpu.memory_space<vmem>>
      %dma_wait3A_170 = tpu.memref_squeeze %dma_wait3A_169 : memref<1x128xi32, #tpu.memory_space<vmem>> -> memref<128xi32, #tpu.memory_space<vmem>>
      %dma_wait3A_171 = arith.constant 0 : i32
      %dma_wait3A_172 = tpu.memref_slice %arg4[%dma_wait3A_171] : memref<10240xf32, #tpu.memory_space<hbm>> -> memref<10240xf32, #tpu.memory_space<hbm>>
      tpu.wait_indirect_dma semaphore(%arg14 : memref<!tpu.dma_semaphore, #tpu.memory_space<semaphore_mem>>) src(%dma_wait3A_172 : memref<10240xf32, #tpu.memory_space<hbm>>) dst(%dma_wait3A_167 : memref<128xf32, #tpu.memory_space<vmem>>)
      %dma_start3A_173 = arith.constant 3 : i32
      %dma_start3A_174 = arith.constant 0 : i32
      %dma_start3A_175 = tpu.memref_slice %arg8[%dma_start3A_173, %dma_start3A_174] : memref<4x128xf32, #tpu.memory_space<vmem>> -> memref<1x128xf32, #tpu.memory_space<vmem>>
      %dma_start3A_176 = tpu.memref_squeeze %dma_start3A_175 : memref<1x128xf32, #tpu.memory_space<vmem>> -> memref<128xf32, #tpu.memory_space<vmem>>
      %dma_start3A_177 = arith.constant 0 : i32
      %dma_start3A_178 = tpu.memref_slice %arg7[%add3A_163, %dma_start3A_177] : memref<80x128xi32, #tpu.memory_space<vmem>> -> memref<1x128xi32, #tpu.memory_space<vmem>>
      %dma_start3A_179 = tpu.memref_squeeze %dma_start3A_178 : memref<1x128xi32, #tpu.memory_space<vmem>> -> memref<128xi32, #tpu.memory_space<vmem>>
      %dma_start3A_180 = arith.constant 0 : i32
      %dma_start3A_181 = tpu.memref_slice %arg10[%dma_start3A_180] : memref<10240xf32, #tpu.memory_space<vmem_shared>> -> memref<10240xf32, #tpu.memory_space<vmem_shared>>
      tpu.enqueue_indirect_dma source(%dma_start3A_176 : memref<128xf32, #tpu.memory_space<vmem>>) target(%dma_start3A_181 : memref<10240xf32, #tpu.memory_space<vmem_shared>>) offsets(%dma_start3A_179 : memref<128xi32, #tpu.memory_space<vmem>>) semaphore(%arg18 : memref<!tpu.dma_semaphore, #tpu.memory_space<semaphore_mem>>) {add = true}
      %add3A_182 = arith.constant 2 : i32
      %add3A_183 = arith.addi %add3A_163, %add3A_182 : i32
      %lt3A_184 = arith.constant 80 : i32
      %lt3A_185 = arith.cmpi slt, %add3A_183, %lt3A_184 : i32
      %convert_element_type3A_186 = arith.extui %lt3A_185 : i1 to i32
      %cond3A_187 = arith.constant 0 : i32
      %cond3A_188 = arith.cmpi ne, %convert_element_type3A_186, %cond3A_187 : i32
      scf.if %cond3A_188 {
        %ge3A = arith.constant 2 : i32
        %ge3A_189 = arith.cmpi sge, %add3A_163, %ge3A : i32
        %convert_element_type3A_190 = arith.extui %ge3A_189 : i1 to i32
        %cond3A_191 = arith.constant 0 : i32
        %cond3A_192 = arith.cmpi ne, %convert_element_type3A_190, %cond3A_191 : i32
        scf.if %cond3A_192 {
          %sub3A = arith.constant 4 : i32
          %sub3A_202 = arith.subi %add3A_183, %sub3A : i32
          %dma_wait3A_203 = arith.constant 1 : i32
          %dma_wait3A_204 = arith.constant 0 : i32
          %dma_wait3A_205 = tpu.memref_slice %arg8[%dma_wait3A_203, %dma_wait3A_204] : memref<4x128xf32, #tpu.memory_space<vmem>> -> memref<1x128xf32, #tpu.memory_space<vmem>>
          %dma_wait3A_206 = tpu.memref_squeeze %dma_wait3A_205 : memref<1x128xf32, #tpu.memory_space<vmem>> -> memref<128xf32, #tpu.memory_space<vmem>>
          %dma_wait3A_207 = arith.constant 0 : i32
          %dma_wait3A_208 = tpu.memref_slice %arg7[%sub3A_202, %dma_wait3A_207] : memref<80x128xi32, #tpu.memory_space<vmem>> -> memref<1x128xi32, #tpu.memory_space<vmem>>
          %dma_wait3A_209 = tpu.memref_squeeze %dma_wait3A_208 : memref<1x128xi32, #tpu.memory_space<vmem>> -> memref<128xi32, #tpu.memory_space<vmem>>
          %dma_wait3A_210 = arith.constant 0 : i32
          %dma_wait3A_211 = tpu.memref_slice %arg10[%dma_wait3A_210] : memref<10240xf32, #tpu.memory_space<vmem_shared>> -> memref<10240xf32, #tpu.memory_space<vmem_shared>>
          tpu.wait_indirect_dma semaphore(%arg16 : memref<!tpu.dma_semaphore, #tpu.memory_space<semaphore_mem>>) src(%dma_wait3A_206 : memref<128xf32, #tpu.memory_space<vmem>>) dst(%dma_wait3A_211 : memref<10240xf32, #tpu.memory_space<vmem_shared>>)
        } else {
        }
        %dma_start3A_193 = arith.constant 1 : i32
        %dma_start3A_194 = arith.constant 0 : i32
        %dma_start3A_195 = tpu.memref_slice %arg8[%dma_start3A_193, %dma_start3A_194] : memref<4x128xf32, #tpu.memory_space<vmem>> -> memref<1x128xf32, #tpu.memory_space<vmem>>
        %dma_start3A_196 = tpu.memref_squeeze %dma_start3A_195 : memref<1x128xf32, #tpu.memory_space<vmem>> -> memref<128xf32, #tpu.memory_space<vmem>>
        %dma_start3A_197 = arith.constant 0 : i32
        %dma_start3A_198 = tpu.memref_slice %arg6[%add3A_183, %dma_start3A_197] : memref<80x128xi32, #tpu.memory_space<vmem>> -> memref<1x128xi32, #tpu.memory_space<vmem>>
        %dma_start3A_199 = tpu.memref_squeeze %dma_start3A_198 : memref<1x128xi32, #tpu.memory_space<vmem>> -> memref<128xi32, #tpu.memory_space<vmem>>
        %dma_start3A_200 = arith.constant 0 : i32
        %dma_start3A_201 = tpu.memref_slice %arg4[%dma_start3A_200] : memref<10240xf32, #tpu.memory_space<hbm>> -> memref<10240xf32, #tpu.memory_space<hbm>>
        tpu.enqueue_indirect_dma source(%dma_start3A_201 : memref<10240xf32, #tpu.memory_space<hbm>>) target(%dma_start3A_196 : memref<128xf32, #tpu.memory_space<vmem>>) offsets(%dma_start3A_199 : memref<128xi32, #tpu.memory_space<vmem>>) semaphore(%arg12 : memref<!tpu.dma_semaphore, #tpu.memory_space<semaphore_mem>>)
      } else {
      }
    }
    %scan3A_34 = arith.constant 20 : i32
    %dma_wait3A = arith.constant 0 : i32
    %dma_wait3A_35 = arith.constant 76 : i32
    %dma_wait3A_36 = arith.constant 0 : i32
    %dma_wait3A_37 = tpu.memref_slice %arg8[%dma_wait3A, %dma_wait3A_36] : memref<4x128xf32, #tpu.memory_space<vmem>> -> memref<1x128xf32, #tpu.memory_space<vmem>>
    %dma_wait3A_38 = tpu.memref_squeeze %dma_wait3A_37 : memref<1x128xf32, #tpu.memory_space<vmem>> -> memref<128xf32, #tpu.memory_space<vmem>>
    %dma_wait3A_39 = arith.constant 0 : i32
    %dma_wait3A_40 = tpu.memref_slice %arg7[%dma_wait3A_35, %dma_wait3A_39] : memref<80x128xi32, #tpu.memory_space<vmem>> -> memref<1x128xi32, #tpu.memory_space<vmem>>
    %dma_wait3A_41 = tpu.memref_squeeze %dma_wait3A_40 : memref<1x128xi32, #tpu.memory_space<vmem>> -> memref<128xi32, #tpu.memory_space<vmem>>
    %dma_wait3A_42 = arith.constant 0 : i32
    %dma_wait3A_43 = tpu.memref_slice %arg10[%dma_wait3A_42] : memref<10240xf32, #tpu.memory_space<vmem_shared>> -> memref<10240xf32, #tpu.memory_space<vmem_shared>>
    tpu.wait_indirect_dma semaphore(%arg15 : memref<!tpu.dma_semaphore, #tpu.memory_space<semaphore_mem>>) src(%dma_wait3A_38 : memref<128xf32, #tpu.memory_space<vmem>>) dst(%dma_wait3A_43 : memref<10240xf32, #tpu.memory_space<vmem_shared>>)
    %dma_wait3A_44 = arith.constant 1 : i32
    %dma_wait3A_45 = arith.constant 77 : i32
    %dma_wait3A_46 = arith.constant 0 : i32
    %dma_wait3A_47 = tpu.memref_slice %arg8[%dma_wait3A_44, %dma_wait3A_46] : memref<4x128xf32, #tpu.memory_space<vmem>> -> memref<1x128xf32, #tpu.memory_space<vmem>>
    %dma_wait3A_48 = tpu.memref_squeeze %dma_wait3A_47 : memref<1x128xf32, #tpu.memory_space<vmem>> -> memref<128xf32, #tpu.memory_space<vmem>>
    %dma_wait3A_49 = arith.constant 0 : i32
    %dma_wait3A_50 = tpu.memref_slice %arg7[%dma_wait3A_45, %dma_wait3A_49] : memref<80x128xi32, #tpu.memory_space<vmem>> -> memref<1x128xi32, #tpu.memory_space<vmem>>
    %dma_wait3A_51 = tpu.memref_squeeze %dma_wait3A_50 : memref<1x128xi32, #tpu.memory_space<vmem>> -> memref<128xi32, #tpu.memory_space<vmem>>
    %dma_wait3A_52 = arith.constant 0 : i32
    %dma_wait3A_53 = tpu.memref_slice %arg10[%dma_wait3A_52] : memref<10240xf32, #tpu.memory_space<vmem_shared>> -> memref<10240xf32, #tpu.memory_space<vmem_shared>>
    tpu.wait_indirect_dma semaphore(%arg16 : memref<!tpu.dma_semaphore, #tpu.memory_space<semaphore_mem>>) src(%dma_wait3A_48 : memref<128xf32, #tpu.memory_space<vmem>>) dst(%dma_wait3A_53 : memref<10240xf32, #tpu.memory_space<vmem_shared>>)
    %dma_wait3A_54 = arith.constant 2 : i32
    %dma_wait3A_55 = arith.constant 78 : i32
    %dma_wait3A_56 = arith.constant 0 : i32
    %dma_wait3A_57 = tpu.memref_slice %arg8[%dma_wait3A_54, %dma_wait3A_56] : memref<4x128xf32, #tpu.memory_space<vmem>> -> memref<1x128xf32, #tpu.memory_space<vmem>>
    %dma_wait3A_58 = tpu.memref_squeeze %dma_wait3A_57 : memref<1x128xf32, #tpu.memory_space<vmem>> -> memref<128xf32, #tpu.memory_space<vmem>>
    %dma_wait3A_59 = arith.constant 0 : i32
    %dma_wait3A_60 = tpu.memref_slice %arg7[%dma_wait3A_55, %dma_wait3A_59] : memref<80x128xi32, #tpu.memory_space<vmem>> -> memref<1x128xi32, #tpu.memory_space<vmem>>
    %dma_wait3A_61 = tpu.memref_squeeze %dma_wait3A_60 : memref<1x128xi32, #tpu.memory_space<vmem>> -> memref<128xi32, #tpu.memory_space<vmem>>
    %dma_wait3A_62 = arith.constant 0 : i32
    %dma_wait3A_63 = tpu.memref_slice %arg10[%dma_wait3A_62] : memref<10240xf32, #tpu.memory_space<vmem_shared>> -> memref<10240xf32, #tpu.memory_space<vmem_shared>>
    tpu.wait_indirect_dma semaphore(%arg17 : memref<!tpu.dma_semaphore, #tpu.memory_space<semaphore_mem>>) src(%dma_wait3A_58 : memref<128xf32, #tpu.memory_space<vmem>>) dst(%dma_wait3A_63 : memref<10240xf32, #tpu.memory_space<vmem_shared>>)
    %dma_wait3A_64 = arith.constant 3 : i32
    %dma_wait3A_65 = arith.constant 79 : i32
    %dma_wait3A_66 = arith.constant 0 : i32
    %dma_wait3A_67 = tpu.memref_slice %arg8[%dma_wait3A_64, %dma_wait3A_66] : memref<4x128xf32, #tpu.memory_space<vmem>> -> memref<1x128xf32, #tpu.memory_space<vmem>>
    %dma_wait3A_68 = tpu.memref_squeeze %dma_wait3A_67 : memref<1x128xf32, #tpu.memory_space<vmem>> -> memref<128xf32, #tpu.memory_space<vmem>>
    %dma_wait3A_69 = arith.constant 0 : i32
    %dma_wait3A_70 = tpu.memref_slice %arg7[%dma_wait3A_65, %dma_wait3A_69] : memref<80x128xi32, #tpu.memory_space<vmem>> -> memref<1x128xi32, #tpu.memory_space<vmem>>
    %dma_wait3A_71 = tpu.memref_squeeze %dma_wait3A_70 : memref<1x128xi32, #tpu.memory_space<vmem>> -> memref<128xi32, #tpu.memory_space<vmem>>
    %dma_wait3A_72 = arith.constant 0 : i32
    %dma_wait3A_73 = tpu.memref_slice %arg10[%dma_wait3A_72] : memref<10240xf32, #tpu.memory_space<vmem_shared>> -> memref<10240xf32, #tpu.memory_space<vmem_shared>>
    tpu.wait_indirect_dma semaphore(%arg18 : memref<!tpu.dma_semaphore, #tpu.memory_space<semaphore_mem>>) src(%dma_wait3A_68 : memref<128xf32, #tpu.memory_space<vmem>>) dst(%dma_wait3A_73 : memref<10240xf32, #tpu.memory_space<vmem_shared>>)
    %barrier3A_74 = arith.constant 0 : index
    tpu.barrier barrier_id(%barrier3A_74)
    "tpu.region"() ({
      %run_scoped3A = tpu.sem_alloc : memref<!tpu.dma_semaphore, #tpu.memory_space<semaphore_mem>>
      %dma_start3A_75 = tpu.memref_slice %arg5[%arg0, %mul3A_2] : memref<2x10240xf32, #tpu.memory_space<hbm>> -> memref<1x640xf32, #tpu.memory_space<hbm>>
      %dma_start3A_76 = tpu.memref_squeeze %dma_start3A_75 : memref<1x640xf32, #tpu.memory_space<hbm>> -> memref<640xf32, #tpu.memory_space<hbm>>
      %dma_start3A_77 = tpu.memref_slice %arg10[%mul3A_2] : memref<10240xf32, #tpu.memory_space<vmem_shared>> -> memref<640xf32, #tpu.memory_space<vmem_shared>>
      tpu.enqueue_dma source(%dma_start3A_77 : memref<640xf32, #tpu.memory_space<vmem_shared>>) target(%dma_start3A_76 : memref<640xf32, #tpu.memory_space<hbm>>) target_semaphore(%run_scoped3A : memref<!tpu.dma_semaphore, #tpu.memory_space<semaphore_mem>>)
      %dma_wait3A_78 = tpu.memref_slice %arg5[%arg0, %mul3A_2] : memref<2x10240xf32, #tpu.memory_space<hbm>> -> memref<1x640xf32, #tpu.memory_space<hbm>>
      %dma_wait3A_79 = tpu.memref_squeeze %dma_wait3A_78 : memref<1x640xf32, #tpu.memory_space<hbm>> -> memref<640xf32, #tpu.memory_space<hbm>>
      %dma_wait3A_80 = tpu.memref_slice %arg10[%mul3A_2] : memref<10240xf32, #tpu.memory_space<vmem_shared>> -> memref<640xf32, #tpu.memory_space<vmem_shared>>
      tpu.wait_dma2 semaphore(%run_scoped3A : memref<!tpu.dma_semaphore, #tpu.memory_space<semaphore_mem>>) src(%dma_wait3A_80 : memref<640xf32, #tpu.memory_space<vmem_shared>>) dst(%dma_wait3A_79 : memref<640xf32, #tpu.memory_space<hbm>>)
      tpu.yield
    }) : () -> ()
    return
  }
}

#map = affine_map<(d0, d1) -> (0, 0)>
module attributes {stable_mosaic.version = 14 : i64} {
  func.func @deg_kernel(%arg0: i32, %arg1: i32, %arg2: memref<2560x128xi32, #tpu.memory_space<hbm>>, %arg3: memref<2x10240xf32, #tpu.memory_space<hbm>>, %arg4: memref<80x128xi32, #tpu.memory_space<vmem>>, %arg5: memref<128xf32, #tpu.memory_space<vmem>>, %arg6: memref<640xf32, #tpu.memory_space<vmem>>, %arg7: memref<10240xf32, #tpu.memory_space<vmem_shared>>, %arg8: memref<!tpu.dma_semaphore, #tpu.memory_space<semaphore_mem>>) attributes {dimension_semantics = [#tpu.dimension_semantics<core_parallel>, #tpu.dimension_semantics<subcore_parallel>], iteration_bounds = array<i64: 2, 16>, scalar_prefetch = 0 : i64, scratch_operands = 5 : i64, tpu.core_type = #tpu.core_type<sc_vector_subcore>, window_params = [{transform_indices = #map}, {transform_indices = #map}]} {
    %mul3A = arith.constant 16 : i32
    %mul3A_0 = arith.muli %arg0, %mul3A : i32
    %add3A = arith.addi %mul3A_0, %arg1 : i32
    %mul3A_1 = arith.constant 640 : i32
    %mul3A_2 = arith.muli %arg1, %mul3A_1 : i32
    %scan3A = arith.constant 0 : i32
    %scan3A_3 = arith.constant 8 : i32
    %scan3A_4 = arith.addi %scan3A, %scan3A_3 : i32
    %scan3A_5 = arith.constant 1 : i32
    scf.for %scan3A_20 = %scan3A to %scan3A_4 step %scan3A_5  : i32 {
      %broadcast_in_dim3A = arith.constant 1.000000e+00 : f32
      %broadcast_in_dim3A_21 = vector.broadcast %broadcast_in_dim3A : f32 to vector<16xf32>
      %mul3A_22 = arith.constant 16 : i32
      %mul3A_23 = arith.muli %scan3A_20, %mul3A_22 : i32
      %swap3A = arith.index_cast %mul3A_23 : i32 to index
      %swap3A_24 = tpu.vector_load %arg5[%swap3A] {strides = array<i32>} : memref<128xf32, #tpu.memory_space<vmem>>, vector<16xf32>,
      %swap3A_25 = vector.shape_cast %swap3A_24 : vector<16xf32> to vector<16xf32>
      %swap3A_26 = vector.shape_cast %broadcast_in_dim3A_21 : vector<16xf32> to vector<16xf32>
      tpu.vector_store %arg5[%swap3A], %swap3A_26 {strides = array<i32>} : memref<128xf32, #tpu.memory_space<vmem>>, vector<16xf32>,
    }
    %scan3A_6 = arith.constant 8 : i32
    %scan3A_7 = arith.constant 0 : i32
    %scan3A_8 = arith.constant 40 : i32
    %scan3A_9 = arith.addi %scan3A_7, %scan3A_8 : i32
    %scan3A_10 = arith.constant 1 : i32
    scf.for %scan3A_20 = %scan3A_7 to %scan3A_9 step %scan3A_10  : i32 {
      %broadcast_in_dim3A = arith.constant 0.000000e+00 : f32
      %broadcast_in_dim3A_21 = vector.broadcast %broadcast_in_dim3A : f32 to vector<16xf32>
      %mul3A_22 = arith.constant 16 : i32
      %mul3A_23 = arith.muli %scan3A_20, %mul3A_22 : i32
      %swap3A = arith.index_cast %mul3A_23 : i32 to index
      %swap3A_24 = tpu.vector_load %arg6[%swap3A] {strides = array<i32>} : memref<640xf32, #tpu.memory_space<vmem>>, vector<16xf32>,
      %swap3A_25 = vector.shape_cast %swap3A_24 : vector<16xf32> to vector<16xf32>
      %swap3A_26 = vector.shape_cast %broadcast_in_dim3A_21 : vector<16xf32> to vector<16xf32>
      tpu.vector_store %arg6[%swap3A], %swap3A_26 {strides = array<i32>} : memref<640xf32, #tpu.memory_space<vmem>>, vector<16xf32>,
    }
    %scan3A_11 = arith.constant 40 : i32
    "tpu.region"() ({
      %run_scoped3A = tpu.sem_alloc : memref<!tpu.dma_semaphore, #tpu.memory_space<semaphore_mem>>
      %dma_start3A = tpu.memref_slice %arg7[%mul3A_2] : memref<10240xf32, #tpu.memory_space<vmem_shared>> -> memref<640xf32, #tpu.memory_space<vmem_shared>>
      %dma_start3A_20 = tpu.memref_slice %arg7[%mul3A_2] : memref<10240xf32, #tpu.memory_space<vmem_shared>> -> memref<640xf32, #tpu.memory_space<vmem_shared>>
      tpu.enqueue_dma source(%arg6 : memref<640xf32, #tpu.memory_space<vmem>>) target(%dma_start3A_20 : memref<640xf32, #tpu.memory_space<vmem_shared>>) target_semaphore(%run_scoped3A : memref<!tpu.dma_semaphore, #tpu.memory_space<semaphore_mem>>)
      %dma_wait3A = tpu.memref_slice %arg7[%mul3A_2] : memref<10240xf32, #tpu.memory_space<vmem_shared>> -> memref<640xf32, #tpu.memory_space<vmem_shared>>
      %dma_wait3A_21 = tpu.memref_slice %arg7[%mul3A_2] : memref<10240xf32, #tpu.memory_space<vmem_shared>> -> memref<640xf32, #tpu.memory_space<vmem_shared>>
      tpu.wait_dma2 semaphore(%run_scoped3A : memref<!tpu.dma_semaphore, #tpu.memory_space<semaphore_mem>>) src(%arg6 : memref<640xf32, #tpu.memory_space<vmem>>) dst(%dma_wait3A_21 : memref<640xf32, #tpu.memory_space<vmem_shared>>)
      tpu.yield
    }) : () -> ()
    %barrier3A = arith.constant 0 : index
    tpu.barrier barrier_id(%barrier3A)
    %mul3A_12 = arith.constant 80 : i32
    %mul3A_13 = arith.muli %add3A, %mul3A_12 : i32
    "tpu.region"() ({
      %run_scoped3A = tpu.sem_alloc : memref<!tpu.dma_semaphore, #tpu.memory_space<semaphore_mem>>
      %dma_start3A = arith.constant 0 : i32
      %dma_start3A_20 = tpu.memref_slice %arg2[%mul3A_13, %dma_start3A] : memref<2560x128xi32, #tpu.memory_space<hbm>> -> memref<80x128xi32, #tpu.memory_space<hbm>>
      %dma_start3A_21 = arith.constant 0 : i32
      %dma_start3A_22 = tpu.memref_slice %arg2[%mul3A_13, %dma_start3A_21] : memref<2560x128xi32, #tpu.memory_space<hbm>> -> memref<80x128xi32, #tpu.memory_space<hbm>>
      tpu.enqueue_dma source(%dma_start3A_22 : memref<80x128xi32, #tpu.memory_space<hbm>>) target(%arg4 : memref<80x128xi32, #tpu.memory_space<vmem>>) target_semaphore(%run_scoped3A : memref<!tpu.dma_semaphore, #tpu.memory_space<semaphore_mem>>)
      %dma_wait3A = arith.constant 0 : i32
      %dma_wait3A_23 = tpu.memref_slice %arg2[%mul3A_13, %dma_wait3A] : memref<2560x128xi32, #tpu.memory_space<hbm>> -> memref<80x128xi32, #tpu.memory_space<hbm>>
      %dma_wait3A_24 = arith.constant 0 : i32
      %dma_wait3A_25 = tpu.memref_slice %arg2[%mul3A_13, %dma_wait3A_24] : memref<2560x128xi32, #tpu.memory_space<hbm>> -> memref<80x128xi32, #tpu.memory_space<hbm>>
      tpu.wait_dma2 semaphore(%run_scoped3A : memref<!tpu.dma_semaphore, #tpu.memory_space<semaphore_mem>>) src(%dma_wait3A_25 : memref<80x128xi32, #tpu.memory_space<hbm>>) dst(%arg4 : memref<80x128xi32, #tpu.memory_space<vmem>>)
      tpu.yield
    }) : () -> ()
    %scan3A_14 = arith.constant 0 : i32
    %scan3A_15 = arith.constant 5 : i32
    %scan3A_16 = arith.addi %scan3A_14, %scan3A_15 : i32
    %scan3A_17 = arith.constant 1 : i32
    scf.for %scan3A_20 = %scan3A_14 to %scan3A_16 step %scan3A_17  : i32 {
      %scan3A_21 = arith.constant 0 : i32
      %scan3A_22 = arith.constant 16 : i32
      %scan3A_23 = arith.addi %scan3A_21, %scan3A_22 : i32
      %scan3A_24 = arith.constant 1 : i32
      scf.for %scan3A_31 = %scan3A_21 to %scan3A_23 step %scan3A_24  : i32 {
        %mul3A_32 = arith.constant 16 : i32
        %mul3A_33 = arith.muli %scan3A_20, %mul3A_32 : i32
        %add3A_34 = arith.addi %mul3A_33, %scan3A_31 : i32
        %dma_start3A = arith.constant 0 : i32
        %dma_start3A_35 = tpu.memref_slice %arg4[%add3A_34, %dma_start3A] : memref<80x128xi32, #tpu.memory_space<vmem>> -> memref<1x128xi32, #tpu.memory_space<vmem>>
        %dma_start3A_36 = tpu.memref_squeeze %dma_start3A_35 : memref<1x128xi32, #tpu.memory_space<vmem>> -> memref<128xi32, #tpu.memory_space<vmem>>
        %dma_start3A_37 = arith.constant 0 : i32
        %dma_start3A_38 = tpu.memref_slice %arg7[%dma_start3A_37] : memref<10240xf32, #tpu.memory_space<vmem_shared>> -> memref<10240xf32, #tpu.memory_space<vmem_shared>>
        tpu.enqueue_indirect_dma source(%arg5 : memref<128xf32, #tpu.memory_space<vmem>>) target(%dma_start3A_38 : memref<10240xf32, #tpu.memory_space<vmem_shared>>) offsets(%dma_start3A_36 : memref<128xi32, #tpu.memory_space<vmem>>) semaphore(%arg8 : memref<!tpu.dma_semaphore, #tpu.memory_space<semaphore_mem>>) {add = true}
      }
      %scan3A_25 = arith.constant 16 : i32
      %scan3A_26 = arith.constant 0 : i32
      %scan3A_27 = arith.constant 16 : i32
      %scan3A_28 = arith.addi %scan3A_26, %scan3A_27 : i32
      %scan3A_29 = arith.constant 1 : i32
      scf.for %scan3A_31 = %scan3A_26 to %scan3A_28 step %scan3A_29  : i32 {
        %mul3A_32 = arith.constant 16 : i32
        %mul3A_33 = arith.muli %scan3A_20, %mul3A_32 : i32
        %add3A_34 = arith.addi %mul3A_33, %scan3A_31 : i32
        %dma_wait3A = arith.constant 0 : i32
        %dma_wait3A_35 = tpu.memref_slice %arg4[%add3A_34, %dma_wait3A] : memref<80x128xi32, #tpu.memory_space<vmem>> -> memref<1x128xi32, #tpu.memory_space<vmem>>
        %dma_wait3A_36 = tpu.memref_squeeze %dma_wait3A_35 : memref<1x128xi32, #tpu.memory_space<vmem>> -> memref<128xi32, #tpu.memory_space<vmem>>
        %dma_wait3A_37 = arith.constant 0 : i32
        %dma_wait3A_38 = tpu.memref_slice %arg7[%dma_wait3A_37] : memref<10240xf32, #tpu.memory_space<vmem_shared>> -> memref<10240xf32, #tpu.memory_space<vmem_shared>>
        tpu.wait_indirect_dma semaphore(%arg8 : memref<!tpu.dma_semaphore, #tpu.memory_space<semaphore_mem>>) src(%arg5 : memref<128xf32, #tpu.memory_space<vmem>>) dst(%dma_wait3A_38 : memref<10240xf32, #tpu.memory_space<vmem_shared>>)
      }
      %scan3A_30 = arith.constant 16 : i32
    }
    %scan3A_18 = arith.constant 5 : i32
    %barrier3A_19 = arith.constant 0 : index
    tpu.barrier barrier_id(%barrier3A_19)
    "tpu.region"() ({
      %run_scoped3A = tpu.sem_alloc : memref<!tpu.dma_semaphore, #tpu.memory_space<semaphore_mem>>
      %dma_start3A = tpu.memref_slice %arg3[%arg0, %mul3A_2] : memref<2x10240xf32, #tpu.memory_space<hbm>> -> memref<1x640xf32, #tpu.memory_space<hbm>>
      %dma_start3A_20 = tpu.memref_squeeze %dma_start3A : memref<1x640xf32, #tpu.memory_space<hbm>> -> memref<640xf32, #tpu.memory_space<hbm>>
      %dma_start3A_21 = tpu.memref_slice %arg7[%mul3A_2] : memref<10240xf32, #tpu.memory_space<vmem_shared>> -> memref<640xf32, #tpu.memory_space<vmem_shared>>
      tpu.enqueue_dma source(%dma_start3A_21 : memref<640xf32, #tpu.memory_space<vmem_shared>>) target(%dma_start3A_20 : memref<640xf32, #tpu.memory_space<hbm>>) target_semaphore(%run_scoped3A : memref<!tpu.dma_semaphore, #tpu.memory_space<semaphore_mem>>)
      %dma_wait3A = tpu.memref_slice %arg3[%arg0, %mul3A_2] : memref<2x10240xf32, #tpu.memory_space<hbm>> -> memref<1x640xf32, #tpu.memory_space<hbm>>
      %dma_wait3A_22 = tpu.memref_squeeze %dma_wait3A : memref<1x640xf32, #tpu.memory_space<hbm>> -> memref<640xf32, #tpu.memory_space<hbm>>
      %dma_wait3A_23 = tpu.memref_slice %arg7[%mul3A_2] : memref<10240xf32, #tpu.memory_space<vmem_shared>> -> memref<640xf32, #tpu.memory_space<vmem_shared>>
      tpu.wait_dma2 semaphore(%run_scoped3A : memref<!tpu.dma_semaphore, #tpu.memory_space<semaphore_mem>>) src(%dma_wait3A_23 : memref<640xf32, #tpu.memory_space<vmem_shared>>) dst(%dma_wait3A_22 : memref<640xf32, #tpu.memory_space<hbm>>)
      tpu.yield
    }) : () -> ()
    return
  }
}

#map = affine_map<(d0, d1) -> (0, 0)>
#map1 = affine_map<(d0, d1) -> (0, 0, 0)>
module attributes {stable_mosaic.version = 14 : i64} {
  func.func @agg_kernel(%arg0: i32, %arg1: i32, %arg2: memref<2560x128xi32, #tpu.memory_space<hbm>>, %arg3: memref<2560x128xi32, #tpu.memory_space<hbm>>, %arg4: memref<10240x16xf32, #tpu.memory_space<hbm>>, %arg5: memref<2x10240x16xf32, #tpu.memory_space<hbm>>, %arg6: memref<80x128xi32, #tpu.memory_space<vmem>>, %arg7: memref<80x128xi32, #tpu.memory_space<vmem>>, %arg8: memref<4x128x16xf32, #tpu.memory_space<vmem>>, %arg9: memref<128x16xf32, #tpu.memory_space<vmem>>, %arg10: memref<10240x16xf32, #tpu.memory_space<vmem_shared>>, %arg11: memref<!tpu.dma_semaphore, #tpu.memory_space<semaphore_mem>>, %arg12: memref<!tpu.dma_semaphore, #tpu.memory_space<semaphore_mem>>, %arg13: memref<!tpu.dma_semaphore, #tpu.memory_space<semaphore_mem>>, %arg14: memref<!tpu.dma_semaphore, #tpu.memory_space<semaphore_mem>>, %arg15: memref<!tpu.dma_semaphore, #tpu.memory_space<semaphore_mem>>, %arg16: memref<!tpu.dma_semaphore, #tpu.memory_space<semaphore_mem>>, %arg17: memref<!tpu.dma_semaphore, #tpu.memory_space<semaphore_mem>>, %arg18: memref<!tpu.dma_semaphore, #tpu.memory_space<semaphore_mem>>) attributes {dimension_semantics = [#tpu.dimension_semantics<core_parallel>, #tpu.dimension_semantics<subcore_parallel>], iteration_bounds = array<i64: 2, 16>, scalar_prefetch = 0 : i64, scratch_operands = 13 : i64, tpu.core_type = #tpu.core_type<sc_vector_subcore>, window_params = [{transform_indices = #map}, {transform_indices = #map}, {transform_indices = #map}, {transform_indices = #map1}]} {
    %mul3A = arith.constant 16 : i32
    %mul3A_0 = arith.muli %arg0, %mul3A : i32
    %add3A = arith.addi %mul3A_0, %arg1 : i32
    %mul3A_1 = arith.constant 640 : i32
    %mul3A_2 = arith.muli %arg1, %mul3A_1 : i32
    %scan3A = arith.constant 0 : i32
    %scan3A_3 = arith.constant 128 : i32
    %scan3A_4 = arith.addi %scan3A, %scan3A_3 : i32
    %scan3A_5 = arith.constant 1 : i32
    scf.for %scan3A_97 = %scan3A to %scan3A_4 step %scan3A_5  : i32 {
      %jit3A = arith.constant 1 : i32
      %div3A = arith.divsi %scan3A_97, %jit3A : i32
      %sign3A = arith.constant 0 : i32
      %sign3A_98 = arith.cmpi sgt, %scan3A_97, %sign3A : i32
      %sign3A_99 = arith.extui %sign3A_98 : i1 to i32
      %sign3A_100 = arith.constant 0 : i32
      %sign3A_101 = arith.cmpi slt, %scan3A_97, %sign3A_100 : i32
      %sign3A_102 = arith.extui %sign3A_101 : i1 to i32
      %sign3A_103 = arith.subi %sign3A_99, %sign3A_102 : i32
      %sign3A_104 = arith.constant 0 : i32
      %sign3A_105 = arith.cmpi sgt, %jit3A, %sign3A_104 : i32
      %sign3A_106 = arith.extui %sign3A_105 : i1 to i32
      %sign3A_107 = arith.constant 0 : i32
      %sign3A_108 = arith.cmpi slt, %jit3A, %sign3A_107 : i32
      %sign3A_109 = arith.extui %sign3A_108 : i1 to i32
      %sign3A_110 = arith.subi %sign3A_106, %sign3A_109 : i32
      %ne3A = arith.cmpi ne, %sign3A_103, %sign3A_110 : i32
      %rem3A = arith.remsi %scan3A_97, %jit3A : i32
      %ne3A_111 = arith.constant 0 : i32
      %ne3A_112 = arith.cmpi ne, %rem3A, %ne3A_111 : i32
      %and3A = arith.andi %ne3A, %ne3A_112 : i1
      %sub3A = arith.constant 1 : i32
      %sub3A_113 = arith.subi %div3A, %sub3A : i32
      %select_n3A = arith.select %and3A, %sub3A_113, %div3A : i32
      %jit3A_114 = arith.constant 1 : i32
      %eq3A = arith.constant 0 : i32
      %eq3A_115 = arith.cmpi eq, %jit3A_114, %eq3A : i32
      %jit3A_116 = arith.constant 1 : i32
      %select_n3A_117 = arith.select %eq3A_115, %jit3A_116, %jit3A_114 : i32
      %rem3A_118 = arith.remsi %scan3A_97, %select_n3A_117 : i32
      %ne3A_119 = arith.constant 0 : i32
      %ne3A_120 = arith.cmpi ne, %rem3A_118, %ne3A_119 : i32
      %lt3A = arith.constant 0 : i32
      %lt3A_121 = arith.cmpi slt, %rem3A_118, %lt3A : i32
      %lt3A_122 = arith.constant 0 : i32
      %lt3A_123 = arith.cmpi slt, %select_n3A_117, %lt3A_122 : i32
      %ne3A_124 = arith.xori %lt3A_121, %lt3A_123 : i1
      %and3A_125 = arith.andi %ne3A_124, %ne3A_120 : i1
      %add3A_126 = arith.addi %rem3A_118, %select_n3A_117 : i32
      %select_n3A_127 = arith.select %and3A_125, %add3A_126, %rem3A_118 : i32
      %broadcast_in_dim3A = arith.constant 0.000000e+00 : f32
      %broadcast_in_dim3A_128 = vector.broadcast %broadcast_in_dim3A : f32 to vector<16xf32>
      %mul3A_129 = arith.constant 16 : i32
      %mul3A_130 = arith.muli %select_n3A_127, %mul3A_129 : i32
      %swap3A = arith.index_cast %select_n3A : i32 to index
      %swap3A_131 = arith.index_cast %mul3A_130 : i32 to index
      %swap3A_132 = tpu.vector_load %arg9[%swap3A, %swap3A_131] {strides = array<i32>} : memref<128x16xf32, #tpu.memory_space<vmem>>, vector<1x16xf32>,
      %swap3A_133 = vector.shape_cast %swap3A_132 : vector<1x16xf32> to vector<16xf32>
      %swap3A_134 = vector.shape_cast %broadcast_in_dim3A_128 : vector<16xf32> to vector<1x16xf32>
      tpu.vector_store %arg9[%swap3A, %swap3A_131], %swap3A_134 {strides = array<i32>} : memref<128x16xf32, #tpu.memory_space<vmem>>, vector<1x16xf32>,
    }
    %scan3A_6 = arith.constant 128 : i32
    %add3A_7 = arith.constant 0 : i32
    %add3A_8 = arith.addi %mul3A_2, %add3A_7 : i32
    "tpu.region"() ({
      %run_scoped3A = tpu.sem_alloc : memref<!tpu.dma_semaphore, #tpu.memory_space<semaphore_mem>>
      %dma_start3A_97 = arith.constant 0 : i32
      %dma_start3A_98 = tpu.memref_slice %arg10[%add3A_8, %dma_start3A_97] : memref<10240x16xf32, #tpu.memory_space<vmem_shared>> -> memref<128x16xf32, #tpu.memory_space<vmem_shared>>
      %dma_start3A_99 = arith.constant 0 : i32
      %dma_start3A_100 = tpu.memref_slice %arg10[%add3A_8, %dma_start3A_99] : memref<10240x16xf32, #tpu.memory_space<vmem_shared>> -> memref<128x16xf32, #tpu.memory_space<vmem_shared>>
      tpu.enqueue_dma source(%arg9 : memref<128x16xf32, #tpu.memory_space<vmem>>) target(%dma_start3A_100 : memref<128x16xf32, #tpu.memory_space<vmem_shared>>) target_semaphore(%run_scoped3A : memref<!tpu.dma_semaphore, #tpu.memory_space<semaphore_mem>>)
      %dma_wait3A_101 = arith.constant 0 : i32
      %dma_wait3A_102 = tpu.memref_slice %arg10[%add3A_8, %dma_wait3A_101] : memref<10240x16xf32, #tpu.memory_space<vmem_shared>> -> memref<128x16xf32, #tpu.memory_space<vmem_shared>>
      %dma_wait3A_103 = arith.constant 0 : i32
      %dma_wait3A_104 = tpu.memref_slice %arg10[%add3A_8, %dma_wait3A_103] : memref<10240x16xf32, #tpu.memory_space<vmem_shared>> -> memref<128x16xf32, #tpu.memory_space<vmem_shared>>
      tpu.wait_dma2 semaphore(%run_scoped3A : memref<!tpu.dma_semaphore, #tpu.memory_space<semaphore_mem>>) src(%arg9 : memref<128x16xf32, #tpu.memory_space<vmem>>) dst(%dma_wait3A_104 : memref<128x16xf32, #tpu.memory_space<vmem_shared>>)
      tpu.yield
    }) : () -> ()
    %add3A_9 = arith.constant 128 : i32
    %add3A_10 = arith.addi %mul3A_2, %add3A_9 : i32
    "tpu.region"() ({
      %run_scoped3A = tpu.sem_alloc : memref<!tpu.dma_semaphore, #tpu.memory_space<semaphore_mem>>
      %dma_start3A_97 = arith.constant 0 : i32
      %dma_start3A_98 = tpu.memref_slice %arg10[%add3A_10, %dma_start3A_97] : memref<10240x16xf32, #tpu.memory_space<vmem_shared>> -> memref<128x16xf32, #tpu.memory_space<vmem_shared>>
      %dma_start3A_99 = arith.constant 0 : i32
      %dma_start3A_100 = tpu.memref_slice %arg10[%add3A_10, %dma_start3A_99] : memref<10240x16xf32, #tpu.memory_space<vmem_shared>> -> memref<128x16xf32, #tpu.memory_space<vmem_shared>>
      tpu.enqueue_dma source(%arg9 : memref<128x16xf32, #tpu.memory_space<vmem>>) target(%dma_start3A_100 : memref<128x16xf32, #tpu.memory_space<vmem_shared>>) target_semaphore(%run_scoped3A : memref<!tpu.dma_semaphore, #tpu.memory_space<semaphore_mem>>)
      %dma_wait3A_101 = arith.constant 0 : i32
      %dma_wait3A_102 = tpu.memref_slice %arg10[%add3A_10, %dma_wait3A_101] : memref<10240x16xf32, #tpu.memory_space<vmem_shared>> -> memref<128x16xf32, #tpu.memory_space<vmem_shared>>
      %dma_wait3A_103 = arith.constant 0 : i32
      %dma_wait3A_104 = tpu.memref_slice %arg10[%add3A_10, %dma_wait3A_103] : memref<10240x16xf32, #tpu.memory_space<vmem_shared>> -> memref<128x16xf32, #tpu.memory_space<vmem_shared>>
      tpu.wait_dma2 semaphore(%run_scoped3A : memref<!tpu.dma_semaphore, #tpu.memory_space<semaphore_mem>>) src(%arg9 : memref<128x16xf32, #tpu.memory_space<vmem>>) dst(%dma_wait3A_104 : memref<128x16xf32, #tpu.memory_space<vmem_shared>>)
      tpu.yield
    }) : () -> ()
    %add3A_11 = arith.constant 256 : i32
    %add3A_12 = arith.addi %mul3A_2, %add3A_11 : i32
    "tpu.region"() ({
      %run_scoped3A = tpu.sem_alloc : memref<!tpu.dma_semaphore, #tpu.memory_space<semaphore_mem>>
      %dma_start3A_97 = arith.constant 0 : i32
      %dma_start3A_98 = tpu.memref_slice %arg10[%add3A_12, %dma_start3A_97] : memref<10240x16xf32, #tpu.memory_space<vmem_shared>> -> memref<128x16xf32, #tpu.memory_space<vmem_shared>>
      %dma_start3A_99 = arith.constant 0 : i32
      %dma_start3A_100 = tpu.memref_slice %arg10[%add3A_12, %dma_start3A_99] : memref<10240x16xf32, #tpu.memory_space<vmem_shared>> -> memref<128x16xf32, #tpu.memory_space<vmem_shared>>
      tpu.enqueue_dma source(%arg9 : memref<128x16xf32, #tpu.memory_space<vmem>>) target(%dma_start3A_100 : memref<128x16xf32, #tpu.memory_space<vmem_shared>>) target_semaphore(%run_scoped3A : memref<!tpu.dma_semaphore, #tpu.memory_space<semaphore_mem>>)
      %dma_wait3A_101 = arith.constant 0 : i32
      %dma_wait3A_102 = tpu.memref_slice %arg10[%add3A_12, %dma_wait3A_101] : memref<10240x16xf32, #tpu.memory_space<vmem_shared>> -> memref<128x16xf32, #tpu.memory_space<vmem_shared>>
      %dma_wait3A_103 = arith.constant 0 : i32
      %dma_wait3A_104 = tpu.memref_slice %arg10[%add3A_12, %dma_wait3A_103] : memref<10240x16xf32, #tpu.memory_space<vmem_shared>> -> memref<128x16xf32, #tpu.memory_space<vmem_shared>>
      tpu.wait_dma2 semaphore(%run_scoped3A : memref<!tpu.dma_semaphore, #tpu.memory_space<semaphore_mem>>) src(%arg9 : memref<128x16xf32, #tpu.memory_space<vmem>>) dst(%dma_wait3A_104 : memref<128x16xf32, #tpu.memory_space<vmem_shared>>)
      tpu.yield
    }) : () -> ()
    %add3A_13 = arith.constant 384 : i32
    %add3A_14 = arith.addi %mul3A_2, %add3A_13 : i32
    "tpu.region"() ({
      %run_scoped3A = tpu.sem_alloc : memref<!tpu.dma_semaphore, #tpu.memory_space<semaphore_mem>>
      %dma_start3A_97 = arith.constant 0 : i32
      %dma_start3A_98 = tpu.memref_slice %arg10[%add3A_14, %dma_start3A_97] : memref<10240x16xf32, #tpu.memory_space<vmem_shared>> -> memref<128x16xf32, #tpu.memory_space<vmem_shared>>
      %dma_start3A_99 = arith.constant 0 : i32
      %dma_start3A_100 = tpu.memref_slice %arg10[%add3A_14, %dma_start3A_99] : memref<10240x16xf32, #tpu.memory_space<vmem_shared>> -> memref<128x16xf32, #tpu.memory_space<vmem_shared>>
      tpu.enqueue_dma source(%arg9 : memref<128x16xf32, #tpu.memory_space<vmem>>) target(%dma_start3A_100 : memref<128x16xf32, #tpu.memory_space<vmem_shared>>) target_semaphore(%run_scoped3A : memref<!tpu.dma_semaphore, #tpu.memory_space<semaphore_mem>>)
      %dma_wait3A_101 = arith.constant 0 : i32
      %dma_wait3A_102 = tpu.memref_slice %arg10[%add3A_14, %dma_wait3A_101] : memref<10240x16xf32, #tpu.memory_space<vmem_shared>> -> memref<128x16xf32, #tpu.memory_space<vmem_shared>>
      %dma_wait3A_103 = arith.constant 0 : i32
      %dma_wait3A_104 = tpu.memref_slice %arg10[%add3A_14, %dma_wait3A_103] : memref<10240x16xf32, #tpu.memory_space<vmem_shared>> -> memref<128x16xf32, #tpu.memory_space<vmem_shared>>
      tpu.wait_dma2 semaphore(%run_scoped3A : memref<!tpu.dma_semaphore, #tpu.memory_space<semaphore_mem>>) src(%arg9 : memref<128x16xf32, #tpu.memory_space<vmem>>) dst(%dma_wait3A_104 : memref<128x16xf32, #tpu.memory_space<vmem_shared>>)
      tpu.yield
    }) : () -> ()
    %add3A_15 = arith.constant 512 : i32
    %add3A_16 = arith.addi %mul3A_2, %add3A_15 : i32
    "tpu.region"() ({
      %run_scoped3A = tpu.sem_alloc : memref<!tpu.dma_semaphore, #tpu.memory_space<semaphore_mem>>
      %dma_start3A_97 = arith.constant 0 : i32
      %dma_start3A_98 = tpu.memref_slice %arg10[%add3A_16, %dma_start3A_97] : memref<10240x16xf32, #tpu.memory_space<vmem_shared>> -> memref<128x16xf32, #tpu.memory_space<vmem_shared>>
      %dma_start3A_99 = arith.constant 0 : i32
      %dma_start3A_100 = tpu.memref_slice %arg10[%add3A_16, %dma_start3A_99] : memref<10240x16xf32, #tpu.memory_space<vmem_shared>> -> memref<128x16xf32, #tpu.memory_space<vmem_shared>>
      tpu.enqueue_dma source(%arg9 : memref<128x16xf32, #tpu.memory_space<vmem>>) target(%dma_start3A_100 : memref<128x16xf32, #tpu.memory_space<vmem_shared>>) target_semaphore(%run_scoped3A : memref<!tpu.dma_semaphore, #tpu.memory_space<semaphore_mem>>)
      %dma_wait3A_101 = arith.constant 0 : i32
      %dma_wait3A_102 = tpu.memref_slice %arg10[%add3A_16, %dma_wait3A_101] : memref<10240x16xf32, #tpu.memory_space<vmem_shared>> -> memref<128x16xf32, #tpu.memory_space<vmem_shared>>
      %dma_wait3A_103 = arith.constant 0 : i32
      %dma_wait3A_104 = tpu.memref_slice %arg10[%add3A_16, %dma_wait3A_103] : memref<10240x16xf32, #tpu.memory_space<vmem_shared>> -> memref<128x16xf32, #tpu.memory_space<vmem_shared>>
      tpu.wait_dma2 semaphore(%run_scoped3A : memref<!tpu.dma_semaphore, #tpu.memory_space<semaphore_mem>>) src(%arg9 : memref<128x16xf32, #tpu.memory_space<vmem>>) dst(%dma_wait3A_104 : memref<128x16xf32, #tpu.memory_space<vmem_shared>>)
      tpu.yield
    }) : () -> ()
    %barrier3A = arith.constant 0 : index
    tpu.barrier barrier_id(%barrier3A)
    %mul3A_17 = arith.constant 80 : i32
    %mul3A_18 = arith.muli %add3A, %mul3A_17 : i32
    "tpu.region"() ({
      %run_scoped3A = tpu.sem_alloc : memref<!tpu.dma_semaphore, #tpu.memory_space<semaphore_mem>>
      %dma_start3A_97 = arith.constant 0 : i32
      %dma_start3A_98 = tpu.memref_slice %arg2[%mul3A_18, %dma_start3A_97] : memref<2560x128xi32, #tpu.memory_space<hbm>> -> memref<80x128xi32, #tpu.memory_space<hbm>>
      %dma_start3A_99 = arith.constant 0 : i32
      %dma_start3A_100 = tpu.memref_slice %arg2[%mul3A_18, %dma_start3A_99] : memref<2560x128xi32, #tpu.memory_space<hbm>> -> memref<80x128xi32, #tpu.memory_space<hbm>>
      tpu.enqueue_dma source(%dma_start3A_100 : memref<80x128xi32, #tpu.memory_space<hbm>>) target(%arg6 : memref<80x128xi32, #tpu.memory_space<vmem>>) target_semaphore(%run_scoped3A : memref<!tpu.dma_semaphore, #tpu.memory_space<semaphore_mem>>)
      %dma_wait3A_101 = arith.constant 0 : i32
      %dma_wait3A_102 = tpu.memref_slice %arg2[%mul3A_18, %dma_wait3A_101] : memref<2560x128xi32, #tpu.memory_space<hbm>> -> memref<80x128xi32, #tpu.memory_space<hbm>>
      %dma_wait3A_103 = arith.constant 0 : i32
      %dma_wait3A_104 = tpu.memref_slice %arg2[%mul3A_18, %dma_wait3A_103] : memref<2560x128xi32, #tpu.memory_space<hbm>> -> memref<80x128xi32, #tpu.memory_space<hbm>>
      tpu.wait_dma2 semaphore(%run_scoped3A : memref<!tpu.dma_semaphore, #tpu.memory_space<semaphore_mem>>) src(%dma_wait3A_104 : memref<80x128xi32, #tpu.memory_space<hbm>>) dst(%arg6 : memref<80x128xi32, #tpu.memory_space<vmem>>)
      tpu.yield
    }) : () -> ()
    %mul3A_19 = arith.constant 80 : i32
    %mul3A_20 = arith.muli %add3A, %mul3A_19 : i32
    "tpu.region"() ({
      %run_scoped3A = tpu.sem_alloc : memref<!tpu.dma_semaphore, #tpu.memory_space<semaphore_mem>>
      %dma_start3A_97 = arith.constant 0 : i32
      %dma_start3A_98 = tpu.memref_slice %arg3[%mul3A_20, %dma_start3A_97] : memref<2560x128xi32, #tpu.memory_space<hbm>> -> memref<80x128xi32, #tpu.memory_space<hbm>>
      %dma_start3A_99 = arith.constant 0 : i32
      %dma_start3A_100 = tpu.memref_slice %arg3[%mul3A_20, %dma_start3A_99] : memref<2560x128xi32, #tpu.memory_space<hbm>> -> memref<80x128xi32, #tpu.memory_space<hbm>>
      tpu.enqueue_dma source(%dma_start3A_100 : memref<80x128xi32, #tpu.memory_space<hbm>>) target(%arg7 : memref<80x128xi32, #tpu.memory_space<vmem>>) target_semaphore(%run_scoped3A : memref<!tpu.dma_semaphore, #tpu.memory_space<semaphore_mem>>)
      %dma_wait3A_101 = arith.constant 0 : i32
      %dma_wait3A_102 = tpu.memref_slice %arg3[%mul3A_20, %dma_wait3A_101] : memref<2560x128xi32, #tpu.memory_space<hbm>> -> memref<80x128xi32, #tpu.memory_space<hbm>>
      %dma_wait3A_103 = arith.constant 0 : i32
      %dma_wait3A_104 = tpu.memref_slice %arg3[%mul3A_20, %dma_wait3A_103] : memref<2560x128xi32, #tpu.memory_space<hbm>> -> memref<80x128xi32, #tpu.memory_space<hbm>>
      tpu.wait_dma2 semaphore(%run_scoped3A : memref<!tpu.dma_semaphore, #tpu.memory_space<semaphore_mem>>) src(%dma_wait3A_104 : memref<80x128xi32, #tpu.memory_space<hbm>>) dst(%arg7 : memref<80x128xi32, #tpu.memory_space<vmem>>)
      tpu.yield
    }) : () -> ()
    %dma_start3A = arith.constant 0 : i32
    %dma_start3A_21 = arith.constant 0 : i32
    %dma_start3A_22 = arith.constant 0 : i32
    %dma_start3A_23 = arith.constant 0 : i32
    %dma_start3A_24 = tpu.memref_slice %arg8[%dma_start3A_21, %dma_start3A_22, %dma_start3A_23] : memref<4x128x16xf32, #tpu.memory_space<vmem>> -> memref<1x128x16xf32, #tpu.memory_space<vmem>>
    %dma_start3A_25 = tpu.memref_squeeze %dma_start3A_24 : memref<1x128x16xf32, #tpu.memory_space<vmem>> -> memref<128x16xf32, #tpu.memory_space<vmem>>
    %dma_start3A_26 = arith.constant 0 : i32
    %dma_start3A_27 = tpu.memref_slice %arg6[%dma_start3A, %dma_start3A_26] : memref<80x128xi32, #tpu.memory_space<vmem>> -> memref<1x128xi32, #tpu.memory_space<vmem>>
    %dma_start3A_28 = tpu.memref_squeeze %dma_start3A_27 : memref<1x128xi32, #tpu.memory_space<vmem>> -> memref<128xi32, #tpu.memory_space<vmem>>
    %dma_start3A_29 = arith.constant 0 : i32
    %dma_start3A_30 = arith.constant 0 : i32
    %dma_start3A_31 = tpu.memref_slice %arg4[%dma_start3A_29, %dma_start3A_30] : memref<10240x16xf32, #tpu.memory_space<hbm>> -> memref<10240x16xf32, #tpu.memory_space<hbm>>
    tpu.enqueue_indirect_dma source(%dma_start3A_31 : memref<10240x16xf32, #tpu.memory_space<hbm>>) target(%dma_start3A_25 : memref<128x16xf32, #tpu.memory_space<vmem>>) offsets(%dma_start3A_28 : memref<128xi32, #tpu.memory_space<vmem>>) semaphore(%arg11 : memref<!tpu.dma_semaphore, #tpu.memory_space<semaphore_mem>>)
    %dma_start3A_32 = arith.constant 1 : i32
    %dma_start3A_33 = arith.constant 1 : i32
    %dma_start3A_34 = arith.constant 0 : i32
    %dma_start3A_35 = arith.constant 0 : i32
    %dma_start3A_36 = tpu.memref_slice %arg8[%dma_start3A_33, %dma_start3A_34, %dma_start3A_35] : memref<4x128x16xf32, #tpu.memory_space<vmem>> -> memref<1x128x16xf32, #tpu.memory_space<vmem>>
    %dma_start3A_37 = tpu.memref_squeeze %dma_start3A_36 : memref<1x128x16xf32, #tpu.memory_space<vmem>> -> memref<128x16xf32, #tpu.memory_space<vmem>>
    %dma_start3A_38 = arith.constant 0 : i32
    %dma_start3A_39 = tpu.memref_slice %arg6[%dma_start3A_32, %dma_start3A_38] : memref<80x128xi32, #tpu.memory_space<vmem>> -> memref<1x128xi32, #tpu.memory_space<vmem>>
    %dma_start3A_40 = tpu.memref_squeeze %dma_start3A_39 : memref<1x128xi32, #tpu.memory_space<vmem>> -> memref<128xi32, #tpu.memory_space<vmem>>
    %dma_start3A_41 = arith.constant 0 : i32
    %dma_start3A_42 = arith.constant 0 : i32
    %dma_start3A_43 = tpu.memref_slice %arg4[%dma_start3A_41, %dma_start3A_42] : memref<10240x16xf32, #tpu.memory_space<hbm>> -> memref<10240x16xf32, #tpu.memory_space<hbm>>
    tpu.enqueue_indirect_dma source(%dma_start3A_43 : memref<10240x16xf32, #tpu.memory_space<hbm>>) target(%dma_start3A_37 : memref<128x16xf32, #tpu.memory_space<vmem>>) offsets(%dma_start3A_40 : memref<128xi32, #tpu.memory_space<vmem>>) semaphore(%arg12 : memref<!tpu.dma_semaphore, #tpu.memory_space<semaphore_mem>>)
    %scan3A_44 = arith.constant 0 : i32
    %scan3A_45 = arith.constant 20 : i32
    %scan3A_46 = arith.addi %scan3A_44, %scan3A_45 : i32
    %scan3A_47 = arith.constant 1 : i32
    scf.for %scan3A_97 = %scan3A_44 to %scan3A_46 step %scan3A_47  : i32 {
      %mul3A_98 = arith.constant 4 : i32
      %mul3A_99 = arith.muli %scan3A_97, %mul3A_98 : i32
      %add3A_100 = arith.constant 0 : i32
      %add3A_101 = arith.addi %mul3A_99, %add3A_100 : i32
      %dma_wait3A_102 = arith.constant 0 : i32
      %dma_wait3A_103 = arith.constant 0 : i32
      %dma_wait3A_104 = arith.constant 0 : i32
      %dma_wait3A_105 = tpu.memref_slice %arg8[%dma_wait3A_102, %dma_wait3A_103, %dma_wait3A_104] : memref<4x128x16xf32, #tpu.memory_space<vmem>> -> memref<1x128x16xf32, #tpu.memory_space<vmem>>
      %dma_wait3A_106 = tpu.memref_squeeze %dma_wait3A_105 : memref<1x128x16xf32, #tpu.memory_space<vmem>> -> memref<128x16xf32, #tpu.memory_space<vmem>>
      %dma_wait3A_107 = arith.constant 0 : i32
      %dma_wait3A_108 = tpu.memref_slice %arg6[%add3A_101, %dma_wait3A_107] : memref<80x128xi32, #tpu.memory_space<vmem>> -> memref<1x128xi32, #tpu.memory_space<vmem>>
      %dma_wait3A_109 = tpu.memref_squeeze %dma_wait3A_108 : memref<1x128xi32, #tpu.memory_space<vmem>> -> memref<128xi32, #tpu.memory_space<vmem>>
      %dma_wait3A_110 = arith.constant 0 : i32
      %dma_wait3A_111 = arith.constant 0 : i32
      %dma_wait3A_112 = tpu.memref_slice %arg4[%dma_wait3A_110, %dma_wait3A_111] : memref<10240x16xf32, #tpu.memory_space<hbm>> -> memref<10240x16xf32, #tpu.memory_space<hbm>>
      tpu.wait_indirect_dma semaphore(%arg11 : memref<!tpu.dma_semaphore, #tpu.memory_space<semaphore_mem>>) src(%dma_wait3A_112 : memref<10240x16xf32, #tpu.memory_space<hbm>>) dst(%dma_wait3A_106 : memref<128x16xf32, #tpu.memory_space<vmem>>)
      %dma_start3A_113 = arith.constant 0 : i32
      %dma_start3A_114 = arith.constant 0 : i32
      %dma_start3A_115 = arith.constant 0 : i32
      %dma_start3A_116 = tpu.memref_slice %arg8[%dma_start3A_113, %dma_start3A_114, %dma_start3A_115] : memref<4x128x16xf32, #tpu.memory_space<vmem>> -> memref<1x128x16xf32, #tpu.memory_space<vmem>>
      %dma_start3A_117 = tpu.memref_squeeze %dma_start3A_116 : memref<1x128x16xf32, #tpu.memory_space<vmem>> -> memref<128x16xf32, #tpu.memory_space<vmem>>
      %dma_start3A_118 = arith.constant 0 : i32
      %dma_start3A_119 = tpu.memref_slice %arg7[%add3A_101, %dma_start3A_118] : memref<80x128xi32, #tpu.memory_space<vmem>> -> memref<1x128xi32, #tpu.memory_space<vmem>>
      %dma_start3A_120 = tpu.memref_squeeze %dma_start3A_119 : memref<1x128xi32, #tpu.memory_space<vmem>> -> memref<128xi32, #tpu.memory_space<vmem>>
      %dma_start3A_121 = arith.constant 0 : i32
      %dma_start3A_122 = arith.constant 0 : i32
      %dma_start3A_123 = tpu.memref_slice %arg10[%dma_start3A_121, %dma_start3A_122] : memref<10240x16xf32, #tpu.memory_space<vmem_shared>> -> memref<10240x16xf32, #tpu.memory_space<vmem_shared>>
      tpu.enqueue_indirect_dma source(%dma_start3A_117 : memref<128x16xf32, #tpu.memory_space<vmem>>) target(%dma_start3A_123 : memref<10240x16xf32, #tpu.memory_space<vmem_shared>>) offsets(%dma_start3A_120 : memref<128xi32, #tpu.memory_space<vmem>>) semaphore(%arg15 : memref<!tpu.dma_semaphore, #tpu.memory_space<semaphore_mem>>) {add = true}
      %add3A_124 = arith.constant 2 : i32
      %add3A_125 = arith.addi %add3A_101, %add3A_124 : i32
      %lt3A = arith.constant 80 : i32
      %lt3A_126 = arith.cmpi slt, %add3A_125, %lt3A : i32
      %convert_element_type3A = arith.extui %lt3A_126 : i1 to i32
      %cond3A = arith.constant 0 : i32
      %cond3A_127 = arith.cmpi ne, %convert_element_type3A, %cond3A : i32
      scf.if %cond3A_127 {
        %ge3A = arith.constant 2 : i32
        %ge3A_227 = arith.cmpi sge, %add3A_101, %ge3A : i32
        %convert_element_type3A_228 = arith.extui %ge3A_227 : i1 to i32
        %cond3A_229 = arith.constant 0 : i32
        %cond3A_230 = arith.cmpi ne, %convert_element_type3A_228, %cond3A_229 : i32
        scf.if %cond3A_230 {
          %sub3A = arith.constant 4 : i32
          %sub3A_242 = arith.subi %add3A_125, %sub3A : i32
          %dma_wait3A_243 = arith.constant 2 : i32
          %dma_wait3A_244 = arith.constant 0 : i32
          %dma_wait3A_245 = arith.constant 0 : i32
          %dma_wait3A_246 = tpu.memref_slice %arg8[%dma_wait3A_243, %dma_wait3A_244, %dma_wait3A_245] : memref<4x128x16xf32, #tpu.memory_space<vmem>> -> memref<1x128x16xf32, #tpu.memory_space<vmem>>
          %dma_wait3A_247 = tpu.memref_squeeze %dma_wait3A_246 : memref<1x128x16xf32, #tpu.memory_space<vmem>> -> memref<128x16xf32, #tpu.memory_space<vmem>>
          %dma_wait3A_248 = arith.constant 0 : i32
          %dma_wait3A_249 = tpu.memref_slice %arg7[%sub3A_242, %dma_wait3A_248] : memref<80x128xi32, #tpu.memory_space<vmem>> -> memref<1x128xi32, #tpu.memory_space<vmem>>
          %dma_wait3A_250 = tpu.memref_squeeze %dma_wait3A_249 : memref<1x128xi32, #tpu.memory_space<vmem>> -> memref<128xi32, #tpu.memory_space<vmem>>
          %dma_wait3A_251 = arith.constant 0 : i32
          %dma_wait3A_252 = arith.constant 0 : i32
          %dma_wait3A_253 = tpu.memref_slice %arg10[%dma_wait3A_251, %dma_wait3A_252] : memref<10240x16xf32, #tpu.memory_space<vmem_shared>> -> memref<10240x16xf32, #tpu.memory_space<vmem_shared>>
          tpu.wait_indirect_dma semaphore(%arg17 : memref<!tpu.dma_semaphore, #tpu.memory_space<semaphore_mem>>) src(%dma_wait3A_247 : memref<128x16xf32, #tpu.memory_space<vmem>>) dst(%dma_wait3A_253 : memref<10240x16xf32, #tpu.memory_space<vmem_shared>>)
        } else {
        }
        %dma_start3A_231 = arith.constant 2 : i32
        %dma_start3A_232 = arith.constant 0 : i32
        %dma_start3A_233 = arith.constant 0 : i32
        %dma_start3A_234 = tpu.memref_slice %arg8[%dma_start3A_231, %dma_start3A_232, %dma_start3A_233] : memref<4x128x16xf32, #tpu.memory_space<vmem>> -> memref<1x128x16xf32, #tpu.memory_space<vmem>>
        %dma_start3A_235 = tpu.memref_squeeze %dma_start3A_234 : memref<1x128x16xf32, #tpu.memory_space<vmem>> -> memref<128x16xf32, #tpu.memory_space<vmem>>
        %dma_start3A_236 = arith.constant 0 : i32
        %dma_start3A_237 = tpu.memref_slice %arg6[%add3A_125, %dma_start3A_236] : memref<80x128xi32, #tpu.memory_space<vmem>> -> memref<1x128xi32, #tpu.memory_space<vmem>>
        %dma_start3A_238 = tpu.memref_squeeze %dma_start3A_237 : memref<1x128xi32, #tpu.memory_space<vmem>> -> memref<128xi32, #tpu.memory_space<vmem>>
        %dma_start3A_239 = arith.constant 0 : i32
        %dma_start3A_240 = arith.constant 0 : i32
        %dma_start3A_241 = tpu.memref_slice %arg4[%dma_start3A_239, %dma_start3A_240] : memref<10240x16xf32, #tpu.memory_space<hbm>> -> memref<10240x16xf32, #tpu.memory_space<hbm>>
        tpu.enqueue_indirect_dma source(%dma_start3A_241 : memref<10240x16xf32, #tpu.memory_space<hbm>>) target(%dma_start3A_235 : memref<128x16xf32, #tpu.memory_space<vmem>>) offsets(%dma_start3A_238 : memref<128xi32, #tpu.memory_space<vmem>>) semaphore(%arg13 : memref<!tpu.dma_semaphore, #tpu.memory_space<semaphore_mem>>)
      } else {
      }
      %mul3A_128 = arith.constant 4 : i32
      %mul3A_129 = arith.muli %scan3A_97, %mul3A_128 : i32
      %add3A_130 = arith.constant 1 : i32
      %add3A_131 = arith.addi %mul3A_129, %add3A_130 : i32
      %dma_wait3A_132 = arith.constant 1 : i32
      %dma_wait3A_133 = arith.constant 0 : i32
      %dma_wait3A_134 = arith.constant 0 : i32
      %dma_wait3A_135 = tpu.memref_slice %arg8[%dma_wait3A_132, %dma_wait3A_133, %dma_wait3A_134] : memref<4x128x16xf32, #tpu.memory_space<vmem>> -> memref<1x128x16xf32, #tpu.memory_space<vmem>>
      %dma_wait3A_136 = tpu.memref_squeeze %dma_wait3A_135 : memref<1x128x16xf32, #tpu.memory_space<vmem>> -> memref<128x16xf32, #tpu.memory_space<vmem>>
      %dma_wait3A_137 = arith.constant 0 : i32
      %dma_wait3A_138 = tpu.memref_slice %arg6[%add3A_131, %dma_wait3A_137] : memref<80x128xi32, #tpu.memory_space<vmem>> -> memref<1x128xi32, #tpu.memory_space<vmem>>
      %dma_wait3A_139 = tpu.memref_squeeze %dma_wait3A_138 : memref<1x128xi32, #tpu.memory_space<vmem>> -> memref<128xi32, #tpu.memory_space<vmem>>
      %dma_wait3A_140 = arith.constant 0 : i32
      %dma_wait3A_141 = arith.constant 0 : i32
      %dma_wait3A_142 = tpu.memref_slice %arg4[%dma_wait3A_140, %dma_wait3A_141] : memref<10240x16xf32, #tpu.memory_space<hbm>> -> memref<10240x16xf32, #tpu.memory_space<hbm>>
      tpu.wait_indirect_dma semaphore(%arg12 : memref<!tpu.dma_semaphore, #tpu.memory_space<semaphore_mem>>) src(%dma_wait3A_142 : memref<10240x16xf32, #tpu.memory_space<hbm>>) dst(%dma_wait3A_136 : memref<128x16xf32, #tpu.memory_space<vmem>>)
      %dma_start3A_143 = arith.constant 1 : i32
      %dma_start3A_144 = arith.constant 0 : i32
      %dma_start3A_145 = arith.constant 0 : i32
      %dma_start3A_146 = tpu.memref_slice %arg8[%dma_start3A_143, %dma_start3A_144, %dma_start3A_145] : memref<4x128x16xf32, #tpu.memory_space<vmem>> -> memref<1x128x16xf32, #tpu.memory_space<vmem>>
      %dma_start3A_147 = tpu.memref_squeeze %dma_start3A_146 : memref<1x128x16xf32, #tpu.memory_space<vmem>> -> memref<128x16xf32, #tpu.memory_space<vmem>>
      %dma_start3A_148 = arith.constant 0 : i32
      %dma_start3A_149 = tpu.memref_slice %arg7[%add3A_131, %dma_start3A_148] : memref<80x128xi32, #tpu.memory_space<vmem>> -> memref<1x128xi32, #tpu.memory_space<vmem>>
      %dma_start3A_150 = tpu.memref_squeeze %dma_start3A_149 : memref<1x128xi32, #tpu.memory_space<vmem>> -> memref<128xi32, #tpu.memory_space<vmem>>
      %dma_start3A_151 = arith.constant 0 : i32
      %dma_start3A_152 = arith.constant 0 : i32
      %dma_start3A_153 = tpu.memref_slice %arg10[%dma_start3A_151, %dma_start3A_152] : memref<10240x16xf32, #tpu.memory_space<vmem_shared>> -> memref<10240x16xf32, #tpu.memory_space<vmem_shared>>
      tpu.enqueue_indirect_dma source(%dma_start3A_147 : memref<128x16xf32, #tpu.memory_space<vmem>>) target(%dma_start3A_153 : memref<10240x16xf32, #tpu.memory_space<vmem_shared>>) offsets(%dma_start3A_150 : memref<128xi32, #tpu.memory_space<vmem>>) semaphore(%arg16 : memref<!tpu.dma_semaphore, #tpu.memory_space<semaphore_mem>>) {add = true}
      %add3A_154 = arith.constant 2 : i32
      %add3A_155 = arith.addi %add3A_131, %add3A_154 : i32
      %lt3A_156 = arith.constant 80 : i32
      %lt3A_157 = arith.cmpi slt, %add3A_155, %lt3A_156 : i32
      %convert_element_type3A_158 = arith.extui %lt3A_157 : i1 to i32
      %cond3A_159 = arith.constant 0 : i32
      %cond3A_160 = arith.cmpi ne, %convert_element_type3A_158, %cond3A_159 : i32
      scf.if %cond3A_160 {
        %ge3A = arith.constant 2 : i32
        %ge3A_227 = arith.cmpi sge, %add3A_131, %ge3A : i32
        %convert_element_type3A_228 = arith.extui %ge3A_227 : i1 to i32
        %cond3A_229 = arith.constant 0 : i32
        %cond3A_230 = arith.cmpi ne, %convert_element_type3A_228, %cond3A_229 : i32
        scf.if %cond3A_230 {
          %sub3A = arith.constant 4 : i32
          %sub3A_242 = arith.subi %add3A_155, %sub3A : i32
          %dma_wait3A_243 = arith.constant 3 : i32
          %dma_wait3A_244 = arith.constant 0 : i32
          %dma_wait3A_245 = arith.constant 0 : i32
          %dma_wait3A_246 = tpu.memref_slice %arg8[%dma_wait3A_243, %dma_wait3A_244, %dma_wait3A_245] : memref<4x128x16xf32, #tpu.memory_space<vmem>> -> memref<1x128x16xf32, #tpu.memory_space<vmem>>
          %dma_wait3A_247 = tpu.memref_squeeze %dma_wait3A_246 : memref<1x128x16xf32, #tpu.memory_space<vmem>> -> memref<128x16xf32, #tpu.memory_space<vmem>>
          %dma_wait3A_248 = arith.constant 0 : i32
          %dma_wait3A_249 = tpu.memref_slice %arg7[%sub3A_242, %dma_wait3A_248] : memref<80x128xi32, #tpu.memory_space<vmem>> -> memref<1x128xi32, #tpu.memory_space<vmem>>
          %dma_wait3A_250 = tpu.memref_squeeze %dma_wait3A_249 : memref<1x128xi32, #tpu.memory_space<vmem>> -> memref<128xi32, #tpu.memory_space<vmem>>
          %dma_wait3A_251 = arith.constant 0 : i32
          %dma_wait3A_252 = arith.constant 0 : i32
          %dma_wait3A_253 = tpu.memref_slice %arg10[%dma_wait3A_251, %dma_wait3A_252] : memref<10240x16xf32, #tpu.memory_space<vmem_shared>> -> memref<10240x16xf32, #tpu.memory_space<vmem_shared>>
          tpu.wait_indirect_dma semaphore(%arg18 : memref<!tpu.dma_semaphore, #tpu.memory_space<semaphore_mem>>) src(%dma_wait3A_247 : memref<128x16xf32, #tpu.memory_space<vmem>>) dst(%dma_wait3A_253 : memref<10240x16xf32, #tpu.memory_space<vmem_shared>>)
        } else {
        }
        %dma_start3A_231 = arith.constant 3 : i32
        %dma_start3A_232 = arith.constant 0 : i32
        %dma_start3A_233 = arith.constant 0 : i32
        %dma_start3A_234 = tpu.memref_slice %arg8[%dma_start3A_231, %dma_start3A_232, %dma_start3A_233] : memref<4x128x16xf32, #tpu.memory_space<vmem>> -> memref<1x128x16xf32, #tpu.memory_space<vmem>>
        %dma_start3A_235 = tpu.memref_squeeze %dma_start3A_234 : memref<1x128x16xf32, #tpu.memory_space<vmem>> -> memref<128x16xf32, #tpu.memory_space<vmem>>
        %dma_start3A_236 = arith.constant 0 : i32
        %dma_start3A_237 = tpu.memref_slice %arg6[%add3A_155, %dma_start3A_236] : memref<80x128xi32, #tpu.memory_space<vmem>> -> memref<1x128xi32, #tpu.memory_space<vmem>>
        %dma_start3A_238 = tpu.memref_squeeze %dma_start3A_237 : memref<1x128xi32, #tpu.memory_space<vmem>> -> memref<128xi32, #tpu.memory_space<vmem>>
        %dma_start3A_239 = arith.constant 0 : i32
        %dma_start3A_240 = arith.constant 0 : i32
        %dma_start3A_241 = tpu.memref_slice %arg4[%dma_start3A_239, %dma_start3A_240] : memref<10240x16xf32, #tpu.memory_space<hbm>> -> memref<10240x16xf32, #tpu.memory_space<hbm>>
        tpu.enqueue_indirect_dma source(%dma_start3A_241 : memref<10240x16xf32, #tpu.memory_space<hbm>>) target(%dma_start3A_235 : memref<128x16xf32, #tpu.memory_space<vmem>>) offsets(%dma_start3A_238 : memref<128xi32, #tpu.memory_space<vmem>>) semaphore(%arg14 : memref<!tpu.dma_semaphore, #tpu.memory_space<semaphore_mem>>)
      } else {
      }
      %mul3A_161 = arith.constant 4 : i32
      %mul3A_162 = arith.muli %scan3A_97, %mul3A_161 : i32
      %add3A_163 = arith.constant 2 : i32
      %add3A_164 = arith.addi %mul3A_162, %add3A_163 : i32
      %dma_wait3A_165 = arith.constant 2 : i32
      %dma_wait3A_166 = arith.constant 0 : i32
      %dma_wait3A_167 = arith.constant 0 : i32
      %dma_wait3A_168 = tpu.memref_slice %arg8[%dma_wait3A_165, %dma_wait3A_166, %dma_wait3A_167] : memref<4x128x16xf32, #tpu.memory_space<vmem>> -> memref<1x128x16xf32, #tpu.memory_space<vmem>>
      %dma_wait3A_169 = tpu.memref_squeeze %dma_wait3A_168 : memref<1x128x16xf32, #tpu.memory_space<vmem>> -> memref<128x16xf32, #tpu.memory_space<vmem>>
      %dma_wait3A_170 = arith.constant 0 : i32
      %dma_wait3A_171 = tpu.memref_slice %arg6[%add3A_164, %dma_wait3A_170] : memref<80x128xi32, #tpu.memory_space<vmem>> -> memref<1x128xi32, #tpu.memory_space<vmem>>
      %dma_wait3A_172 = tpu.memref_squeeze %dma_wait3A_171 : memref<1x128xi32, #tpu.memory_space<vmem>> -> memref<128xi32, #tpu.memory_space<vmem>>
      %dma_wait3A_173 = arith.constant 0 : i32
      %dma_wait3A_174 = arith.constant 0 : i32
      %dma_wait3A_175 = tpu.memref_slice %arg4[%dma_wait3A_173, %dma_wait3A_174] : memref<10240x16xf32, #tpu.memory_space<hbm>> -> memref<10240x16xf32, #tpu.memory_space<hbm>>
      tpu.wait_indirect_dma semaphore(%arg13 : memref<!tpu.dma_semaphore, #tpu.memory_space<semaphore_mem>>) src(%dma_wait3A_175 : memref<10240x16xf32, #tpu.memory_space<hbm>>) dst(%dma_wait3A_169 : memref<128x16xf32, #tpu.memory_space<vmem>>)
      %dma_start3A_176 = arith.constant 2 : i32
      %dma_start3A_177 = arith.constant 0 : i32
      %dma_start3A_178 = arith.constant 0 : i32
      %dma_start3A_179 = tpu.memref_slice %arg8[%dma_start3A_176, %dma_start3A_177, %dma_start3A_178] : memref<4x128x16xf32, #tpu.memory_space<vmem>> -> memref<1x128x16xf32, #tpu.memory_space<vmem>>
      %dma_start3A_180 = tpu.memref_squeeze %dma_start3A_179 : memref<1x128x16xf32, #tpu.memory_space<vmem>> -> memref<128x16xf32, #tpu.memory_space<vmem>>
      %dma_start3A_181 = arith.constant 0 : i32
      %dma_start3A_182 = tpu.memref_slice %arg7[%add3A_164, %dma_start3A_181] : memref<80x128xi32, #tpu.memory_space<vmem>> -> memref<1x128xi32, #tpu.memory_space<vmem>>
      %dma_start3A_183 = tpu.memref_squeeze %dma_start3A_182 : memref<1x128xi32, #tpu.memory_space<vmem>> -> memref<128xi32, #tpu.memory_space<vmem>>
      %dma_start3A_184 = arith.constant 0 : i32
      %dma_start3A_185 = arith.constant 0 : i32
      %dma_start3A_186 = tpu.memref_slice %arg10[%dma_start3A_184, %dma_start3A_185] : memref<10240x16xf32, #tpu.memory_space<vmem_shared>> -> memref<10240x16xf32, #tpu.memory_space<vmem_shared>>
      tpu.enqueue_indirect_dma source(%dma_start3A_180 : memref<128x16xf32, #tpu.memory_space<vmem>>) target(%dma_start3A_186 : memref<10240x16xf32, #tpu.memory_space<vmem_shared>>) offsets(%dma_start3A_183 : memref<128xi32, #tpu.memory_space<vmem>>) semaphore(%arg17 : memref<!tpu.dma_semaphore, #tpu.memory_space<semaphore_mem>>) {add = true}
      %add3A_187 = arith.constant 2 : i32
      %add3A_188 = arith.addi %add3A_164, %add3A_187 : i32
      %lt3A_189 = arith.constant 80 : i32
      %lt3A_190 = arith.cmpi slt, %add3A_188, %lt3A_189 : i32
      %convert_element_type3A_191 = arith.extui %lt3A_190 : i1 to i32
      %cond3A_192 = arith.constant 0 : i32
      %cond3A_193 = arith.cmpi ne, %convert_element_type3A_191, %cond3A_192 : i32
      scf.if %cond3A_193 {
        %ge3A = arith.constant 2 : i32
        %ge3A_227 = arith.cmpi sge, %add3A_164, %ge3A : i32
        %convert_element_type3A_228 = arith.extui %ge3A_227 : i1 to i32
        %cond3A_229 = arith.constant 0 : i32
        %cond3A_230 = arith.cmpi ne, %convert_element_type3A_228, %cond3A_229 : i32
        scf.if %cond3A_230 {
          %sub3A = arith.constant 4 : i32
          %sub3A_242 = arith.subi %add3A_188, %sub3A : i32
          %dma_wait3A_243 = arith.constant 0 : i32
          %dma_wait3A_244 = arith.constant 0 : i32
          %dma_wait3A_245 = arith.constant 0 : i32
          %dma_wait3A_246 = tpu.memref_slice %arg8[%dma_wait3A_243, %dma_wait3A_244, %dma_wait3A_245] : memref<4x128x16xf32, #tpu.memory_space<vmem>> -> memref<1x128x16xf32, #tpu.memory_space<vmem>>
          %dma_wait3A_247 = tpu.memref_squeeze %dma_wait3A_246 : memref<1x128x16xf32, #tpu.memory_space<vmem>> -> memref<128x16xf32, #tpu.memory_space<vmem>>
          %dma_wait3A_248 = arith.constant 0 : i32
          %dma_wait3A_249 = tpu.memref_slice %arg7[%sub3A_242, %dma_wait3A_248] : memref<80x128xi32, #tpu.memory_space<vmem>> -> memref<1x128xi32, #tpu.memory_space<vmem>>
          %dma_wait3A_250 = tpu.memref_squeeze %dma_wait3A_249 : memref<1x128xi32, #tpu.memory_space<vmem>> -> memref<128xi32, #tpu.memory_space<vmem>>
          %dma_wait3A_251 = arith.constant 0 : i32
          %dma_wait3A_252 = arith.constant 0 : i32
          %dma_wait3A_253 = tpu.memref_slice %arg10[%dma_wait3A_251, %dma_wait3A_252] : memref<10240x16xf32, #tpu.memory_space<vmem_shared>> -> memref<10240x16xf32, #tpu.memory_space<vmem_shared>>
          tpu.wait_indirect_dma semaphore(%arg15 : memref<!tpu.dma_semaphore, #tpu.memory_space<semaphore_mem>>) src(%dma_wait3A_247 : memref<128x16xf32, #tpu.memory_space<vmem>>) dst(%dma_wait3A_253 : memref<10240x16xf32, #tpu.memory_space<vmem_shared>>)
        } else {
        }
        %dma_start3A_231 = arith.constant 0 : i32
        %dma_start3A_232 = arith.constant 0 : i32
        %dma_start3A_233 = arith.constant 0 : i32
        %dma_start3A_234 = tpu.memref_slice %arg8[%dma_start3A_231, %dma_start3A_232, %dma_start3A_233] : memref<4x128x16xf32, #tpu.memory_space<vmem>> -> memref<1x128x16xf32, #tpu.memory_space<vmem>>
        %dma_start3A_235 = tpu.memref_squeeze %dma_start3A_234 : memref<1x128x16xf32, #tpu.memory_space<vmem>> -> memref<128x16xf32, #tpu.memory_space<vmem>>
        %dma_start3A_236 = arith.constant 0 : i32
        %dma_start3A_237 = tpu.memref_slice %arg6[%add3A_188, %dma_start3A_236] : memref<80x128xi32, #tpu.memory_space<vmem>> -> memref<1x128xi32, #tpu.memory_space<vmem>>
        %dma_start3A_238 = tpu.memref_squeeze %dma_start3A_237 : memref<1x128xi32, #tpu.memory_space<vmem>> -> memref<128xi32, #tpu.memory_space<vmem>>
        %dma_start3A_239 = arith.constant 0 : i32
        %dma_start3A_240 = arith.constant 0 : i32
        %dma_start3A_241 = tpu.memref_slice %arg4[%dma_start3A_239, %dma_start3A_240] : memref<10240x16xf32, #tpu.memory_space<hbm>> -> memref<10240x16xf32, #tpu.memory_space<hbm>>
        tpu.enqueue_indirect_dma source(%dma_start3A_241 : memref<10240x16xf32, #tpu.memory_space<hbm>>) target(%dma_start3A_235 : memref<128x16xf32, #tpu.memory_space<vmem>>) offsets(%dma_start3A_238 : memref<128xi32, #tpu.memory_space<vmem>>) semaphore(%arg11 : memref<!tpu.dma_semaphore, #tpu.memory_space<semaphore_mem>>)
      } else {
      }
      %mul3A_194 = arith.constant 4 : i32
      %mul3A_195 = arith.muli %scan3A_97, %mul3A_194 : i32
      %add3A_196 = arith.constant 3 : i32
      %add3A_197 = arith.addi %mul3A_195, %add3A_196 : i32
      %dma_wait3A_198 = arith.constant 3 : i32
      %dma_wait3A_199 = arith.constant 0 : i32
      %dma_wait3A_200 = arith.constant 0 : i32
      %dma_wait3A_201 = tpu.memref_slice %arg8[%dma_wait3A_198, %dma_wait3A_199, %dma_wait3A_200] : memref<4x128x16xf32, #tpu.memory_space<vmem>> -> memref<1x128x16xf32, #tpu.memory_space<vmem>>
      %dma_wait3A_202 = tpu.memref_squeeze %dma_wait3A_201 : memref<1x128x16xf32, #tpu.memory_space<vmem>> -> memref<128x16xf32, #tpu.memory_space<vmem>>
      %dma_wait3A_203 = arith.constant 0 : i32
      %dma_wait3A_204 = tpu.memref_slice %arg6[%add3A_197, %dma_wait3A_203] : memref<80x128xi32, #tpu.memory_space<vmem>> -> memref<1x128xi32, #tpu.memory_space<vmem>>
      %dma_wait3A_205 = tpu.memref_squeeze %dma_wait3A_204 : memref<1x128xi32, #tpu.memory_space<vmem>> -> memref<128xi32, #tpu.memory_space<vmem>>
      %dma_wait3A_206 = arith.constant 0 : i32
      %dma_wait3A_207 = arith.constant 0 : i32
      %dma_wait3A_208 = tpu.memref_slice %arg4[%dma_wait3A_206, %dma_wait3A_207] : memref<10240x16xf32, #tpu.memory_space<hbm>> -> memref<10240x16xf32, #tpu.memory_space<hbm>>
      tpu.wait_indirect_dma semaphore(%arg14 : memref<!tpu.dma_semaphore, #tpu.memory_space<semaphore_mem>>) src(%dma_wait3A_208 : memref<10240x16xf32, #tpu.memory_space<hbm>>) dst(%dma_wait3A_202 : memref<128x16xf32, #tpu.memory_space<vmem>>)
      %dma_start3A_209 = arith.constant 3 : i32
      %dma_start3A_210 = arith.constant 0 : i32
      %dma_start3A_211 = arith.constant 0 : i32
      %dma_start3A_212 = tpu.memref_slice %arg8[%dma_start3A_209, %dma_start3A_210, %dma_start3A_211] : memref<4x128x16xf32, #tpu.memory_space<vmem>> -> memref<1x128x16xf32, #tpu.memory_space<vmem>>
      %dma_start3A_213 = tpu.memref_squeeze %dma_start3A_212 : memref<1x128x16xf32, #tpu.memory_space<vmem>> -> memref<128x16xf32, #tpu.memory_space<vmem>>
      %dma_start3A_214 = arith.constant 0 : i32
      %dma_start3A_215 = tpu.memref_slice %arg7[%add3A_197, %dma_start3A_214] : memref<80x128xi32, #tpu.memory_space<vmem>> -> memref<1x128xi32, #tpu.memory_space<vmem>>
      %dma_start3A_216 = tpu.memref_squeeze %dma_start3A_215 : memref<1x128xi32, #tpu.memory_space<vmem>> -> memref<128xi32, #tpu.memory_space<vmem>>
      %dma_start3A_217 = arith.constant 0 : i32
      %dma_start3A_218 = arith.constant 0 : i32
      %dma_start3A_219 = tpu.memref_slice %arg10[%dma_start3A_217, %dma_start3A_218] : memref<10240x16xf32, #tpu.memory_space<vmem_shared>> -> memref<10240x16xf32, #tpu.memory_space<vmem_shared>>
      tpu.enqueue_indirect_dma source(%dma_start3A_213 : memref<128x16xf32, #tpu.memory_space<vmem>>) target(%dma_start3A_219 : memref<10240x16xf32, #tpu.memory_space<vmem_shared>>) offsets(%dma_start3A_216 : memref<128xi32, #tpu.memory_space<vmem>>) semaphore(%arg18 : memref<!tpu.dma_semaphore, #tpu.memory_space<semaphore_mem>>) {add = true}
      %add3A_220 = arith.constant 2 : i32
      %add3A_221 = arith.addi %add3A_197, %add3A_220 : i32
      %lt3A_222 = arith.constant 80 : i32
      %lt3A_223 = arith.cmpi slt, %add3A_221, %lt3A_222 : i32
      %convert_element_type3A_224 = arith.extui %lt3A_223 : i1 to i32
      %cond3A_225 = arith.constant 0 : i32
      %cond3A_226 = arith.cmpi ne, %convert_element_type3A_224, %cond3A_225 : i32
      scf.if %cond3A_226 {
        %ge3A = arith.constant 2 : i32
        %ge3A_227 = arith.cmpi sge, %add3A_197, %ge3A : i32
        %convert_element_type3A_228 = arith.extui %ge3A_227 : i1 to i32
        %cond3A_229 = arith.constant 0 : i32
        %cond3A_230 = arith.cmpi ne, %convert_element_type3A_228, %cond3A_229 : i32
        scf.if %cond3A_230 {
          %sub3A = arith.constant 4 : i32
          %sub3A_242 = arith.subi %add3A_221, %sub3A : i32
          %dma_wait3A_243 = arith.constant 1 : i32
          %dma_wait3A_244 = arith.constant 0 : i32
          %dma_wait3A_245 = arith.constant 0 : i32
          %dma_wait3A_246 = tpu.memref_slice %arg8[%dma_wait3A_243, %dma_wait3A_244, %dma_wait3A_245] : memref<4x128x16xf32, #tpu.memory_space<vmem>> -> memref<1x128x16xf32, #tpu.memory_space<vmem>>
          %dma_wait3A_247 = tpu.memref_squeeze %dma_wait3A_246 : memref<1x128x16xf32, #tpu.memory_space<vmem>> -> memref<128x16xf32, #tpu.memory_space<vmem>>
          %dma_wait3A_248 = arith.constant 0 : i32
          %dma_wait3A_249 = tpu.memref_slice %arg7[%sub3A_242, %dma_wait3A_248] : memref<80x128xi32, #tpu.memory_space<vmem>> -> memref<1x128xi32, #tpu.memory_space<vmem>>
          %dma_wait3A_250 = tpu.memref_squeeze %dma_wait3A_249 : memref<1x128xi32, #tpu.memory_space<vmem>> -> memref<128xi32, #tpu.memory_space<vmem>>
          %dma_wait3A_251 = arith.constant 0 : i32
          %dma_wait3A_252 = arith.constant 0 : i32
          %dma_wait3A_253 = tpu.memref_slice %arg10[%dma_wait3A_251, %dma_wait3A_252] : memref<10240x16xf32, #tpu.memory_space<vmem_shared>> -> memref<10240x16xf32, #tpu.memory_space<vmem_shared>>
          tpu.wait_indirect_dma semaphore(%arg16 : memref<!tpu.dma_semaphore, #tpu.memory_space<semaphore_mem>>) src(%dma_wait3A_247 : memref<128x16xf32, #tpu.memory_space<vmem>>) dst(%dma_wait3A_253 : memref<10240x16xf32, #tpu.memory_space<vmem_shared>>)
        } else {
        }
        %dma_start3A_231 = arith.constant 1 : i32
        %dma_start3A_232 = arith.constant 0 : i32
        %dma_start3A_233 = arith.constant 0 : i32
        %dma_start3A_234 = tpu.memref_slice %arg8[%dma_start3A_231, %dma_start3A_232, %dma_start3A_233] : memref<4x128x16xf32, #tpu.memory_space<vmem>> -> memref<1x128x16xf32, #tpu.memory_space<vmem>>
        %dma_start3A_235 = tpu.memref_squeeze %dma_start3A_234 : memref<1x128x16xf32, #tpu.memory_space<vmem>> -> memref<128x16xf32, #tpu.memory_space<vmem>>
        %dma_start3A_236 = arith.constant 0 : i32
        %dma_start3A_237 = tpu.memref_slice %arg6[%add3A_221, %dma_start3A_236] : memref<80x128xi32, #tpu.memory_space<vmem>> -> memref<1x128xi32, #tpu.memory_space<vmem>>
        %dma_start3A_238 = tpu.memref_squeeze %dma_start3A_237 : memref<1x128xi32, #tpu.memory_space<vmem>> -> memref<128xi32, #tpu.memory_space<vmem>>
        %dma_start3A_239 = arith.constant 0 : i32
        %dma_start3A_240 = arith.constant 0 : i32
        %dma_start3A_241 = tpu.memref_slice %arg4[%dma_start3A_239, %dma_start3A_240] : memref<10240x16xf32, #tpu.memory_space<hbm>> -> memref<10240x16xf32, #tpu.memory_space<hbm>>
        tpu.enqueue_indirect_dma source(%dma_start3A_241 : memref<10240x16xf32, #tpu.memory_space<hbm>>) target(%dma_start3A_235 : memref<128x16xf32, #tpu.memory_space<vmem>>) offsets(%dma_start3A_238 : memref<128xi32, #tpu.memory_space<vmem>>) semaphore(%arg12 : memref<!tpu.dma_semaphore, #tpu.memory_space<semaphore_mem>>)
      } else {
      }
    }
    %scan3A_48 = arith.constant 20 : i32
    %dma_wait3A = arith.constant 0 : i32
    %dma_wait3A_49 = arith.constant 76 : i32
    %dma_wait3A_50 = arith.constant 0 : i32
    %dma_wait3A_51 = arith.constant 0 : i32
    %dma_wait3A_52 = tpu.memref_slice %arg8[%dma_wait3A, %dma_wait3A_50, %dma_wait3A_51] : memref<4x128x16xf32, #tpu.memory_space<vmem>> -> memref<1x128x16xf32, #tpu.memory_space<vmem>>
    %dma_wait3A_53 = tpu.memref_squeeze %dma_wait3A_52 : memref<1x128x16xf32, #tpu.memory_space<vmem>> -> memref<128x16xf32, #tpu.memory_space<vmem>>
    %dma_wait3A_54 = arith.constant 0 : i32
    %dma_wait3A_55 = tpu.memref_slice %arg7[%dma_wait3A_49, %dma_wait3A_54] : memref<80x128xi32, #tpu.memory_space<vmem>> -> memref<1x128xi32, #tpu.memory_space<vmem>>
    %dma_wait3A_56 = tpu.memref_squeeze %dma_wait3A_55 : memref<1x128xi32, #tpu.memory_space<vmem>> -> memref<128xi32, #tpu.memory_space<vmem>>
    %dma_wait3A_57 = arith.constant 0 : i32
    %dma_wait3A_58 = arith.constant 0 : i32
    %dma_wait3A_59 = tpu.memref_slice %arg10[%dma_wait3A_57, %dma_wait3A_58] : memref<10240x16xf32, #tpu.memory_space<vmem_shared>> -> memref<10240x16xf32, #tpu.memory_space<vmem_shared>>
    tpu.wait_indirect_dma semaphore(%arg15 : memref<!tpu.dma_semaphore, #tpu.memory_space<semaphore_mem>>) src(%dma_wait3A_53 : memref<128x16xf32, #tpu.memory_space<vmem>>) dst(%dma_wait3A_59 : memref<10240x16xf32, #tpu.memory_space<vmem_shared>>)
    %dma_wait3A_60 = arith.constant 1 : i32
    %dma_wait3A_61 = arith.constant 77 : i32
    %dma_wait3A_62 = arith.constant 0 : i32
    %dma_wait3A_63 = arith.constant 0 : i32
    %dma_wait3A_64 = tpu.memref_slice %arg8[%dma_wait3A_60, %dma_wait3A_62, %dma_wait3A_63] : memref<4x128x16xf32, #tpu.memory_space<vmem>> -> memref<1x128x16xf32, #tpu.memory_space<vmem>>
    %dma_wait3A_65 = tpu.memref_squeeze %dma_wait3A_64 : memref<1x128x16xf32, #tpu.memory_space<vmem>> -> memref<128x16xf32, #tpu.memory_space<vmem>>
    %dma_wait3A_66 = arith.constant 0 : i32
    %dma_wait3A_67 = tpu.memref_slice %arg7[%dma_wait3A_61, %dma_wait3A_66] : memref<80x128xi32, #tpu.memory_space<vmem>> -> memref<1x128xi32, #tpu.memory_space<vmem>>
    %dma_wait3A_68 = tpu.memref_squeeze %dma_wait3A_67 : memref<1x128xi32, #tpu.memory_space<vmem>> -> memref<128xi32, #tpu.memory_space<vmem>>
    %dma_wait3A_69 = arith.constant 0 : i32
    %dma_wait3A_70 = arith.constant 0 : i32
    %dma_wait3A_71 = tpu.memref_slice %arg10[%dma_wait3A_69, %dma_wait3A_70] : memref<10240x16xf32, #tpu.memory_space<vmem_shared>> -> memref<10240x16xf32, #tpu.memory_space<vmem_shared>>
    tpu.wait_indirect_dma semaphore(%arg16 : memref<!tpu.dma_semaphore, #tpu.memory_space<semaphore_mem>>) src(%dma_wait3A_65 : memref<128x16xf32, #tpu.memory_space<vmem>>) dst(%dma_wait3A_71 : memref<10240x16xf32, #tpu.memory_space<vmem_shared>>)
    %dma_wait3A_72 = arith.constant 2 : i32
    %dma_wait3A_73 = arith.constant 78 : i32
    %dma_wait3A_74 = arith.constant 0 : i32
    %dma_wait3A_75 = arith.constant 0 : i32
    %dma_wait3A_76 = tpu.memref_slice %arg8[%dma_wait3A_72, %dma_wait3A_74, %dma_wait3A_75] : memref<4x128x16xf32, #tpu.memory_space<vmem>> -> memref<1x128x16xf32, #tpu.memory_space<vmem>>
    %dma_wait3A_77 = tpu.memref_squeeze %dma_wait3A_76 : memref<1x128x16xf32, #tpu.memory_space<vmem>> -> memref<128x16xf32, #tpu.memory_space<vmem>>
    %dma_wait3A_78 = arith.constant 0 : i32
    %dma_wait3A_79 = tpu.memref_slice %arg7[%dma_wait3A_73, %dma_wait3A_78] : memref<80x128xi32, #tpu.memory_space<vmem>> -> memref<1x128xi32, #tpu.memory_space<vmem>>
    %dma_wait3A_80 = tpu.memref_squeeze %dma_wait3A_79 : memref<1x128xi32, #tpu.memory_space<vmem>> -> memref<128xi32, #tpu.memory_space<vmem>>
    %dma_wait3A_81 = arith.constant 0 : i32
    %dma_wait3A_82 = arith.constant 0 : i32
    %dma_wait3A_83 = tpu.memref_slice %arg10[%dma_wait3A_81, %dma_wait3A_82] : memref<10240x16xf32, #tpu.memory_space<vmem_shared>> -> memref<10240x16xf32, #tpu.memory_space<vmem_shared>>
    tpu.wait_indirect_dma semaphore(%arg17 : memref<!tpu.dma_semaphore, #tpu.memory_space<semaphore_mem>>) src(%dma_wait3A_77 : memref<128x16xf32, #tpu.memory_space<vmem>>) dst(%dma_wait3A_83 : memref<10240x16xf32, #tpu.memory_space<vmem_shared>>)
    %dma_wait3A_84 = arith.constant 3 : i32
    %dma_wait3A_85 = arith.constant 79 : i32
    %dma_wait3A_86 = arith.constant 0 : i32
    %dma_wait3A_87 = arith.constant 0 : i32
    %dma_wait3A_88 = tpu.memref_slice %arg8[%dma_wait3A_84, %dma_wait3A_86, %dma_wait3A_87] : memref<4x128x16xf32, #tpu.memory_space<vmem>> -> memref<1x128x16xf32, #tpu.memory_space<vmem>>
    %dma_wait3A_89 = tpu.memref_squeeze %dma_wait3A_88 : memref<1x128x16xf32, #tpu.memory_space<vmem>> -> memref<128x16xf32, #tpu.memory_space<vmem>>
    %dma_wait3A_90 = arith.constant 0 : i32
    %dma_wait3A_91 = tpu.memref_slice %arg7[%dma_wait3A_85, %dma_wait3A_90] : memref<80x128xi32, #tpu.memory_space<vmem>> -> memref<1x128xi32, #tpu.memory_space<vmem>>
    %dma_wait3A_92 = tpu.memref_squeeze %dma_wait3A_91 : memref<1x128xi32, #tpu.memory_space<vmem>> -> memref<128xi32, #tpu.memory_space<vmem>>
    %dma_wait3A_93 = arith.constant 0 : i32
    %dma_wait3A_94 = arith.constant 0 : i32
    %dma_wait3A_95 = tpu.memref_slice %arg10[%dma_wait3A_93, %dma_wait3A_94] : memref<10240x16xf32, #tpu.memory_space<vmem_shared>> -> memref<10240x16xf32, #tpu.memory_space<vmem_shared>>
    tpu.wait_indirect_dma semaphore(%arg18 : memref<!tpu.dma_semaphore, #tpu.memory_space<semaphore_mem>>) src(%dma_wait3A_89 : memref<128x16xf32, #tpu.memory_space<vmem>>) dst(%dma_wait3A_95 : memref<10240x16xf32, #tpu.memory_space<vmem_shared>>)
    %barrier3A_96 = arith.constant 0 : index
    tpu.barrier barrier_id(%barrier3A_96)
    "tpu.region"() ({
      %run_scoped3A = tpu.sem_alloc : memref<!tpu.dma_semaphore, #tpu.memory_space<semaphore_mem>>
      %dma_start3A_97 = arith.constant 0 : i32
      %dma_start3A_98 = tpu.memref_slice %arg5[%arg0, %mul3A_2, %dma_start3A_97] : memref<2x10240x16xf32, #tpu.memory_space<hbm>> -> memref<1x640x16xf32, #tpu.memory_space<hbm>>
      %dma_start3A_99 = tpu.memref_squeeze %dma_start3A_98 : memref<1x640x16xf32, #tpu.memory_space<hbm>> -> memref<640x16xf32, #tpu.memory_space<hbm>>
      %dma_start3A_100 = arith.constant 0 : i32
      %dma_start3A_101 = tpu.memref_slice %arg10[%mul3A_2, %dma_start3A_100] : memref<10240x16xf32, #tpu.memory_space<vmem_shared>> -> memref<640x16xf32, #tpu.memory_space<vmem_shared>>
      tpu.enqueue_dma source(%dma_start3A_101 : memref<640x16xf32, #tpu.memory_space<vmem_shared>>) target(%dma_start3A_99 : memref<640x16xf32, #tpu.memory_space<hbm>>) target_semaphore(%run_scoped3A : memref<!tpu.dma_semaphore, #tpu.memory_space<semaphore_mem>>)
      %dma_wait3A_102 = arith.constant 0 : i32
      %dma_wait3A_103 = tpu.memref_slice %arg5[%arg0, %mul3A_2, %dma_wait3A_102] : memref<2x10240x16xf32, #tpu.memory_space<hbm>> -> memref<1x640x16xf32, #tpu.memory_space<hbm>>
      %dma_wait3A_104 = tpu.memref_squeeze %dma_wait3A_103 : memref<1x640x16xf32, #tpu.memory_space<hbm>> -> memref<640x16xf32, #tpu.memory_space<hbm>>
      %dma_wait3A_105 = arith.constant 0 : i32
      %dma_wait3A_106 = tpu.memref_slice %arg10[%mul3A_2, %dma_wait3A_105] : memref<10240x16xf32, #tpu.memory_space<vmem_shared>> -> memref<640x16xf32, #tpu.memory_space<vmem_shared>>
      tpu.wait_dma2 semaphore(%run_scoped3A : memref<!tpu.dma_semaphore, #tpu.memory_space<semaphore_mem>>) src(%dma_wait3A_106 : memref<640x16xf32, #tpu.memory_space<vmem_shared>>) dst(%dma_wait3A_104 : memref<640x16xf32, #tpu.memory_space<hbm>>)
      tpu.yield
    }) : () -> ()
    return
  }
}

#map = affine_map<(d0, d1) -> (0, 0)>
#map1 = affine_map<(d0, d1) -> (0, 0, 0)>
module attributes {stable_mosaic.version = 14 : i64} {
  func.func @agg_kernel(%arg0: i32, %arg1: i32, %arg2: memref<2560x128xi32, #tpu.memory_space<hbm>>, %arg3: memref<2560x128xi32, #tpu.memory_space<hbm>>, %arg4: memref<10240x32xf32, #tpu.memory_space<hbm>>, %arg5: memref<2x10240x32xf32, #tpu.memory_space<hbm>>, %arg6: memref<80x128xi32, #tpu.memory_space<vmem>>, %arg7: memref<80x128xi32, #tpu.memory_space<vmem>>, %arg8: memref<4x128x32xf32, #tpu.memory_space<vmem>>, %arg9: memref<128x32xf32, #tpu.memory_space<vmem>>, %arg10: memref<10240x32xf32, #tpu.memory_space<vmem_shared>>, %arg11: memref<!tpu.dma_semaphore, #tpu.memory_space<semaphore_mem>>, %arg12: memref<!tpu.dma_semaphore, #tpu.memory_space<semaphore_mem>>, %arg13: memref<!tpu.dma_semaphore, #tpu.memory_space<semaphore_mem>>, %arg14: memref<!tpu.dma_semaphore, #tpu.memory_space<semaphore_mem>>, %arg15: memref<!tpu.dma_semaphore, #tpu.memory_space<semaphore_mem>>, %arg16: memref<!tpu.dma_semaphore, #tpu.memory_space<semaphore_mem>>, %arg17: memref<!tpu.dma_semaphore, #tpu.memory_space<semaphore_mem>>, %arg18: memref<!tpu.dma_semaphore, #tpu.memory_space<semaphore_mem>>) attributes {dimension_semantics = [#tpu.dimension_semantics<core_parallel>, #tpu.dimension_semantics<subcore_parallel>], iteration_bounds = array<i64: 2, 16>, scalar_prefetch = 0 : i64, scratch_operands = 13 : i64, tpu.core_type = #tpu.core_type<sc_vector_subcore>, window_params = [{transform_indices = #map}, {transform_indices = #map}, {transform_indices = #map}, {transform_indices = #map1}]} {
    %mul3A = arith.constant 16 : i32
    %mul3A_0 = arith.muli %arg0, %mul3A : i32
    %add3A = arith.addi %mul3A_0, %arg1 : i32
    %mul3A_1 = arith.constant 640 : i32
    %mul3A_2 = arith.muli %arg1, %mul3A_1 : i32
    %scan3A = arith.constant 0 : i32
    %scan3A_3 = arith.constant 256 : i32
    %scan3A_4 = arith.addi %scan3A, %scan3A_3 : i32
    %scan3A_5 = arith.constant 1 : i32
    scf.for %scan3A_97 = %scan3A to %scan3A_4 step %scan3A_5  : i32 {
      %jit3A = arith.constant 2 : i32
      %div3A = arith.divsi %scan3A_97, %jit3A : i32
      %sign3A = arith.constant 0 : i32
      %sign3A_98 = arith.cmpi sgt, %scan3A_97, %sign3A : i32
      %sign3A_99 = arith.extui %sign3A_98 : i1 to i32
      %sign3A_100 = arith.constant 0 : i32
      %sign3A_101 = arith.cmpi slt, %scan3A_97, %sign3A_100 : i32
      %sign3A_102 = arith.extui %sign3A_101 : i1 to i32
      %sign3A_103 = arith.subi %sign3A_99, %sign3A_102 : i32
      %sign3A_104 = arith.constant 0 : i32
      %sign3A_105 = arith.cmpi sgt, %jit3A, %sign3A_104 : i32
      %sign3A_106 = arith.extui %sign3A_105 : i1 to i32
      %sign3A_107 = arith.constant 0 : i32
      %sign3A_108 = arith.cmpi slt, %jit3A, %sign3A_107 : i32
      %sign3A_109 = arith.extui %sign3A_108 : i1 to i32
      %sign3A_110 = arith.subi %sign3A_106, %sign3A_109 : i32
      %ne3A = arith.cmpi ne, %sign3A_103, %sign3A_110 : i32
      %rem3A = arith.remsi %scan3A_97, %jit3A : i32
      %ne3A_111 = arith.constant 0 : i32
      %ne3A_112 = arith.cmpi ne, %rem3A, %ne3A_111 : i32
      %and3A = arith.andi %ne3A, %ne3A_112 : i1
      %sub3A = arith.constant 1 : i32
      %sub3A_113 = arith.subi %div3A, %sub3A : i32
      %select_n3A = arith.select %and3A, %sub3A_113, %div3A : i32
      %jit3A_114 = arith.constant 2 : i32
      %eq3A = arith.constant 0 : i32
      %eq3A_115 = arith.cmpi eq, %jit3A_114, %eq3A : i32
      %jit3A_116 = arith.constant 1 : i32
      %select_n3A_117 = arith.select %eq3A_115, %jit3A_116, %jit3A_114 : i32
      %rem3A_118 = arith.remsi %scan3A_97, %select_n3A_117 : i32
      %ne3A_119 = arith.constant 0 : i32
      %ne3A_120 = arith.cmpi ne, %rem3A_118, %ne3A_119 : i32
      %lt3A = arith.constant 0 : i32
      %lt3A_121 = arith.cmpi slt, %rem3A_118, %lt3A : i32
      %lt3A_122 = arith.constant 0 : i32
      %lt3A_123 = arith.cmpi slt, %select_n3A_117, %lt3A_122 : i32
      %ne3A_124 = arith.xori %lt3A_121, %lt3A_123 : i1
      %and3A_125 = arith.andi %ne3A_124, %ne3A_120 : i1
      %add3A_126 = arith.addi %rem3A_118, %select_n3A_117 : i32
      %select_n3A_127 = arith.select %and3A_125, %add3A_126, %rem3A_118 : i32
      %broadcast_in_dim3A = arith.constant 0.000000e+00 : f32
      %broadcast_in_dim3A_128 = vector.broadcast %broadcast_in_dim3A : f32 to vector<16xf32>
      %mul3A_129 = arith.constant 16 : i32
      %mul3A_130 = arith.muli %select_n3A_127, %mul3A_129 : i32
      %swap3A = arith.index_cast %select_n3A : i32 to index
      %swap3A_131 = arith.index_cast %mul3A_130 : i32 to index
      %swap3A_132 = tpu.vector_load %arg9[%swap3A, %swap3A_131] {strides = array<i32>} : memref<128x32xf32, #tpu.memory_space<vmem>>, vector<1x16xf32>,
      %swap3A_133 = vector.shape_cast %swap3A_132 : vector<1x16xf32> to vector<16xf32>
      %swap3A_134 = vector.shape_cast %broadcast_in_dim3A_128 : vector<16xf32> to vector<1x16xf32>
      tpu.vector_store %arg9[%swap3A, %swap3A_131], %swap3A_134 {strides = array<i32>} : memref<128x32xf32, #tpu.memory_space<vmem>>, vector<1x16xf32>,
    }
    %scan3A_6 = arith.constant 256 : i32
    %add3A_7 = arith.constant 0 : i32
    %add3A_8 = arith.addi %mul3A_2, %add3A_7 : i32
    "tpu.region"() ({
      %run_scoped3A = tpu.sem_alloc : memref<!tpu.dma_semaphore, #tpu.memory_space<semaphore_mem>>
      %dma_start3A_97 = arith.constant 0 : i32
      %dma_start3A_98 = tpu.memref_slice %arg10[%add3A_8, %dma_start3A_97] : memref<10240x32xf32, #tpu.memory_space<vmem_shared>> -> memref<128x32xf32, #tpu.memory_space<vmem_shared>>
      %dma_start3A_99 = arith.constant 0 : i32
      %dma_start3A_100 = tpu.memref_slice %arg10[%add3A_8, %dma_start3A_99] : memref<10240x32xf32, #tpu.memory_space<vmem_shared>> -> memref<128x32xf32, #tpu.memory_space<vmem_shared>>
      tpu.enqueue_dma source(%arg9 : memref<128x32xf32, #tpu.memory_space<vmem>>) target(%dma_start3A_100 : memref<128x32xf32, #tpu.memory_space<vmem_shared>>) target_semaphore(%run_scoped3A : memref<!tpu.dma_semaphore, #tpu.memory_space<semaphore_mem>>)
      %dma_wait3A_101 = arith.constant 0 : i32
      %dma_wait3A_102 = tpu.memref_slice %arg10[%add3A_8, %dma_wait3A_101] : memref<10240x32xf32, #tpu.memory_space<vmem_shared>> -> memref<128x32xf32, #tpu.memory_space<vmem_shared>>
      %dma_wait3A_103 = arith.constant 0 : i32
      %dma_wait3A_104 = tpu.memref_slice %arg10[%add3A_8, %dma_wait3A_103] : memref<10240x32xf32, #tpu.memory_space<vmem_shared>> -> memref<128x32xf32, #tpu.memory_space<vmem_shared>>
      tpu.wait_dma2 semaphore(%run_scoped3A : memref<!tpu.dma_semaphore, #tpu.memory_space<semaphore_mem>>) src(%arg9 : memref<128x32xf32, #tpu.memory_space<vmem>>) dst(%dma_wait3A_104 : memref<128x32xf32, #tpu.memory_space<vmem_shared>>)
      tpu.yield
    }) : () -> ()
    %add3A_9 = arith.constant 128 : i32
    %add3A_10 = arith.addi %mul3A_2, %add3A_9 : i32
    "tpu.region"() ({
      %run_scoped3A = tpu.sem_alloc : memref<!tpu.dma_semaphore, #tpu.memory_space<semaphore_mem>>
      %dma_start3A_97 = arith.constant 0 : i32
      %dma_start3A_98 = tpu.memref_slice %arg10[%add3A_10, %dma_start3A_97] : memref<10240x32xf32, #tpu.memory_space<vmem_shared>> -> memref<128x32xf32, #tpu.memory_space<vmem_shared>>
      %dma_start3A_99 = arith.constant 0 : i32
      %dma_start3A_100 = tpu.memref_slice %arg10[%add3A_10, %dma_start3A_99] : memref<10240x32xf32, #tpu.memory_space<vmem_shared>> -> memref<128x32xf32, #tpu.memory_space<vmem_shared>>
      tpu.enqueue_dma source(%arg9 : memref<128x32xf32, #tpu.memory_space<vmem>>) target(%dma_start3A_100 : memref<128x32xf32, #tpu.memory_space<vmem_shared>>) target_semaphore(%run_scoped3A : memref<!tpu.dma_semaphore, #tpu.memory_space<semaphore_mem>>)
      %dma_wait3A_101 = arith.constant 0 : i32
      %dma_wait3A_102 = tpu.memref_slice %arg10[%add3A_10, %dma_wait3A_101] : memref<10240x32xf32, #tpu.memory_space<vmem_shared>> -> memref<128x32xf32, #tpu.memory_space<vmem_shared>>
      %dma_wait3A_103 = arith.constant 0 : i32
      %dma_wait3A_104 = tpu.memref_slice %arg10[%add3A_10, %dma_wait3A_103] : memref<10240x32xf32, #tpu.memory_space<vmem_shared>> -> memref<128x32xf32, #tpu.memory_space<vmem_shared>>
      tpu.wait_dma2 semaphore(%run_scoped3A : memref<!tpu.dma_semaphore, #tpu.memory_space<semaphore_mem>>) src(%arg9 : memref<128x32xf32, #tpu.memory_space<vmem>>) dst(%dma_wait3A_104 : memref<128x32xf32, #tpu.memory_space<vmem_shared>>)
      tpu.yield
    }) : () -> ()
    %add3A_11 = arith.constant 256 : i32
    %add3A_12 = arith.addi %mul3A_2, %add3A_11 : i32
    "tpu.region"() ({
      %run_scoped3A = tpu.sem_alloc : memref<!tpu.dma_semaphore, #tpu.memory_space<semaphore_mem>>
      %dma_start3A_97 = arith.constant 0 : i32
      %dma_start3A_98 = tpu.memref_slice %arg10[%add3A_12, %dma_start3A_97] : memref<10240x32xf32, #tpu.memory_space<vmem_shared>> -> memref<128x32xf32, #tpu.memory_space<vmem_shared>>
      %dma_start3A_99 = arith.constant 0 : i32
      %dma_start3A_100 = tpu.memref_slice %arg10[%add3A_12, %dma_start3A_99] : memref<10240x32xf32, #tpu.memory_space<vmem_shared>> -> memref<128x32xf32, #tpu.memory_space<vmem_shared>>
      tpu.enqueue_dma source(%arg9 : memref<128x32xf32, #tpu.memory_space<vmem>>) target(%dma_start3A_100 : memref<128x32xf32, #tpu.memory_space<vmem_shared>>) target_semaphore(%run_scoped3A : memref<!tpu.dma_semaphore, #tpu.memory_space<semaphore_mem>>)
      %dma_wait3A_101 = arith.constant 0 : i32
      %dma_wait3A_102 = tpu.memref_slice %arg10[%add3A_12, %dma_wait3A_101] : memref<10240x32xf32, #tpu.memory_space<vmem_shared>> -> memref<128x32xf32, #tpu.memory_space<vmem_shared>>
      %dma_wait3A_103 = arith.constant 0 : i32
      %dma_wait3A_104 = tpu.memref_slice %arg10[%add3A_12, %dma_wait3A_103] : memref<10240x32xf32, #tpu.memory_space<vmem_shared>> -> memref<128x32xf32, #tpu.memory_space<vmem_shared>>
      tpu.wait_dma2 semaphore(%run_scoped3A : memref<!tpu.dma_semaphore, #tpu.memory_space<semaphore_mem>>) src(%arg9 : memref<128x32xf32, #tpu.memory_space<vmem>>) dst(%dma_wait3A_104 : memref<128x32xf32, #tpu.memory_space<vmem_shared>>)
      tpu.yield
    }) : () -> ()
    %add3A_13 = arith.constant 384 : i32
    %add3A_14 = arith.addi %mul3A_2, %add3A_13 : i32
    "tpu.region"() ({
      %run_scoped3A = tpu.sem_alloc : memref<!tpu.dma_semaphore, #tpu.memory_space<semaphore_mem>>
      %dma_start3A_97 = arith.constant 0 : i32
      %dma_start3A_98 = tpu.memref_slice %arg10[%add3A_14, %dma_start3A_97] : memref<10240x32xf32, #tpu.memory_space<vmem_shared>> -> memref<128x32xf32, #tpu.memory_space<vmem_shared>>
      %dma_start3A_99 = arith.constant 0 : i32
      %dma_start3A_100 = tpu.memref_slice %arg10[%add3A_14, %dma_start3A_99] : memref<10240x32xf32, #tpu.memory_space<vmem_shared>> -> memref<128x32xf32, #tpu.memory_space<vmem_shared>>
      tpu.enqueue_dma source(%arg9 : memref<128x32xf32, #tpu.memory_space<vmem>>) target(%dma_start3A_100 : memref<128x32xf32, #tpu.memory_space<vmem_shared>>) target_semaphore(%run_scoped3A : memref<!tpu.dma_semaphore, #tpu.memory_space<semaphore_mem>>)
      %dma_wait3A_101 = arith.constant 0 : i32
      %dma_wait3A_102 = tpu.memref_slice %arg10[%add3A_14, %dma_wait3A_101] : memref<10240x32xf32, #tpu.memory_space<vmem_shared>> -> memref<128x32xf32, #tpu.memory_space<vmem_shared>>
      %dma_wait3A_103 = arith.constant 0 : i32
      %dma_wait3A_104 = tpu.memref_slice %arg10[%add3A_14, %dma_wait3A_103] : memref<10240x32xf32, #tpu.memory_space<vmem_shared>> -> memref<128x32xf32, #tpu.memory_space<vmem_shared>>
      tpu.wait_dma2 semaphore(%run_scoped3A : memref<!tpu.dma_semaphore, #tpu.memory_space<semaphore_mem>>) src(%arg9 : memref<128x32xf32, #tpu.memory_space<vmem>>) dst(%dma_wait3A_104 : memref<128x32xf32, #tpu.memory_space<vmem_shared>>)
      tpu.yield
    }) : () -> ()
    %add3A_15 = arith.constant 512 : i32
    %add3A_16 = arith.addi %mul3A_2, %add3A_15 : i32
    "tpu.region"() ({
      %run_scoped3A = tpu.sem_alloc : memref<!tpu.dma_semaphore, #tpu.memory_space<semaphore_mem>>
      %dma_start3A_97 = arith.constant 0 : i32
      %dma_start3A_98 = tpu.memref_slice %arg10[%add3A_16, %dma_start3A_97] : memref<10240x32xf32, #tpu.memory_space<vmem_shared>> -> memref<128x32xf32, #tpu.memory_space<vmem_shared>>
      %dma_start3A_99 = arith.constant 0 : i32
      %dma_start3A_100 = tpu.memref_slice %arg10[%add3A_16, %dma_start3A_99] : memref<10240x32xf32, #tpu.memory_space<vmem_shared>> -> memref<128x32xf32, #tpu.memory_space<vmem_shared>>
      tpu.enqueue_dma source(%arg9 : memref<128x32xf32, #tpu.memory_space<vmem>>) target(%dma_start3A_100 : memref<128x32xf32, #tpu.memory_space<vmem_shared>>) target_semaphore(%run_scoped3A : memref<!tpu.dma_semaphore, #tpu.memory_space<semaphore_mem>>)
      %dma_wait3A_101 = arith.constant 0 : i32
      %dma_wait3A_102 = tpu.memref_slice %arg10[%add3A_16, %dma_wait3A_101] : memref<10240x32xf32, #tpu.memory_space<vmem_shared>> -> memref<128x32xf32, #tpu.memory_space<vmem_shared>>
      %dma_wait3A_103 = arith.constant 0 : i32
      %dma_wait3A_104 = tpu.memref_slice %arg10[%add3A_16, %dma_wait3A_103] : memref<10240x32xf32, #tpu.memory_space<vmem_shared>> -> memref<128x32xf32, #tpu.memory_space<vmem_shared>>
      tpu.wait_dma2 semaphore(%run_scoped3A : memref<!tpu.dma_semaphore, #tpu.memory_space<semaphore_mem>>) src(%arg9 : memref<128x32xf32, #tpu.memory_space<vmem>>) dst(%dma_wait3A_104 : memref<128x32xf32, #tpu.memory_space<vmem_shared>>)
      tpu.yield
    }) : () -> ()
    %barrier3A = arith.constant 0 : index
    tpu.barrier barrier_id(%barrier3A)
    %mul3A_17 = arith.constant 80 : i32
    %mul3A_18 = arith.muli %add3A, %mul3A_17 : i32
    "tpu.region"() ({
      %run_scoped3A = tpu.sem_alloc : memref<!tpu.dma_semaphore, #tpu.memory_space<semaphore_mem>>
      %dma_start3A_97 = arith.constant 0 : i32
      %dma_start3A_98 = tpu.memref_slice %arg2[%mul3A_18, %dma_start3A_97] : memref<2560x128xi32, #tpu.memory_space<hbm>> -> memref<80x128xi32, #tpu.memory_space<hbm>>
      %dma_start3A_99 = arith.constant 0 : i32
      %dma_start3A_100 = tpu.memref_slice %arg2[%mul3A_18, %dma_start3A_99] : memref<2560x128xi32, #tpu.memory_space<hbm>> -> memref<80x128xi32, #tpu.memory_space<hbm>>
      tpu.enqueue_dma source(%dma_start3A_100 : memref<80x128xi32, #tpu.memory_space<hbm>>) target(%arg6 : memref<80x128xi32, #tpu.memory_space<vmem>>) target_semaphore(%run_scoped3A : memref<!tpu.dma_semaphore, #tpu.memory_space<semaphore_mem>>)
      %dma_wait3A_101 = arith.constant 0 : i32
      %dma_wait3A_102 = tpu.memref_slice %arg2[%mul3A_18, %dma_wait3A_101] : memref<2560x128xi32, #tpu.memory_space<hbm>> -> memref<80x128xi32, #tpu.memory_space<hbm>>
      %dma_wait3A_103 = arith.constant 0 : i32
      %dma_wait3A_104 = tpu.memref_slice %arg2[%mul3A_18, %dma_wait3A_103] : memref<2560x128xi32, #tpu.memory_space<hbm>> -> memref<80x128xi32, #tpu.memory_space<hbm>>
      tpu.wait_dma2 semaphore(%run_scoped3A : memref<!tpu.dma_semaphore, #tpu.memory_space<semaphore_mem>>) src(%dma_wait3A_104 : memref<80x128xi32, #tpu.memory_space<hbm>>) dst(%arg6 : memref<80x128xi32, #tpu.memory_space<vmem>>)
      tpu.yield
    }) : () -> ()
    %mul3A_19 = arith.constant 80 : i32
    %mul3A_20 = arith.muli %add3A, %mul3A_19 : i32
    "tpu.region"() ({
      %run_scoped3A = tpu.sem_alloc : memref<!tpu.dma_semaphore, #tpu.memory_space<semaphore_mem>>
      %dma_start3A_97 = arith.constant 0 : i32
      %dma_start3A_98 = tpu.memref_slice %arg3[%mul3A_20, %dma_start3A_97] : memref<2560x128xi32, #tpu.memory_space<hbm>> -> memref<80x128xi32, #tpu.memory_space<hbm>>
      %dma_start3A_99 = arith.constant 0 : i32
      %dma_start3A_100 = tpu.memref_slice %arg3[%mul3A_20, %dma_start3A_99] : memref<2560x128xi32, #tpu.memory_space<hbm>> -> memref<80x128xi32, #tpu.memory_space<hbm>>
      tpu.enqueue_dma source(%dma_start3A_100 : memref<80x128xi32, #tpu.memory_space<hbm>>) target(%arg7 : memref<80x128xi32, #tpu.memory_space<vmem>>) target_semaphore(%run_scoped3A : memref<!tpu.dma_semaphore, #tpu.memory_space<semaphore_mem>>)
      %dma_wait3A_101 = arith.constant 0 : i32
      %dma_wait3A_102 = tpu.memref_slice %arg3[%mul3A_20, %dma_wait3A_101] : memref<2560x128xi32, #tpu.memory_space<hbm>> -> memref<80x128xi32, #tpu.memory_space<hbm>>
      %dma_wait3A_103 = arith.constant 0 : i32
      %dma_wait3A_104 = tpu.memref_slice %arg3[%mul3A_20, %dma_wait3A_103] : memref<2560x128xi32, #tpu.memory_space<hbm>> -> memref<80x128xi32, #tpu.memory_space<hbm>>
      tpu.wait_dma2 semaphore(%run_scoped3A : memref<!tpu.dma_semaphore, #tpu.memory_space<semaphore_mem>>) src(%dma_wait3A_104 : memref<80x128xi32, #tpu.memory_space<hbm>>) dst(%arg7 : memref<80x128xi32, #tpu.memory_space<vmem>>)
      tpu.yield
    }) : () -> ()
    %dma_start3A = arith.constant 0 : i32
    %dma_start3A_21 = arith.constant 0 : i32
    %dma_start3A_22 = arith.constant 0 : i32
    %dma_start3A_23 = arith.constant 0 : i32
    %dma_start3A_24 = tpu.memref_slice %arg8[%dma_start3A_21, %dma_start3A_22, %dma_start3A_23] : memref<4x128x32xf32, #tpu.memory_space<vmem>> -> memref<1x128x32xf32, #tpu.memory_space<vmem>>
    %dma_start3A_25 = tpu.memref_squeeze %dma_start3A_24 : memref<1x128x32xf32, #tpu.memory_space<vmem>> -> memref<128x32xf32, #tpu.memory_space<vmem>>
    %dma_start3A_26 = arith.constant 0 : i32
    %dma_start3A_27 = tpu.memref_slice %arg6[%dma_start3A, %dma_start3A_26] : memref<80x128xi32, #tpu.memory_space<vmem>> -> memref<1x128xi32, #tpu.memory_space<vmem>>
    %dma_start3A_28 = tpu.memref_squeeze %dma_start3A_27 : memref<1x128xi32, #tpu.memory_space<vmem>> -> memref<128xi32, #tpu.memory_space<vmem>>
    %dma_start3A_29 = arith.constant 0 : i32
    %dma_start3A_30 = arith.constant 0 : i32
    %dma_start3A_31 = tpu.memref_slice %arg4[%dma_start3A_29, %dma_start3A_30] : memref<10240x32xf32, #tpu.memory_space<hbm>> -> memref<10240x32xf32, #tpu.memory_space<hbm>>
    tpu.enqueue_indirect_dma source(%dma_start3A_31 : memref<10240x32xf32, #tpu.memory_space<hbm>>) target(%dma_start3A_25 : memref<128x32xf32, #tpu.memory_space<vmem>>) offsets(%dma_start3A_28 : memref<128xi32, #tpu.memory_space<vmem>>) semaphore(%arg11 : memref<!tpu.dma_semaphore, #tpu.memory_space<semaphore_mem>>)
    %dma_start3A_32 = arith.constant 1 : i32
    %dma_start3A_33 = arith.constant 1 : i32
    %dma_start3A_34 = arith.constant 0 : i32
    %dma_start3A_35 = arith.constant 0 : i32
    %dma_start3A_36 = tpu.memref_slice %arg8[%dma_start3A_33, %dma_start3A_34, %dma_start3A_35] : memref<4x128x32xf32, #tpu.memory_space<vmem>> -> memref<1x128x32xf32, #tpu.memory_space<vmem>>
    %dma_start3A_37 = tpu.memref_squeeze %dma_start3A_36 : memref<1x128x32xf32, #tpu.memory_space<vmem>> -> memref<128x32xf32, #tpu.memory_space<vmem>>
    %dma_start3A_38 = arith.constant 0 : i32
    %dma_start3A_39 = tpu.memref_slice %arg6[%dma_start3A_32, %dma_start3A_38] : memref<80x128xi32, #tpu.memory_space<vmem>> -> memref<1x128xi32, #tpu.memory_space<vmem>>
    %dma_start3A_40 = tpu.memref_squeeze %dma_start3A_39 : memref<1x128xi32, #tpu.memory_space<vmem>> -> memref<128xi32, #tpu.memory_space<vmem>>
    %dma_start3A_41 = arith.constant 0 : i32
    %dma_start3A_42 = arith.constant 0 : i32
    %dma_start3A_43 = tpu.memref_slice %arg4[%dma_start3A_41, %dma_start3A_42] : memref<10240x32xf32, #tpu.memory_space<hbm>> -> memref<10240x32xf32, #tpu.memory_space<hbm>>
    tpu.enqueue_indirect_dma source(%dma_start3A_43 : memref<10240x32xf32, #tpu.memory_space<hbm>>) target(%dma_start3A_37 : memref<128x32xf32, #tpu.memory_space<vmem>>) offsets(%dma_start3A_40 : memref<128xi32, #tpu.memory_space<vmem>>) semaphore(%arg12 : memref<!tpu.dma_semaphore, #tpu.memory_space<semaphore_mem>>)
    %scan3A_44 = arith.constant 0 : i32
    %scan3A_45 = arith.constant 20 : i32
    %scan3A_46 = arith.addi %scan3A_44, %scan3A_45 : i32
    %scan3A_47 = arith.constant 1 : i32
    scf.for %scan3A_97 = %scan3A_44 to %scan3A_46 step %scan3A_47  : i32 {
      %mul3A_98 = arith.constant 4 : i32
      %mul3A_99 = arith.muli %scan3A_97, %mul3A_98 : i32
      %add3A_100 = arith.constant 0 : i32
      %add3A_101 = arith.addi %mul3A_99, %add3A_100 : i32
      %dma_wait3A_102 = arith.constant 0 : i32
      %dma_wait3A_103 = arith.constant 0 : i32
      %dma_wait3A_104 = arith.constant 0 : i32
      %dma_wait3A_105 = tpu.memref_slice %arg8[%dma_wait3A_102, %dma_wait3A_103, %dma_wait3A_104] : memref<4x128x32xf32, #tpu.memory_space<vmem>> -> memref<1x128x32xf32, #tpu.memory_space<vmem>>
      %dma_wait3A_106 = tpu.memref_squeeze %dma_wait3A_105 : memref<1x128x32xf32, #tpu.memory_space<vmem>> -> memref<128x32xf32, #tpu.memory_space<vmem>>
      %dma_wait3A_107 = arith.constant 0 : i32
      %dma_wait3A_108 = tpu.memref_slice %arg6[%add3A_101, %dma_wait3A_107] : memref<80x128xi32, #tpu.memory_space<vmem>> -> memref<1x128xi32, #tpu.memory_space<vmem>>
      %dma_wait3A_109 = tpu.memref_squeeze %dma_wait3A_108 : memref<1x128xi32, #tpu.memory_space<vmem>> -> memref<128xi32, #tpu.memory_space<vmem>>
      %dma_wait3A_110 = arith.constant 0 : i32
      %dma_wait3A_111 = arith.constant 0 : i32
      %dma_wait3A_112 = tpu.memref_slice %arg4[%dma_wait3A_110, %dma_wait3A_111] : memref<10240x32xf32, #tpu.memory_space<hbm>> -> memref<10240x32xf32, #tpu.memory_space<hbm>>
      tpu.wait_indirect_dma semaphore(%arg11 : memref<!tpu.dma_semaphore, #tpu.memory_space<semaphore_mem>>) src(%dma_wait3A_112 : memref<10240x32xf32, #tpu.memory_space<hbm>>) dst(%dma_wait3A_106 : memref<128x32xf32, #tpu.memory_space<vmem>>)
      %dma_start3A_113 = arith.constant 0 : i32
      %dma_start3A_114 = arith.constant 0 : i32
      %dma_start3A_115 = arith.constant 0 : i32
      %dma_start3A_116 = tpu.memref_slice %arg8[%dma_start3A_113, %dma_start3A_114, %dma_start3A_115] : memref<4x128x32xf32, #tpu.memory_space<vmem>> -> memref<1x128x32xf32, #tpu.memory_space<vmem>>
      %dma_start3A_117 = tpu.memref_squeeze %dma_start3A_116 : memref<1x128x32xf32, #tpu.memory_space<vmem>> -> memref<128x32xf32, #tpu.memory_space<vmem>>
      %dma_start3A_118 = arith.constant 0 : i32
      %dma_start3A_119 = tpu.memref_slice %arg7[%add3A_101, %dma_start3A_118] : memref<80x128xi32, #tpu.memory_space<vmem>> -> memref<1x128xi32, #tpu.memory_space<vmem>>
      %dma_start3A_120 = tpu.memref_squeeze %dma_start3A_119 : memref<1x128xi32, #tpu.memory_space<vmem>> -> memref<128xi32, #tpu.memory_space<vmem>>
      %dma_start3A_121 = arith.constant 0 : i32
      %dma_start3A_122 = arith.constant 0 : i32
      %dma_start3A_123 = tpu.memref_slice %arg10[%dma_start3A_121, %dma_start3A_122] : memref<10240x32xf32, #tpu.memory_space<vmem_shared>> -> memref<10240x32xf32, #tpu.memory_space<vmem_shared>>
      tpu.enqueue_indirect_dma source(%dma_start3A_117 : memref<128x32xf32, #tpu.memory_space<vmem>>) target(%dma_start3A_123 : memref<10240x32xf32, #tpu.memory_space<vmem_shared>>) offsets(%dma_start3A_120 : memref<128xi32, #tpu.memory_space<vmem>>) semaphore(%arg15 : memref<!tpu.dma_semaphore, #tpu.memory_space<semaphore_mem>>) {add = true}
      %add3A_124 = arith.constant 2 : i32
      %add3A_125 = arith.addi %add3A_101, %add3A_124 : i32
      %lt3A = arith.constant 80 : i32
      %lt3A_126 = arith.cmpi slt, %add3A_125, %lt3A : i32
      %convert_element_type3A = arith.extui %lt3A_126 : i1 to i32
      %cond3A = arith.constant 0 : i32
      %cond3A_127 = arith.cmpi ne, %convert_element_type3A, %cond3A : i32
      scf.if %cond3A_127 {
        %ge3A = arith.constant 2 : i32
        %ge3A_227 = arith.cmpi sge, %add3A_101, %ge3A : i32
        %convert_element_type3A_228 = arith.extui %ge3A_227 : i1 to i32
        %cond3A_229 = arith.constant 0 : i32
        %cond3A_230 = arith.cmpi ne, %convert_element_type3A_228, %cond3A_229 : i32
        scf.if %cond3A_230 {
          %sub3A = arith.constant 4 : i32
          %sub3A_242 = arith.subi %add3A_125, %sub3A : i32
          %dma_wait3A_243 = arith.constant 2 : i32
          %dma_wait3A_244 = arith.constant 0 : i32
          %dma_wait3A_245 = arith.constant 0 : i32
          %dma_wait3A_246 = tpu.memref_slice %arg8[%dma_wait3A_243, %dma_wait3A_244, %dma_wait3A_245] : memref<4x128x32xf32, #tpu.memory_space<vmem>> -> memref<1x128x32xf32, #tpu.memory_space<vmem>>
          %dma_wait3A_247 = tpu.memref_squeeze %dma_wait3A_246 : memref<1x128x32xf32, #tpu.memory_space<vmem>> -> memref<128x32xf32, #tpu.memory_space<vmem>>
          %dma_wait3A_248 = arith.constant 0 : i32
          %dma_wait3A_249 = tpu.memref_slice %arg7[%sub3A_242, %dma_wait3A_248] : memref<80x128xi32, #tpu.memory_space<vmem>> -> memref<1x128xi32, #tpu.memory_space<vmem>>
          %dma_wait3A_250 = tpu.memref_squeeze %dma_wait3A_249 : memref<1x128xi32, #tpu.memory_space<vmem>> -> memref<128xi32, #tpu.memory_space<vmem>>
          %dma_wait3A_251 = arith.constant 0 : i32
          %dma_wait3A_252 = arith.constant 0 : i32
          %dma_wait3A_253 = tpu.memref_slice %arg10[%dma_wait3A_251, %dma_wait3A_252] : memref<10240x32xf32, #tpu.memory_space<vmem_shared>> -> memref<10240x32xf32, #tpu.memory_space<vmem_shared>>
          tpu.wait_indirect_dma semaphore(%arg17 : memref<!tpu.dma_semaphore, #tpu.memory_space<semaphore_mem>>) src(%dma_wait3A_247 : memref<128x32xf32, #tpu.memory_space<vmem>>) dst(%dma_wait3A_253 : memref<10240x32xf32, #tpu.memory_space<vmem_shared>>)
        } else {
        }
        %dma_start3A_231 = arith.constant 2 : i32
        %dma_start3A_232 = arith.constant 0 : i32
        %dma_start3A_233 = arith.constant 0 : i32
        %dma_start3A_234 = tpu.memref_slice %arg8[%dma_start3A_231, %dma_start3A_232, %dma_start3A_233] : memref<4x128x32xf32, #tpu.memory_space<vmem>> -> memref<1x128x32xf32, #tpu.memory_space<vmem>>
        %dma_start3A_235 = tpu.memref_squeeze %dma_start3A_234 : memref<1x128x32xf32, #tpu.memory_space<vmem>> -> memref<128x32xf32, #tpu.memory_space<vmem>>
        %dma_start3A_236 = arith.constant 0 : i32
        %dma_start3A_237 = tpu.memref_slice %arg6[%add3A_125, %dma_start3A_236] : memref<80x128xi32, #tpu.memory_space<vmem>> -> memref<1x128xi32, #tpu.memory_space<vmem>>
        %dma_start3A_238 = tpu.memref_squeeze %dma_start3A_237 : memref<1x128xi32, #tpu.memory_space<vmem>> -> memref<128xi32, #tpu.memory_space<vmem>>
        %dma_start3A_239 = arith.constant 0 : i32
        %dma_start3A_240 = arith.constant 0 : i32
        %dma_start3A_241 = tpu.memref_slice %arg4[%dma_start3A_239, %dma_start3A_240] : memref<10240x32xf32, #tpu.memory_space<hbm>> -> memref<10240x32xf32, #tpu.memory_space<hbm>>
        tpu.enqueue_indirect_dma source(%dma_start3A_241 : memref<10240x32xf32, #tpu.memory_space<hbm>>) target(%dma_start3A_235 : memref<128x32xf32, #tpu.memory_space<vmem>>) offsets(%dma_start3A_238 : memref<128xi32, #tpu.memory_space<vmem>>) semaphore(%arg13 : memref<!tpu.dma_semaphore, #tpu.memory_space<semaphore_mem>>)
      } else {
      }
      %mul3A_128 = arith.constant 4 : i32
      %mul3A_129 = arith.muli %scan3A_97, %mul3A_128 : i32
      %add3A_130 = arith.constant 1 : i32
      %add3A_131 = arith.addi %mul3A_129, %add3A_130 : i32
      %dma_wait3A_132 = arith.constant 1 : i32
      %dma_wait3A_133 = arith.constant 0 : i32
      %dma_wait3A_134 = arith.constant 0 : i32
      %dma_wait3A_135 = tpu.memref_slice %arg8[%dma_wait3A_132, %dma_wait3A_133, %dma_wait3A_134] : memref<4x128x32xf32, #tpu.memory_space<vmem>> -> memref<1x128x32xf32, #tpu.memory_space<vmem>>
      %dma_wait3A_136 = tpu.memref_squeeze %dma_wait3A_135 : memref<1x128x32xf32, #tpu.memory_space<vmem>> -> memref<128x32xf32, #tpu.memory_space<vmem>>
      %dma_wait3A_137 = arith.constant 0 : i32
      %dma_wait3A_138 = tpu.memref_slice %arg6[%add3A_131, %dma_wait3A_137] : memref<80x128xi32, #tpu.memory_space<vmem>> -> memref<1x128xi32, #tpu.memory_space<vmem>>
      %dma_wait3A_139 = tpu.memref_squeeze %dma_wait3A_138 : memref<1x128xi32, #tpu.memory_space<vmem>> -> memref<128xi32, #tpu.memory_space<vmem>>
      %dma_wait3A_140 = arith.constant 0 : i32
      %dma_wait3A_141 = arith.constant 0 : i32
      %dma_wait3A_142 = tpu.memref_slice %arg4[%dma_wait3A_140, %dma_wait3A_141] : memref<10240x32xf32, #tpu.memory_space<hbm>> -> memref<10240x32xf32, #tpu.memory_space<hbm>>
      tpu.wait_indirect_dma semaphore(%arg12 : memref<!tpu.dma_semaphore, #tpu.memory_space<semaphore_mem>>) src(%dma_wait3A_142 : memref<10240x32xf32, #tpu.memory_space<hbm>>) dst(%dma_wait3A_136 : memref<128x32xf32, #tpu.memory_space<vmem>>)
      %dma_start3A_143 = arith.constant 1 : i32
      %dma_start3A_144 = arith.constant 0 : i32
      %dma_start3A_145 = arith.constant 0 : i32
      %dma_start3A_146 = tpu.memref_slice %arg8[%dma_start3A_143, %dma_start3A_144, %dma_start3A_145] : memref<4x128x32xf32, #tpu.memory_space<vmem>> -> memref<1x128x32xf32, #tpu.memory_space<vmem>>
      %dma_start3A_147 = tpu.memref_squeeze %dma_start3A_146 : memref<1x128x32xf32, #tpu.memory_space<vmem>> -> memref<128x32xf32, #tpu.memory_space<vmem>>
      %dma_start3A_148 = arith.constant 0 : i32
      %dma_start3A_149 = tpu.memref_slice %arg7[%add3A_131, %dma_start3A_148] : memref<80x128xi32, #tpu.memory_space<vmem>> -> memref<1x128xi32, #tpu.memory_space<vmem>>
      %dma_start3A_150 = tpu.memref_squeeze %dma_start3A_149 : memref<1x128xi32, #tpu.memory_space<vmem>> -> memref<128xi32, #tpu.memory_space<vmem>>
      %dma_start3A_151 = arith.constant 0 : i32
      %dma_start3A_152 = arith.constant 0 : i32
      %dma_start3A_153 = tpu.memref_slice %arg10[%dma_start3A_151, %dma_start3A_152] : memref<10240x32xf32, #tpu.memory_space<vmem_shared>> -> memref<10240x32xf32, #tpu.memory_space<vmem_shared>>
      tpu.enqueue_indirect_dma source(%dma_start3A_147 : memref<128x32xf32, #tpu.memory_space<vmem>>) target(%dma_start3A_153 : memref<10240x32xf32, #tpu.memory_space<vmem_shared>>) offsets(%dma_start3A_150 : memref<128xi32, #tpu.memory_space<vmem>>) semaphore(%arg16 : memref<!tpu.dma_semaphore, #tpu.memory_space<semaphore_mem>>) {add = true}
      %add3A_154 = arith.constant 2 : i32
      %add3A_155 = arith.addi %add3A_131, %add3A_154 : i32
      %lt3A_156 = arith.constant 80 : i32
      %lt3A_157 = arith.cmpi slt, %add3A_155, %lt3A_156 : i32
      %convert_element_type3A_158 = arith.extui %lt3A_157 : i1 to i32
      %cond3A_159 = arith.constant 0 : i32
      %cond3A_160 = arith.cmpi ne, %convert_element_type3A_158, %cond3A_159 : i32
      scf.if %cond3A_160 {
        %ge3A = arith.constant 2 : i32
        %ge3A_227 = arith.cmpi sge, %add3A_131, %ge3A : i32
        %convert_element_type3A_228 = arith.extui %ge3A_227 : i1 to i32
        %cond3A_229 = arith.constant 0 : i32
        %cond3A_230 = arith.cmpi ne, %convert_element_type3A_228, %cond3A_229 : i32
        scf.if %cond3A_230 {
          %sub3A = arith.constant 4 : i32
          %sub3A_242 = arith.subi %add3A_155, %sub3A : i32
          %dma_wait3A_243 = arith.constant 3 : i32
          %dma_wait3A_244 = arith.constant 0 : i32
          %dma_wait3A_245 = arith.constant 0 : i32
          %dma_wait3A_246 = tpu.memref_slice %arg8[%dma_wait3A_243, %dma_wait3A_244, %dma_wait3A_245] : memref<4x128x32xf32, #tpu.memory_space<vmem>> -> memref<1x128x32xf32, #tpu.memory_space<vmem>>
          %dma_wait3A_247 = tpu.memref_squeeze %dma_wait3A_246 : memref<1x128x32xf32, #tpu.memory_space<vmem>> -> memref<128x32xf32, #tpu.memory_space<vmem>>
          %dma_wait3A_248 = arith.constant 0 : i32
          %dma_wait3A_249 = tpu.memref_slice %arg7[%sub3A_242, %dma_wait3A_248] : memref<80x128xi32, #tpu.memory_space<vmem>> -> memref<1x128xi32, #tpu.memory_space<vmem>>
          %dma_wait3A_250 = tpu.memref_squeeze %dma_wait3A_249 : memref<1x128xi32, #tpu.memory_space<vmem>> -> memref<128xi32, #tpu.memory_space<vmem>>
          %dma_wait3A_251 = arith.constant 0 : i32
          %dma_wait3A_252 = arith.constant 0 : i32
          %dma_wait3A_253 = tpu.memref_slice %arg10[%dma_wait3A_251, %dma_wait3A_252] : memref<10240x32xf32, #tpu.memory_space<vmem_shared>> -> memref<10240x32xf32, #tpu.memory_space<vmem_shared>>
          tpu.wait_indirect_dma semaphore(%arg18 : memref<!tpu.dma_semaphore, #tpu.memory_space<semaphore_mem>>) src(%dma_wait3A_247 : memref<128x32xf32, #tpu.memory_space<vmem>>) dst(%dma_wait3A_253 : memref<10240x32xf32, #tpu.memory_space<vmem_shared>>)
        } else {
        }
        %dma_start3A_231 = arith.constant 3 : i32
        %dma_start3A_232 = arith.constant 0 : i32
        %dma_start3A_233 = arith.constant 0 : i32
        %dma_start3A_234 = tpu.memref_slice %arg8[%dma_start3A_231, %dma_start3A_232, %dma_start3A_233] : memref<4x128x32xf32, #tpu.memory_space<vmem>> -> memref<1x128x32xf32, #tpu.memory_space<vmem>>
        %dma_start3A_235 = tpu.memref_squeeze %dma_start3A_234 : memref<1x128x32xf32, #tpu.memory_space<vmem>> -> memref<128x32xf32, #tpu.memory_space<vmem>>
        %dma_start3A_236 = arith.constant 0 : i32
        %dma_start3A_237 = tpu.memref_slice %arg6[%add3A_155, %dma_start3A_236] : memref<80x128xi32, #tpu.memory_space<vmem>> -> memref<1x128xi32, #tpu.memory_space<vmem>>
        %dma_start3A_238 = tpu.memref_squeeze %dma_start3A_237 : memref<1x128xi32, #tpu.memory_space<vmem>> -> memref<128xi32, #tpu.memory_space<vmem>>
        %dma_start3A_239 = arith.constant 0 : i32
        %dma_start3A_240 = arith.constant 0 : i32
        %dma_start3A_241 = tpu.memref_slice %arg4[%dma_start3A_239, %dma_start3A_240] : memref<10240x32xf32, #tpu.memory_space<hbm>> -> memref<10240x32xf32, #tpu.memory_space<hbm>>
        tpu.enqueue_indirect_dma source(%dma_start3A_241 : memref<10240x32xf32, #tpu.memory_space<hbm>>) target(%dma_start3A_235 : memref<128x32xf32, #tpu.memory_space<vmem>>) offsets(%dma_start3A_238 : memref<128xi32, #tpu.memory_space<vmem>>) semaphore(%arg14 : memref<!tpu.dma_semaphore, #tpu.memory_space<semaphore_mem>>)
      } else {
      }
      %mul3A_161 = arith.constant 4 : i32
      %mul3A_162 = arith.muli %scan3A_97, %mul3A_161 : i32
      %add3A_163 = arith.constant 2 : i32
      %add3A_164 = arith.addi %mul3A_162, %add3A_163 : i32
      %dma_wait3A_165 = arith.constant 2 : i32
      %dma_wait3A_166 = arith.constant 0 : i32
      %dma_wait3A_167 = arith.constant 0 : i32
      %dma_wait3A_168 = tpu.memref_slice %arg8[%dma_wait3A_165, %dma_wait3A_166, %dma_wait3A_167] : memref<4x128x32xf32, #tpu.memory_space<vmem>> -> memref<1x128x32xf32, #tpu.memory_space<vmem>>
      %dma_wait3A_169 = tpu.memref_squeeze %dma_wait3A_168 : memref<1x128x32xf32, #tpu.memory_space<vmem>> -> memref<128x32xf32, #tpu.memory_space<vmem>>
      %dma_wait3A_170 = arith.constant 0 : i32
      %dma_wait3A_171 = tpu.memref_slice %arg6[%add3A_164, %dma_wait3A_170] : memref<80x128xi32, #tpu.memory_space<vmem>> -> memref<1x128xi32, #tpu.memory_space<vmem>>
      %dma_wait3A_172 = tpu.memref_squeeze %dma_wait3A_171 : memref<1x128xi32, #tpu.memory_space<vmem>> -> memref<128xi32, #tpu.memory_space<vmem>>
      %dma_wait3A_173 = arith.constant 0 : i32
      %dma_wait3A_174 = arith.constant 0 : i32
      %dma_wait3A_175 = tpu.memref_slice %arg4[%dma_wait3A_173, %dma_wait3A_174] : memref<10240x32xf32, #tpu.memory_space<hbm>> -> memref<10240x32xf32, #tpu.memory_space<hbm>>
      tpu.wait_indirect_dma semaphore(%arg13 : memref<!tpu.dma_semaphore, #tpu.memory_space<semaphore_mem>>) src(%dma_wait3A_175 : memref<10240x32xf32, #tpu.memory_space<hbm>>) dst(%dma_wait3A_169 : memref<128x32xf32, #tpu.memory_space<vmem>>)
      %dma_start3A_176 = arith.constant 2 : i32
      %dma_start3A_177 = arith.constant 0 : i32
      %dma_start3A_178 = arith.constant 0 : i32
      %dma_start3A_179 = tpu.memref_slice %arg8[%dma_start3A_176, %dma_start3A_177, %dma_start3A_178] : memref<4x128x32xf32, #tpu.memory_space<vmem>> -> memref<1x128x32xf32, #tpu.memory_space<vmem>>
      %dma_start3A_180 = tpu.memref_squeeze %dma_start3A_179 : memref<1x128x32xf32, #tpu.memory_space<vmem>> -> memref<128x32xf32, #tpu.memory_space<vmem>>
      %dma_start3A_181 = arith.constant 0 : i32
      %dma_start3A_182 = tpu.memref_slice %arg7[%add3A_164, %dma_start3A_181] : memref<80x128xi32, #tpu.memory_space<vmem>> -> memref<1x128xi32, #tpu.memory_space<vmem>>
      %dma_start3A_183 = tpu.memref_squeeze %dma_start3A_182 : memref<1x128xi32, #tpu.memory_space<vmem>> -> memref<128xi32, #tpu.memory_space<vmem>>
      %dma_start3A_184 = arith.constant 0 : i32
      %dma_start3A_185 = arith.constant 0 : i32
      %dma_start3A_186 = tpu.memref_slice %arg10[%dma_start3A_184, %dma_start3A_185] : memref<10240x32xf32, #tpu.memory_space<vmem_shared>> -> memref<10240x32xf32, #tpu.memory_space<vmem_shared>>
      tpu.enqueue_indirect_dma source(%dma_start3A_180 : memref<128x32xf32, #tpu.memory_space<vmem>>) target(%dma_start3A_186 : memref<10240x32xf32, #tpu.memory_space<vmem_shared>>) offsets(%dma_start3A_183 : memref<128xi32, #tpu.memory_space<vmem>>) semaphore(%arg17 : memref<!tpu.dma_semaphore, #tpu.memory_space<semaphore_mem>>) {add = true}
      %add3A_187 = arith.constant 2 : i32
      %add3A_188 = arith.addi %add3A_164, %add3A_187 : i32
      %lt3A_189 = arith.constant 80 : i32
      %lt3A_190 = arith.cmpi slt, %add3A_188, %lt3A_189 : i32
      %convert_element_type3A_191 = arith.extui %lt3A_190 : i1 to i32
      %cond3A_192 = arith.constant 0 : i32
      %cond3A_193 = arith.cmpi ne, %convert_element_type3A_191, %cond3A_192 : i32
      scf.if %cond3A_193 {
        %ge3A = arith.constant 2 : i32
        %ge3A_227 = arith.cmpi sge, %add3A_164, %ge3A : i32
        %convert_element_type3A_228 = arith.extui %ge3A_227 : i1 to i32
        %cond3A_229 = arith.constant 0 : i32
        %cond3A_230 = arith.cmpi ne, %convert_element_type3A_228, %cond3A_229 : i32
        scf.if %cond3A_230 {
          %sub3A = arith.constant 4 : i32
          %sub3A_242 = arith.subi %add3A_188, %sub3A : i32
          %dma_wait3A_243 = arith.constant 0 : i32
          %dma_wait3A_244 = arith.constant 0 : i32
          %dma_wait3A_245 = arith.constant 0 : i32
          %dma_wait3A_246 = tpu.memref_slice %arg8[%dma_wait3A_243, %dma_wait3A_244, %dma_wait3A_245] : memref<4x128x32xf32, #tpu.memory_space<vmem>> -> memref<1x128x32xf32, #tpu.memory_space<vmem>>
          %dma_wait3A_247 = tpu.memref_squeeze %dma_wait3A_246 : memref<1x128x32xf32, #tpu.memory_space<vmem>> -> memref<128x32xf32, #tpu.memory_space<vmem>>
          %dma_wait3A_248 = arith.constant 0 : i32
          %dma_wait3A_249 = tpu.memref_slice %arg7[%sub3A_242, %dma_wait3A_248] : memref<80x128xi32, #tpu.memory_space<vmem>> -> memref<1x128xi32, #tpu.memory_space<vmem>>
          %dma_wait3A_250 = tpu.memref_squeeze %dma_wait3A_249 : memref<1x128xi32, #tpu.memory_space<vmem>> -> memref<128xi32, #tpu.memory_space<vmem>>
          %dma_wait3A_251 = arith.constant 0 : i32
          %dma_wait3A_252 = arith.constant 0 : i32
          %dma_wait3A_253 = tpu.memref_slice %arg10[%dma_wait3A_251, %dma_wait3A_252] : memref<10240x32xf32, #tpu.memory_space<vmem_shared>> -> memref<10240x32xf32, #tpu.memory_space<vmem_shared>>
          tpu.wait_indirect_dma semaphore(%arg15 : memref<!tpu.dma_semaphore, #tpu.memory_space<semaphore_mem>>) src(%dma_wait3A_247 : memref<128x32xf32, #tpu.memory_space<vmem>>) dst(%dma_wait3A_253 : memref<10240x32xf32, #tpu.memory_space<vmem_shared>>)
        } else {
        }
        %dma_start3A_231 = arith.constant 0 : i32
        %dma_start3A_232 = arith.constant 0 : i32
        %dma_start3A_233 = arith.constant 0 : i32
        %dma_start3A_234 = tpu.memref_slice %arg8[%dma_start3A_231, %dma_start3A_232, %dma_start3A_233] : memref<4x128x32xf32, #tpu.memory_space<vmem>> -> memref<1x128x32xf32, #tpu.memory_space<vmem>>
        %dma_start3A_235 = tpu.memref_squeeze %dma_start3A_234 : memref<1x128x32xf32, #tpu.memory_space<vmem>> -> memref<128x32xf32, #tpu.memory_space<vmem>>
        %dma_start3A_236 = arith.constant 0 : i32
        %dma_start3A_237 = tpu.memref_slice %arg6[%add3A_188, %dma_start3A_236] : memref<80x128xi32, #tpu.memory_space<vmem>> -> memref<1x128xi32, #tpu.memory_space<vmem>>
        %dma_start3A_238 = tpu.memref_squeeze %dma_start3A_237 : memref<1x128xi32, #tpu.memory_space<vmem>> -> memref<128xi32, #tpu.memory_space<vmem>>
        %dma_start3A_239 = arith.constant 0 : i32
        %dma_start3A_240 = arith.constant 0 : i32
        %dma_start3A_241 = tpu.memref_slice %arg4[%dma_start3A_239, %dma_start3A_240] : memref<10240x32xf32, #tpu.memory_space<hbm>> -> memref<10240x32xf32, #tpu.memory_space<hbm>>
        tpu.enqueue_indirect_dma source(%dma_start3A_241 : memref<10240x32xf32, #tpu.memory_space<hbm>>) target(%dma_start3A_235 : memref<128x32xf32, #tpu.memory_space<vmem>>) offsets(%dma_start3A_238 : memref<128xi32, #tpu.memory_space<vmem>>) semaphore(%arg11 : memref<!tpu.dma_semaphore, #tpu.memory_space<semaphore_mem>>)
      } else {
      }
      %mul3A_194 = arith.constant 4 : i32
      %mul3A_195 = arith.muli %scan3A_97, %mul3A_194 : i32
      %add3A_196 = arith.constant 3 : i32
      %add3A_197 = arith.addi %mul3A_195, %add3A_196 : i32
      %dma_wait3A_198 = arith.constant 3 : i32
      %dma_wait3A_199 = arith.constant 0 : i32
      %dma_wait3A_200 = arith.constant 0 : i32
      %dma_wait3A_201 = tpu.memref_slice %arg8[%dma_wait3A_198, %dma_wait3A_199, %dma_wait3A_200] : memref<4x128x32xf32, #tpu.memory_space<vmem>> -> memref<1x128x32xf32, #tpu.memory_space<vmem>>
      %dma_wait3A_202 = tpu.memref_squeeze %dma_wait3A_201 : memref<1x128x32xf32, #tpu.memory_space<vmem>> -> memref<128x32xf32, #tpu.memory_space<vmem>>
      %dma_wait3A_203 = arith.constant 0 : i32
      %dma_wait3A_204 = tpu.memref_slice %arg6[%add3A_197, %dma_wait3A_203] : memref<80x128xi32, #tpu.memory_space<vmem>> -> memref<1x128xi32, #tpu.memory_space<vmem>>
      %dma_wait3A_205 = tpu.memref_squeeze %dma_wait3A_204 : memref<1x128xi32, #tpu.memory_space<vmem>> -> memref<128xi32, #tpu.memory_space<vmem>>
      %dma_wait3A_206 = arith.constant 0 : i32
      %dma_wait3A_207 = arith.constant 0 : i32
      %dma_wait3A_208 = tpu.memref_slice %arg4[%dma_wait3A_206, %dma_wait3A_207] : memref<10240x32xf32, #tpu.memory_space<hbm>> -> memref<10240x32xf32, #tpu.memory_space<hbm>>
      tpu.wait_indirect_dma semaphore(%arg14 : memref<!tpu.dma_semaphore, #tpu.memory_space<semaphore_mem>>) src(%dma_wait3A_208 : memref<10240x32xf32, #tpu.memory_space<hbm>>) dst(%dma_wait3A_202 : memref<128x32xf32, #tpu.memory_space<vmem>>)
      %dma_start3A_209 = arith.constant 3 : i32
      %dma_start3A_210 = arith.constant 0 : i32
      %dma_start3A_211 = arith.constant 0 : i32
      %dma_start3A_212 = tpu.memref_slice %arg8[%dma_start3A_209, %dma_start3A_210, %dma_start3A_211] : memref<4x128x32xf32, #tpu.memory_space<vmem>> -> memref<1x128x32xf32, #tpu.memory_space<vmem>>
      %dma_start3A_213 = tpu.memref_squeeze %dma_start3A_212 : memref<1x128x32xf32, #tpu.memory_space<vmem>> -> memref<128x32xf32, #tpu.memory_space<vmem>>
      %dma_start3A_214 = arith.constant 0 : i32
      %dma_start3A_215 = tpu.memref_slice %arg7[%add3A_197, %dma_start3A_214] : memref<80x128xi32, #tpu.memory_space<vmem>> -> memref<1x128xi32, #tpu.memory_space<vmem>>
      %dma_start3A_216 = tpu.memref_squeeze %dma_start3A_215 : memref<1x128xi32, #tpu.memory_space<vmem>> -> memref<128xi32, #tpu.memory_space<vmem>>
      %dma_start3A_217 = arith.constant 0 : i32
      %dma_start3A_218 = arith.constant 0 : i32
      %dma_start3A_219 = tpu.memref_slice %arg10[%dma_start3A_217, %dma_start3A_218] : memref<10240x32xf32, #tpu.memory_space<vmem_shared>> -> memref<10240x32xf32, #tpu.memory_space<vmem_shared>>
      tpu.enqueue_indirect_dma source(%dma_start3A_213 : memref<128x32xf32, #tpu.memory_space<vmem>>) target(%dma_start3A_219 : memref<10240x32xf32, #tpu.memory_space<vmem_shared>>) offsets(%dma_start3A_216 : memref<128xi32, #tpu.memory_space<vmem>>) semaphore(%arg18 : memref<!tpu.dma_semaphore, #tpu.memory_space<semaphore_mem>>) {add = true}
      %add3A_220 = arith.constant 2 : i32
      %add3A_221 = arith.addi %add3A_197, %add3A_220 : i32
      %lt3A_222 = arith.constant 80 : i32
      %lt3A_223 = arith.cmpi slt, %add3A_221, %lt3A_222 : i32
      %convert_element_type3A_224 = arith.extui %lt3A_223 : i1 to i32
      %cond3A_225 = arith.constant 0 : i32
      %cond3A_226 = arith.cmpi ne, %convert_element_type3A_224, %cond3A_225 : i32
      scf.if %cond3A_226 {
        %ge3A = arith.constant 2 : i32
        %ge3A_227 = arith.cmpi sge, %add3A_197, %ge3A : i32
        %convert_element_type3A_228 = arith.extui %ge3A_227 : i1 to i32
        %cond3A_229 = arith.constant 0 : i32
        %cond3A_230 = arith.cmpi ne, %convert_element_type3A_228, %cond3A_229 : i32
        scf.if %cond3A_230 {
          %sub3A = arith.constant 4 : i32
          %sub3A_242 = arith.subi %add3A_221, %sub3A : i32
          %dma_wait3A_243 = arith.constant 1 : i32
          %dma_wait3A_244 = arith.constant 0 : i32
          %dma_wait3A_245 = arith.constant 0 : i32
          %dma_wait3A_246 = tpu.memref_slice %arg8[%dma_wait3A_243, %dma_wait3A_244, %dma_wait3A_245] : memref<4x128x32xf32, #tpu.memory_space<vmem>> -> memref<1x128x32xf32, #tpu.memory_space<vmem>>
          %dma_wait3A_247 = tpu.memref_squeeze %dma_wait3A_246 : memref<1x128x32xf32, #tpu.memory_space<vmem>> -> memref<128x32xf32, #tpu.memory_space<vmem>>
          %dma_wait3A_248 = arith.constant 0 : i32
          %dma_wait3A_249 = tpu.memref_slice %arg7[%sub3A_242, %dma_wait3A_248] : memref<80x128xi32, #tpu.memory_space<vmem>> -> memref<1x128xi32, #tpu.memory_space<vmem>>
          %dma_wait3A_250 = tpu.memref_squeeze %dma_wait3A_249 : memref<1x128xi32, #tpu.memory_space<vmem>> -> memref<128xi32, #tpu.memory_space<vmem>>
          %dma_wait3A_251 = arith.constant 0 : i32
          %dma_wait3A_252 = arith.constant 0 : i32
          %dma_wait3A_253 = tpu.memref_slice %arg10[%dma_wait3A_251, %dma_wait3A_252] : memref<10240x32xf32, #tpu.memory_space<vmem_shared>> -> memref<10240x32xf32, #tpu.memory_space<vmem_shared>>
          tpu.wait_indirect_dma semaphore(%arg16 : memref<!tpu.dma_semaphore, #tpu.memory_space<semaphore_mem>>) src(%dma_wait3A_247 : memref<128x32xf32, #tpu.memory_space<vmem>>) dst(%dma_wait3A_253 : memref<10240x32xf32, #tpu.memory_space<vmem_shared>>)
        } else {
        }
        %dma_start3A_231 = arith.constant 1 : i32
        %dma_start3A_232 = arith.constant 0 : i32
        %dma_start3A_233 = arith.constant 0 : i32
        %dma_start3A_234 = tpu.memref_slice %arg8[%dma_start3A_231, %dma_start3A_232, %dma_start3A_233] : memref<4x128x32xf32, #tpu.memory_space<vmem>> -> memref<1x128x32xf32, #tpu.memory_space<vmem>>
        %dma_start3A_235 = tpu.memref_squeeze %dma_start3A_234 : memref<1x128x32xf32, #tpu.memory_space<vmem>> -> memref<128x32xf32, #tpu.memory_space<vmem>>
        %dma_start3A_236 = arith.constant 0 : i32
        %dma_start3A_237 = tpu.memref_slice %arg6[%add3A_221, %dma_start3A_236] : memref<80x128xi32, #tpu.memory_space<vmem>> -> memref<1x128xi32, #tpu.memory_space<vmem>>
        %dma_start3A_238 = tpu.memref_squeeze %dma_start3A_237 : memref<1x128xi32, #tpu.memory_space<vmem>> -> memref<128xi32, #tpu.memory_space<vmem>>
        %dma_start3A_239 = arith.constant 0 : i32
        %dma_start3A_240 = arith.constant 0 : i32
        %dma_start3A_241 = tpu.memref_slice %arg4[%dma_start3A_239, %dma_start3A_240] : memref<10240x32xf32, #tpu.memory_space<hbm>> -> memref<10240x32xf32, #tpu.memory_space<hbm>>
        tpu.enqueue_indirect_dma source(%dma_start3A_241 : memref<10240x32xf32, #tpu.memory_space<hbm>>) target(%dma_start3A_235 : memref<128x32xf32, #tpu.memory_space<vmem>>) offsets(%dma_start3A_238 : memref<128xi32, #tpu.memory_space<vmem>>) semaphore(%arg12 : memref<!tpu.dma_semaphore, #tpu.memory_space<semaphore_mem>>)
      } else {
      }
    }
    %scan3A_48 = arith.constant 20 : i32
    %dma_wait3A = arith.constant 0 : i32
    %dma_wait3A_49 = arith.constant 76 : i32
    %dma_wait3A_50 = arith.constant 0 : i32
    %dma_wait3A_51 = arith.constant 0 : i32
    %dma_wait3A_52 = tpu.memref_slice %arg8[%dma_wait3A, %dma_wait3A_50, %dma_wait3A_51] : memref<4x128x32xf32, #tpu.memory_space<vmem>> -> memref<1x128x32xf32, #tpu.memory_space<vmem>>
    %dma_wait3A_53 = tpu.memref_squeeze %dma_wait3A_52 : memref<1x128x32xf32, #tpu.memory_space<vmem>> -> memref<128x32xf32, #tpu.memory_space<vmem>>
    %dma_wait3A_54 = arith.constant 0 : i32
    %dma_wait3A_55 = tpu.memref_slice %arg7[%dma_wait3A_49, %dma_wait3A_54] : memref<80x128xi32, #tpu.memory_space<vmem>> -> memref<1x128xi32, #tpu.memory_space<vmem>>
    %dma_wait3A_56 = tpu.memref_squeeze %dma_wait3A_55 : memref<1x128xi32, #tpu.memory_space<vmem>> -> memref<128xi32, #tpu.memory_space<vmem>>
    %dma_wait3A_57 = arith.constant 0 : i32
    %dma_wait3A_58 = arith.constant 0 : i32
    %dma_wait3A_59 = tpu.memref_slice %arg10[%dma_wait3A_57, %dma_wait3A_58] : memref<10240x32xf32, #tpu.memory_space<vmem_shared>> -> memref<10240x32xf32, #tpu.memory_space<vmem_shared>>
    tpu.wait_indirect_dma semaphore(%arg15 : memref<!tpu.dma_semaphore, #tpu.memory_space<semaphore_mem>>) src(%dma_wait3A_53 : memref<128x32xf32, #tpu.memory_space<vmem>>) dst(%dma_wait3A_59 : memref<10240x32xf32, #tpu.memory_space<vmem_shared>>)
    %dma_wait3A_60 = arith.constant 1 : i32
    %dma_wait3A_61 = arith.constant 77 : i32
    %dma_wait3A_62 = arith.constant 0 : i32
    %dma_wait3A_63 = arith.constant 0 : i32
    %dma_wait3A_64 = tpu.memref_slice %arg8[%dma_wait3A_60, %dma_wait3A_62, %dma_wait3A_63] : memref<4x128x32xf32, #tpu.memory_space<vmem>> -> memref<1x128x32xf32, #tpu.memory_space<vmem>>
    %dma_wait3A_65 = tpu.memref_squeeze %dma_wait3A_64 : memref<1x128x32xf32, #tpu.memory_space<vmem>> -> memref<128x32xf32, #tpu.memory_space<vmem>>
    %dma_wait3A_66 = arith.constant 0 : i32
    %dma_wait3A_67 = tpu.memref_slice %arg7[%dma_wait3A_61, %dma_wait3A_66] : memref<80x128xi32, #tpu.memory_space<vmem>> -> memref<1x128xi32, #tpu.memory_space<vmem>>
    %dma_wait3A_68 = tpu.memref_squeeze %dma_wait3A_67 : memref<1x128xi32, #tpu.memory_space<vmem>> -> memref<128xi32, #tpu.memory_space<vmem>>
    %dma_wait3A_69 = arith.constant 0 : i32
    %dma_wait3A_70 = arith.constant 0 : i32
    %dma_wait3A_71 = tpu.memref_slice %arg10[%dma_wait3A_69, %dma_wait3A_70] : memref<10240x32xf32, #tpu.memory_space<vmem_shared>> -> memref<10240x32xf32, #tpu.memory_space<vmem_shared>>
    tpu.wait_indirect_dma semaphore(%arg16 : memref<!tpu.dma_semaphore, #tpu.memory_space<semaphore_mem>>) src(%dma_wait3A_65 : memref<128x32xf32, #tpu.memory_space<vmem>>) dst(%dma_wait3A_71 : memref<10240x32xf32, #tpu.memory_space<vmem_shared>>)
    %dma_wait3A_72 = arith.constant 2 : i32
    %dma_wait3A_73 = arith.constant 78 : i32
    %dma_wait3A_74 = arith.constant 0 : i32
    %dma_wait3A_75 = arith.constant 0 : i32
    %dma_wait3A_76 = tpu.memref_slice %arg8[%dma_wait3A_72, %dma_wait3A_74, %dma_wait3A_75] : memref<4x128x32xf32, #tpu.memory_space<vmem>> -> memref<1x128x32xf32, #tpu.memory_space<vmem>>
    %dma_wait3A_77 = tpu.memref_squeeze %dma_wait3A_76 : memref<1x128x32xf32, #tpu.memory_space<vmem>> -> memref<128x32xf32, #tpu.memory_space<vmem>>
    %dma_wait3A_78 = arith.constant 0 : i32
    %dma_wait3A_79 = tpu.memref_slice %arg7[%dma_wait3A_73, %dma_wait3A_78] : memref<80x128xi32, #tpu.memory_space<vmem>> -> memref<1x128xi32, #tpu.memory_space<vmem>>
    %dma_wait3A_80 = tpu.memref_squeeze %dma_wait3A_79 : memref<1x128xi32, #tpu.memory_space<vmem>> -> memref<128xi32, #tpu.memory_space<vmem>>
    %dma_wait3A_81 = arith.constant 0 : i32
    %dma_wait3A_82 = arith.constant 0 : i32
    %dma_wait3A_83 = tpu.memref_slice %arg10[%dma_wait3A_81, %dma_wait3A_82] : memref<10240x32xf32, #tpu.memory_space<vmem_shared>> -> memref<10240x32xf32, #tpu.memory_space<vmem_shared>>
    tpu.wait_indirect_dma semaphore(%arg17 : memref<!tpu.dma_semaphore, #tpu.memory_space<semaphore_mem>>) src(%dma_wait3A_77 : memref<128x32xf32, #tpu.memory_space<vmem>>) dst(%dma_wait3A_83 : memref<10240x32xf32, #tpu.memory_space<vmem_shared>>)
    %dma_wait3A_84 = arith.constant 3 : i32
    %dma_wait3A_85 = arith.constant 79 : i32
    %dma_wait3A_86 = arith.constant 0 : i32
    %dma_wait3A_87 = arith.constant 0 : i32
    %dma_wait3A_88 = tpu.memref_slice %arg8[%dma_wait3A_84, %dma_wait3A_86, %dma_wait3A_87] : memref<4x128x32xf32, #tpu.memory_space<vmem>> -> memref<1x128x32xf32, #tpu.memory_space<vmem>>
    %dma_wait3A_89 = tpu.memref_squeeze %dma_wait3A_88 : memref<1x128x32xf32, #tpu.memory_space<vmem>> -> memref<128x32xf32, #tpu.memory_space<vmem>>
    %dma_wait3A_90 = arith.constant 0 : i32
    %dma_wait3A_91 = tpu.memref_slice %arg7[%dma_wait3A_85, %dma_wait3A_90] : memref<80x128xi32, #tpu.memory_space<vmem>> -> memref<1x128xi32, #tpu.memory_space<vmem>>
    %dma_wait3A_92 = tpu.memref_squeeze %dma_wait3A_91 : memref<1x128xi32, #tpu.memory_space<vmem>> -> memref<128xi32, #tpu.memory_space<vmem>>
    %dma_wait3A_93 = arith.constant 0 : i32
    %dma_wait3A_94 = arith.constant 0 : i32
    %dma_wait3A_95 = tpu.memref_slice %arg10[%dma_wait3A_93, %dma_wait3A_94] : memref<10240x32xf32, #tpu.memory_space<vmem_shared>> -> memref<10240x32xf32, #tpu.memory_space<vmem_shared>>
    tpu.wait_indirect_dma semaphore(%arg18 : memref<!tpu.dma_semaphore, #tpu.memory_space<semaphore_mem>>) src(%dma_wait3A_89 : memref<128x32xf32, #tpu.memory_space<vmem>>) dst(%dma_wait3A_95 : memref<10240x32xf32, #tpu.memory_space<vmem_shared>>)
    %barrier3A_96 = arith.constant 0 : index
    tpu.barrier barrier_id(%barrier3A_96)
    "tpu.region"() ({
      %run_scoped3A = tpu.sem_alloc : memref<!tpu.dma_semaphore, #tpu.memory_space<semaphore_mem>>
      %dma_start3A_97 = arith.constant 0 : i32
      %dma_start3A_98 = tpu.memref_slice %arg5[%arg0, %mul3A_2, %dma_start3A_97] : memref<2x10240x32xf32, #tpu.memory_space<hbm>> -> memref<1x640x32xf32, #tpu.memory_space<hbm>>
      %dma_start3A_99 = tpu.memref_squeeze %dma_start3A_98 : memref<1x640x32xf32, #tpu.memory_space<hbm>> -> memref<640x32xf32, #tpu.memory_space<hbm>>
      %dma_start3A_100 = arith.constant 0 : i32
      %dma_start3A_101 = tpu.memref_slice %arg10[%mul3A_2, %dma_start3A_100] : memref<10240x32xf32, #tpu.memory_space<vmem_shared>> -> memref<640x32xf32, #tpu.memory_space<vmem_shared>>
      tpu.enqueue_dma source(%dma_start3A_101 : memref<640x32xf32, #tpu.memory_space<vmem_shared>>) target(%dma_start3A_99 : memref<640x32xf32, #tpu.memory_space<hbm>>) target_semaphore(%run_scoped3A : memref<!tpu.dma_semaphore, #tpu.memory_space<semaphore_mem>>)
      %dma_wait3A_102 = arith.constant 0 : i32
      %dma_wait3A_103 = tpu.memref_slice %arg5[%arg0, %mul3A_2, %dma_wait3A_102] : memref<2x10240x32xf32, #tpu.memory_space<hbm>> -> memref<1x640x32xf32, #tpu.memory_space<hbm>>
      %dma_wait3A_104 = tpu.memref_squeeze %dma_wait3A_103 : memref<1x640x32xf32, #tpu.memory_space<hbm>> -> memref<640x32xf32, #tpu.memory_space<hbm>>
      %dma_wait3A_105 = arith.constant 0 : i32
      %dma_wait3A_106 = tpu.memref_slice %arg10[%mul3A_2, %dma_wait3A_105] : memref<10240x32xf32, #tpu.memory_space<vmem_shared>> -> memref<640x32xf32, #tpu.memory_space<vmem_shared>>
      tpu.wait_dma2 semaphore(%run_scoped3A : memref<!tpu.dma_semaphore, #tpu.memory_space<semaphore_mem>>) src(%dma_wait3A_106 : memref<640x32xf32, #tpu.memory_space<vmem_shared>>) dst(%dma_wait3A_104 : memref<640x32xf32, #tpu.memory_space<hbm>>)
      tpu.yield
    }) : () -> ()
    return
  }
}

module attributes {stable_mosaic.version = 14 : i64} {
  func.func @body(%arg0: i32, %arg1: memref<2x1024x1xf32, #tpu.memory_space<vmem>>, %arg2: memref<1024x128xf32, #tpu.memory_space<vmem>>, %arg3: memref<128x32xf32, #tpu.memory_space<vmem>>, %arg4: memref<1024x1xf32, #tpu.memory_space<vmem>>, %arg5: memref<1024x32xf32, #tpu.memory_space<vmem>>) attributes {dimension_semantics = [#tpu.dimension_semantics<arbitrary>], iteration_bounds = array<i64: 10>, scalar_prefetch = 0 : i64, scratch_operands = 0 : i64, tpu.core_type = #tpu.core_type<tc>, window_params = [{transform_indices = @transform_0, window_bounds = array<i64: 2, 1024, 1>}, {transform_indices = @transform_1, window_bounds = array<i64: 1024, 128>}, {pipeline_mode = #tpu.pipeline_mode<synchronous>, transform_indices = @transform_2, window_bounds = array<i64: 128, 32>}, {transform_indices = @transform_3, window_bounds = array<i64: 1024, 1>}, {transform_indices = @transform_4, window_bounds = array<i64: 1024, 32>}]} {
    %get3A = arith.constant 0 : index
    %get3A_0 = arith.constant 0 : index
    %get3A_1 = arith.constant 0 : index
    %get3A_2 = vector.load %arg1[%get3A, %get3A_0, %get3A_1] : memref<2x1024x1xf32, #tpu.memory_space<vmem>>, vector<1x1024x1xf32>
    %get3A_3 = vector.shape_cast %get3A_2 : vector<1x1024x1xf32> to vector<1024x1xf32>
    %get3A_4 = arith.constant 1 : index
    %get3A_5 = arith.constant 0 : index
    %get3A_6 = arith.constant 0 : index
    %get3A_7 = vector.load %arg1[%get3A_4, %get3A_5, %get3A_6] : memref<2x1024x1xf32, #tpu.memory_space<vmem>>, vector<1x1024x1xf32>
    %get3A_8 = vector.shape_cast %get3A_7 : vector<1x1024x1xf32> to vector<1024x1xf32>
    %add3A = arith.addf %get3A_3, %get3A_8 : vector<1024x1xf32>
    %add3A_9 = arith.constant 1.000000e+00 : f32
    %add3A_10 = vector.broadcast %add3A_9 : f32 to vector<1024x1xf32>
    %add3A_11 = arith.addf %add3A, %add3A_10 : vector<1024x1xf32>
    %rsqrt3A = math.rsqrt %add3A_11 : vector<1024x1xf32>
    %iota3A = tpu.iota {dimensions = array<i32: 0>} : vector<1024x1xi32>
    %mul3A = arith.constant 1024 : i32
    %mul3A_12 = arith.muli %arg0, %mul3A : i32
    %add3A_13 = vector.broadcast %mul3A_12 : i32 to vector<1024x1xi32>
    %add3A_14 = arith.addi %iota3A, %add3A_13 : vector<1024x1xi32>
    %lt3A = arith.constant 10000 : i32
    %lt3A_15 = vector.broadcast %lt3A : i32 to vector<1024x1xi32>
    %lt3A_16 = arith.cmpi slt, %add3A_14, %lt3A_15 : vector<1024x1xi32>
    %jit3A = arith.constant 0.000000e+00 : f32
    %broadcast_in_dim3A = vector.broadcast %jit3A : f32 to vector<1024x1xf32>
    %select_n3A = arith.select %lt3A_16, %rsqrt3A, %broadcast_in_dim3A : vector<1024x1xi1>, vector<1024x1xf32>
    %get3A_17 = arith.constant 0 : index
    %get3A_18 = arith.constant 0 : index
    %get3A_19 = vector.load %arg2[%get3A_17, %get3A_18] : memref<1024x128xf32, #tpu.memory_space<vmem>>, vector<1024x128xf32>
    %get3A_20 = arith.constant 0 : index
    %get3A_21 = arith.constant 0 : index
    %get3A_22 = vector.load %arg3[%get3A_20, %get3A_21] : memref<128x32xf32, #tpu.memory_space<vmem>>, vector<128x32xf32>
    %dot_general3A = arith.constant dense<0.000000e+00> : vector<1024x32xf32>
    %dot_general3A_23 = tpu.matmul %get3A_19, %get3A_22, %dot_general3A {dimension_numbers = #tpu.dot_dimension_numbers<[1], [0], [0], [1], [0, 0, 1, 1], [], []>, transpose_lhs_hint = false} : vector<1024x128xf32>, vector<128x32xf32>, vector<1024x32xf32> -> vector<1024x32xf32>
    %swap3A = arith.constant 0 : index
    %swap3A_24 = arith.constant 0 : index
    %swap3A_25 = vector.load %arg4[%swap3A, %swap3A_24] : memref<1024x1xf32, #tpu.memory_space<vmem>>, vector<1024x1xf32>
    tpu.vector_store %arg4[%swap3A, %swap3A_24], %select_n3A {strides = array<i32>} : memref<1024x1xf32, #tpu.memory_space<vmem>>, vector<1024x1xf32>,
    %lt3A_26 = arith.constant 10000 : i32
    %lt3A_27 = vector.broadcast %lt3A_26 : i32 to vector<1024x1xi32>
    %lt3A_28 = arith.cmpi slt, %add3A_14, %lt3A_27 : vector<1024x1xi32>
    %mul3A_29 = vector.broadcast %select_n3A : vector<1024x1xf32> to vector<1024x32xf32>
    %mul3A_30 = arith.mulf %mul3A_29, %dot_general3A_23 : vector<1024x32xf32>
    %jit3A_31 = arith.constant 0.000000e+00 : f32
    %broadcast_in_dim3A_32 = vector.shape_cast %lt3A_28 : vector<1024x1xi1> to vector<1024x1xi1>
    %broadcast_in_dim3A_33 = vector.broadcast %broadcast_in_dim3A_32 : vector<1024x1xi1> to vector<1024x32xi1>
    %broadcast_in_dim3A_34 = vector.broadcast %jit3A_31 : f32 to vector<1024x32xf32>
    %select_n3A_35 = arith.select %broadcast_in_dim3A_33, %mul3A_30, %broadcast_in_dim3A_34 : vector<1024x32xi1>, vector<1024x32xf32>
    %swap3A_36 = arith.constant 0 : index
    %swap3A_37 = arith.constant 0 : index
    %swap3A_38 = vector.load %arg5[%swap3A_36, %swap3A_37] : memref<1024x32xf32, #tpu.memory_space<vmem>>, vector<1024x32xf32>
    tpu.vector_store %arg5[%swap3A_36, %swap3A_37], %select_n3A_35 {strides = array<i32>} : memref<1024x32xf32, #tpu.memory_space<vmem>>, vector<1024x32xf32>,
    return
  }
  func.func @transform_0(%arg0: i32) -> (i32, i32, i32) {
    %c0_i32 = arith.constant 0 : i32
    %c0_i32_0 = arith.constant 0 : i32
    %c0_i32_1 = arith.constant 0 : i32
    return %c0_i32, %arg0, %c0_i32_0 : i32, i32, i32
  }
  func.func @transform_1(%arg0: i32) -> (i32, i32) {
    %c0_i32 = arith.constant 0 : i32
    %c0_i32_0 = arith.constant 0 : i32
    return %arg0, %c0_i32 : i32, i32
  }
  func.func @transform_2(%arg0: i32) -> (i32, i32) {
    %c0_i32 = arith.constant 0 : i32
    %c0_i32_0 = arith.constant 0 : i32
    %c0_i32_1 = arith.constant 0 : i32
    return %c0_i32, %c0_i32_0 : i32, i32
  }
  func.func @transform_3(%arg0: i32) -> (i32, i32) {
    %c0_i32 = arith.constant 0 : i32
    %c0_i32_0 = arith.constant 0 : i32
    return %arg0, %c0_i32 : i32, i32
  }
  func.func @transform_4(%arg0: i32) -> (i32, i32) {
    %c0_i32 = arith.constant 0 : i32
    %c0_i32_0 = arith.constant 0 : i32
    return %arg0, %c0_i32 : i32, i32
  }
}

module attributes {stable_mosaic.version = 14 : i64} {
  func.func @body(%arg0: i32, %arg1: memref<2x1024x32xf32, #tpu.memory_space<vmem>>, %arg2: memref<1024x32xf32, #tpu.memory_space<vmem>>, %arg3: memref<1024x1xf32, #tpu.memory_space<vmem>>, %arg4: memref<1x32xf32, #tpu.memory_space<vmem>>, %arg5: memref<32x16xf32, #tpu.memory_space<vmem>>, %arg6: memref<1024x16xf32, #tpu.memory_space<vmem>>) attributes {dimension_semantics = [#tpu.dimension_semantics<arbitrary>], iteration_bounds = array<i64: 10>, scalar_prefetch = 0 : i64, scratch_operands = 0 : i64, tpu.core_type = #tpu.core_type<tc>, window_params = [{transform_indices = @transform_0, window_bounds = array<i64: 2, 1024, 32>}, {transform_indices = @transform_1, window_bounds = array<i64: 1024, 32>}, {transform_indices = @transform_2, window_bounds = array<i64: 1024, 1>}, {pipeline_mode = #tpu.pipeline_mode<synchronous>, transform_indices = @transform_3, window_bounds = array<i64: 1, 32>}, {pipeline_mode = #tpu.pipeline_mode<synchronous>, transform_indices = @transform_4, window_bounds = array<i64: 32, 16>}, {transform_indices = @transform_5, window_bounds = array<i64: 1024, 16>}]} {
    %get3A = arith.constant 0 : index
    %get3A_0 = arith.constant 0 : index
    %get3A_1 = arith.constant 0 : index
    %get3A_2 = vector.load %arg1[%get3A, %get3A_0, %get3A_1] : memref<2x1024x32xf32, #tpu.memory_space<vmem>>, vector<1x1024x32xf32>
    %get3A_3 = vector.shape_cast %get3A_2 : vector<1x1024x32xf32> to vector<1024x32xf32>
    %get3A_4 = arith.constant 1 : index
    %get3A_5 = arith.constant 0 : index
    %get3A_6 = arith.constant 0 : index
    %get3A_7 = vector.load %arg1[%get3A_4, %get3A_5, %get3A_6] : memref<2x1024x32xf32, #tpu.memory_space<vmem>>, vector<1x1024x32xf32>
    %get3A_8 = vector.shape_cast %get3A_7 : vector<1x1024x32xf32> to vector<1024x32xf32>
    %add3A = arith.addf %get3A_3, %get3A_8 : vector<1024x32xf32>
    %get3A_9 = arith.constant 0 : index
    %get3A_10 = arith.constant 0 : index
    %get3A_11 = vector.load %arg2[%get3A_9, %get3A_10] : memref<1024x32xf32, #tpu.memory_space<vmem>>, vector<1024x32xf32>
    %add3A_12 = arith.addf %add3A, %get3A_11 : vector<1024x32xf32>
    %get3A_13 = arith.constant 0 : index
    %get3A_14 = arith.constant 0 : index
    %get3A_15 = vector.load %arg3[%get3A_13, %get3A_14] : memref<1024x1xf32, #tpu.memory_space<vmem>>, vector<1024x1xf32>
    %mul3A = vector.broadcast %get3A_15 : vector<1024x1xf32> to vector<1024x32xf32>
    %mul3A_16 = arith.mulf %mul3A, %add3A_12 : vector<1024x32xf32>
    %get3A_17 = arith.constant 0 : index
    %get3A_18 = arith.constant 0 : index
    %get3A_19 = vector.load %arg4[%get3A_17, %get3A_18] : memref<1x32xf32, #tpu.memory_space<vmem>>, vector<1x32xf32>
    %add3A_20 = vector.broadcast %get3A_19 : vector<1x32xf32> to vector<1024x32xf32>
    %add3A_21 = arith.addf %mul3A_16, %add3A_20 : vector<1024x32xf32>
    %max3A = arith.constant 0.000000e+00 : f32
    %max3A_22 = vector.broadcast %max3A : f32 to vector<1024x32xf32>
    %max3A_23 = arith.maximumf %add3A_21, %max3A_22 : vector<1024x32xf32>
    %get3A_24 = arith.constant 0 : index
    %get3A_25 = arith.constant 0 : index
    %get3A_26 = vector.load %arg3[%get3A_24, %get3A_25] : memref<1024x1xf32, #tpu.memory_space<vmem>>, vector<1024x1xf32>
    %get3A_27 = arith.constant 0 : index
    %get3A_28 = arith.constant 0 : index
    %get3A_29 = vector.load %arg5[%get3A_27, %get3A_28] : memref<32x16xf32, #tpu.memory_space<vmem>>, vector<32x16xf32>
    %dot_general3A = arith.constant dense<0.000000e+00> : vector<1024x16xf32>
    %dot_general3A_30 = tpu.matmul %max3A_23, %get3A_29, %dot_general3A {dimension_numbers = #tpu.dot_dimension_numbers<[1], [0], [0], [1], [0, 0, 1, 1], [], []>, transpose_lhs_hint = false} : vector<1024x32xf32>, vector<32x16xf32>, vector<1024x16xf32> -> vector<1024x16xf32>
    %mul3A_31 = vector.broadcast %get3A_26 : vector<1024x1xf32> to vector<1024x16xf32>
    %mul3A_32 = arith.mulf %mul3A_31, %dot_general3A_30 : vector<1024x16xf32>
    %swap3A = arith.constant 0 : index
    %swap3A_33 = arith.constant 0 : index
    %swap3A_34 = vector.load %arg6[%swap3A, %swap3A_33] : memref<1024x16xf32, #tpu.memory_space<vmem>>, vector<1024x16xf32>
    tpu.vector_store %arg6[%swap3A, %swap3A_33], %mul3A_32 {strides = array<i32>} : memref<1024x16xf32, #tpu.memory_space<vmem>>, vector<1024x16xf32>,
    return
  }
  func.func @transform_0(%arg0: i32) -> (i32, i32, i32) {
    %c0_i32 = arith.constant 0 : i32
    %c0_i32_0 = arith.constant 0 : i32
    %c0_i32_1 = arith.constant 0 : i32
    return %c0_i32, %arg0, %c0_i32_0 : i32, i32, i32
  }
  func.func @transform_1(%arg0: i32) -> (i32, i32) {
    %c0_i32 = arith.constant 0 : i32
    %c0_i32_0 = arith.constant 0 : i32
    return %arg0, %c0_i32 : i32, i32
  }
  func.func @transform_2(%arg0: i32) -> (i32, i32) {
    %c0_i32 = arith.constant 0 : i32
    %c0_i32_0 = arith.constant 0 : i32
    return %arg0, %c0_i32 : i32, i32
  }
  func.func @transform_3(%arg0: i32) -> (i32, i32) {
    %c0_i32 = arith.constant 0 : i32
    %c0_i32_0 = arith.constant 0 : i32
    %c0_i32_1 = arith.constant 0 : i32
    return %c0_i32, %c0_i32_0 : i32, i32
  }
  func.func @transform_4(%arg0: i32) -> (i32, i32) {
    %c0_i32 = arith.constant 0 : i32
    %c0_i32_0 = arith.constant 0 : i32
    %c0_i32_1 = arith.constant 0 : i32
    return %c0_i32, %c0_i32_0 : i32, i32
  }
  func.func @transform_5(%arg0: i32) -> (i32, i32) {
    %c0_i32 = arith.constant 0 : i32
    %c0_i32_0 = arith.constant 0 : i32
    return %arg0, %c0_i32 : i32, i32
  }
}

module attributes {stable_mosaic.version = 14 : i64} {
  func.func @body(%arg0: i32, %arg1: memref<2x1024x16xf32, #tpu.memory_space<vmem>>, %arg2: memref<1024x16xf32, #tpu.memory_space<vmem>>, %arg3: memref<1024x1xf32, #tpu.memory_space<vmem>>, %arg4: memref<1x16xf32, #tpu.memory_space<vmem>>, %arg5: memref<16x1xf32, #tpu.memory_space<vmem>>, %arg6: memref<1024x1xf32, #tpu.memory_space<vmem>>) attributes {dimension_semantics = [#tpu.dimension_semantics<arbitrary>], iteration_bounds = array<i64: 10>, scalar_prefetch = 0 : i64, scratch_operands = 0 : i64, tpu.core_type = #tpu.core_type<tc>, window_params = [{transform_indices = @transform_0, window_bounds = array<i64: 2, 1024, 16>}, {transform_indices = @transform_1, window_bounds = array<i64: 1024, 16>}, {transform_indices = @transform_2, window_bounds = array<i64: 1024, 1>}, {pipeline_mode = #tpu.pipeline_mode<synchronous>, transform_indices = @transform_3, window_bounds = array<i64: 1, 16>}, {pipeline_mode = #tpu.pipeline_mode<synchronous>, transform_indices = @transform_4, window_bounds = array<i64: 16, 1>}, {transform_indices = @transform_5, window_bounds = array<i64: 1024, 1>}]} {
    %get3A = arith.constant 0 : index
    %get3A_0 = arith.constant 0 : index
    %get3A_1 = arith.constant 0 : index
    %get3A_2 = vector.load %arg1[%get3A, %get3A_0, %get3A_1] : memref<2x1024x16xf32, #tpu.memory_space<vmem>>, vector<1x1024x16xf32>
    %get3A_3 = vector.shape_cast %get3A_2 : vector<1x1024x16xf32> to vector<1024x16xf32>
    %get3A_4 = arith.constant 1 : index
    %get3A_5 = arith.constant 0 : index
    %get3A_6 = arith.constant 0 : index
    %get3A_7 = vector.load %arg1[%get3A_4, %get3A_5, %get3A_6] : memref<2x1024x16xf32, #tpu.memory_space<vmem>>, vector<1x1024x16xf32>
    %get3A_8 = vector.shape_cast %get3A_7 : vector<1x1024x16xf32> to vector<1024x16xf32>
    %add3A = arith.addf %get3A_3, %get3A_8 : vector<1024x16xf32>
    %get3A_9 = arith.constant 0 : index
    %get3A_10 = arith.constant 0 : index
    %get3A_11 = vector.load %arg2[%get3A_9, %get3A_10] : memref<1024x16xf32, #tpu.memory_space<vmem>>, vector<1024x16xf32>
    %add3A_12 = arith.addf %add3A, %get3A_11 : vector<1024x16xf32>
    %get3A_13 = arith.constant 0 : index
    %get3A_14 = arith.constant 0 : index
    %get3A_15 = vector.load %arg3[%get3A_13, %get3A_14] : memref<1024x1xf32, #tpu.memory_space<vmem>>, vector<1024x1xf32>
    %mul3A = vector.broadcast %get3A_15 : vector<1024x1xf32> to vector<1024x16xf32>
    %mul3A_16 = arith.mulf %mul3A, %add3A_12 : vector<1024x16xf32>
    %get3A_17 = arith.constant 0 : index
    %get3A_18 = arith.constant 0 : index
    %get3A_19 = vector.load %arg4[%get3A_17, %get3A_18] : memref<1x16xf32, #tpu.memory_space<vmem>>, vector<1x16xf32>
    %add3A_20 = vector.broadcast %get3A_19 : vector<1x16xf32> to vector<1024x16xf32>
    %add3A_21 = arith.addf %mul3A_16, %add3A_20 : vector<1024x16xf32>
    %max3A = arith.constant 0.000000e+00 : f32
    %max3A_22 = vector.broadcast %max3A : f32 to vector<1024x16xf32>
    %max3A_23 = arith.maximumf %add3A_21, %max3A_22 : vector<1024x16xf32>
    %get3A_24 = arith.constant 0 : index
    %get3A_25 = arith.constant 0 : index
    %get3A_26 = vector.load %arg3[%get3A_24, %get3A_25] : memref<1024x1xf32, #tpu.memory_space<vmem>>, vector<1024x1xf32>
    %get3A_27 = arith.constant 0 : index
    %get3A_28 = arith.constant 0 : index
    %get3A_29 = vector.load %arg5[%get3A_27, %get3A_28] : memref<16x1xf32, #tpu.memory_space<vmem>>, vector<16x1xf32>
    %dot_general3A = arith.constant dense<0.000000e+00> : vector<1024x1xf32>
    %dot_general3A_30 = tpu.matmul %max3A_23, %get3A_29, %dot_general3A {dimension_numbers = #tpu.dot_dimension_numbers<[1], [0], [0], [1], [0, 0, 1, 1], [], []>, transpose_lhs_hint = false} : vector<1024x16xf32>, vector<16x1xf32>, vector<1024x1xf32> -> vector<1024x1xf32>
    %mul3A_31 = arith.mulf %get3A_26, %dot_general3A_30 : vector<1024x1xf32>
    %swap3A = arith.constant 0 : index
    %swap3A_32 = arith.constant 0 : index
    %swap3A_33 = vector.load %arg6[%swap3A, %swap3A_32] : memref<1024x1xf32, #tpu.memory_space<vmem>>, vector<1024x1xf32>
    tpu.vector_store %arg6[%swap3A, %swap3A_32], %mul3A_31 {strides = array<i32>} : memref<1024x1xf32, #tpu.memory_space<vmem>>, vector<1024x1xf32>,
    return
  }
  func.func @transform_0(%arg0: i32) -> (i32, i32, i32) {
    %c0_i32 = arith.constant 0 : i32
    %c0_i32_0 = arith.constant 0 : i32
    %c0_i32_1 = arith.constant 0 : i32
    return %c0_i32, %arg0, %c0_i32_0 : i32, i32, i32
  }
  func.func @transform_1(%arg0: i32) -> (i32, i32) {
    %c0_i32 = arith.constant 0 : i32
    %c0_i32_0 = arith.constant 0 : i32
    return %arg0, %c0_i32 : i32, i32
  }
  func.func @transform_2(%arg0: i32) -> (i32, i32) {
    %c0_i32 = arith.constant 0 : i32
    %c0_i32_0 = arith.constant 0 : i32
    return %arg0, %c0_i32 : i32, i32
  }
  func.func @transform_3(%arg0: i32) -> (i32, i32) {
    %c0_i32 = arith.constant 0 : i32
    %c0_i32_0 = arith.constant 0 : i32
    %c0_i32_1 = arith.constant 0 : i32
    return %c0_i32, %c0_i32_0 : i32, i32
  }
  func.func @transform_4(%arg0: i32) -> (i32, i32) {
    %c0_i32 = arith.constant 0 : i32
    %c0_i32_0 = arith.constant 0 : i32
    %c0_i32_1 = arith.constant 0 : i32
    return %c0_i32, %c0_i32_0 : i32, i32
  }
  func.func @transform_5(%arg0: i32) -> (i32, i32) {
    %c0_i32 = arith.constant 0 : i32
    %c0_i32_0 = arith.constant 0 : i32
    return %arg0, %c0_i32 : i32, i32
  }
}

module attributes {stable_mosaic.version = 14 : i64} {
  func.func @body(%arg0: i32, %arg1: memref<2x1024x1xf32, #tpu.memory_space<vmem>>, %arg2: memref<1024x1xf32, #tpu.memory_space<vmem>>, %arg3: memref<1024x1xf32, #tpu.memory_space<vmem>>, %arg4: memref<1x1xf32, #tpu.memory_space<vmem>>, %arg5: memref<1024x1xf32, #tpu.memory_space<vmem>>) attributes {dimension_semantics = [#tpu.dimension_semantics<arbitrary>], iteration_bounds = array<i64: 10>, scalar_prefetch = 0 : i64, scratch_operands = 0 : i64, tpu.core_type = #tpu.core_type<tc>, window_params = [{transform_indices = @transform_0, window_bounds = array<i64: 2, 1024, 1>}, {transform_indices = @transform_1, window_bounds = array<i64: 1024, 1>}, {transform_indices = @transform_2, window_bounds = array<i64: 1024, 1>}, {pipeline_mode = #tpu.pipeline_mode<synchronous>, transform_indices = @transform_3, window_bounds = array<i64: 1, 1>}, {transform_indices = @transform_4, window_bounds = array<i64: 1024, 1>}]} {
    %get3A = arith.constant 0 : index
    %get3A_0 = arith.constant 0 : index
    %get3A_1 = arith.constant 0 : index
    %get3A_2 = vector.load %arg1[%get3A, %get3A_0, %get3A_1] : memref<2x1024x1xf32, #tpu.memory_space<vmem>>, vector<1x1024x1xf32>
    %get3A_3 = vector.shape_cast %get3A_2 : vector<1x1024x1xf32> to vector<1024x1xf32>
    %get3A_4 = arith.constant 1 : index
    %get3A_5 = arith.constant 0 : index
    %get3A_6 = arith.constant 0 : index
    %get3A_7 = vector.load %arg1[%get3A_4, %get3A_5, %get3A_6] : memref<2x1024x1xf32, #tpu.memory_space<vmem>>, vector<1x1024x1xf32>
    %get3A_8 = vector.shape_cast %get3A_7 : vector<1x1024x1xf32> to vector<1024x1xf32>
    %add3A = arith.addf %get3A_3, %get3A_8 : vector<1024x1xf32>
    %get3A_9 = arith.constant 0 : index
    %get3A_10 = arith.constant 0 : index
    %get3A_11 = vector.load %arg2[%get3A_9, %get3A_10] : memref<1024x1xf32, #tpu.memory_space<vmem>>, vector<1024x1xf32>
    %add3A_12 = arith.addf %add3A, %get3A_11 : vector<1024x1xf32>
    %get3A_13 = arith.constant 0 : index
    %get3A_14 = arith.constant 0 : index
    %get3A_15 = vector.load %arg3[%get3A_13, %get3A_14] : memref<1024x1xf32, #tpu.memory_space<vmem>>, vector<1024x1xf32>
    %mul3A = arith.mulf %get3A_15, %add3A_12 : vector<1024x1xf32>
    %get3A_16 = arith.constant 0 : index
    %get3A_17 = arith.constant 0 : index
    %get3A_18 = vector.load %arg4[%get3A_16, %get3A_17] : memref<1x1xf32, #tpu.memory_space<vmem>>, vector<1x1xf32>
    %add3A_19 = vector.broadcast %get3A_18 : vector<1x1xf32> to vector<1024x1xf32>
    %add3A_20 = arith.addf %mul3A, %add3A_19 : vector<1024x1xf32>
    %swap3A = arith.constant 0 : index
    %swap3A_21 = arith.constant 0 : index
    %swap3A_22 = vector.load %arg5[%swap3A, %swap3A_21] : memref<1024x1xf32, #tpu.memory_space<vmem>>, vector<1024x1xf32>
    tpu.vector_store %arg5[%swap3A, %swap3A_21], %add3A_20 {strides = array<i32>} : memref<1024x1xf32, #tpu.memory_space<vmem>>, vector<1024x1xf32>,
    return
  }
  func.func @transform_0(%arg0: i32) -> (i32, i32, i32) {
    %c0_i32 = arith.constant 0 : i32
    %c0_i32_0 = arith.constant 0 : i32
    %c0_i32_1 = arith.constant 0 : i32
    return %c0_i32, %arg0, %c0_i32_0 : i32, i32, i32
  }
  func.func @transform_1(%arg0: i32) -> (i32, i32) {
    %c0_i32 = arith.constant 0 : i32
    %c0_i32_0 = arith.constant 0 : i32
    return %arg0, %c0_i32 : i32, i32
  }
  func.func @transform_2(%arg0: i32) -> (i32, i32) {
    %c0_i32 = arith.constant 0 : i32
    %c0_i32_0 = arith.constant 0 : i32
    return %arg0, %c0_i32 : i32, i32
  }
  func.func @transform_3(%arg0: i32) -> (i32, i32) {
    %c0_i32 = arith.constant 0 : i32
    %c0_i32_0 = arith.constant 0 : i32
    %c0_i32_1 = arith.constant 0 : i32
    return %c0_i32, %c0_i32_0 : i32, i32
  }
  func.func @transform_4(%arg0: i32) -> (i32, i32) {
    %c0_i32 = arith.constant 0 : i32
    %c0_i32_0 = arith.constant 0 : i32
    return %arg0, %c0_i32 : i32, i32
  }
}

</mosaic_0001>

<sc_bundles>
// kernel: kernel.10.cloned.1.call-start
scs
__scs_entry_jumppad:
0x0: {  	(pc) =	sbr.rel $0x88, $3  }
0x1: {  	(tag) =	ssettag $0x0;
	lr =	simm.s32 $0x1  }
0x2: {  	[smem:$0x3F99] =	sst lr;
	_ =	strace $0xD0000000  }
0x3: {  	_ = 	snop  }
0x4: {  	_ = 	snop  }
0x5: {  	_ = 	snop  }
0x6: {  	_ = 	snop  }
0x7: {  	_ = 	snop  }
__scs_overlays_trampoline_lowered:
0x8: {  	[smem:$0x3FA8] =	sst s0  }
0x9: {  	[smem:$0x3FA9] =	sst s1  }
0xa: {  	[smem:$0x3FAA] =	sst s2  }
0xb: {  	[smem:$0x3FAB] =	sst s3  }
0xc: {  	[smem:$0x3FAC] =	sst s4  }
0xd: {  	[smem:$0x3FAD] =	sst s5  }
0xe: {  	[smem:$0x3FAE] =	sst s6  }
0xf: {  	[smem:$0x3FAF] =	sst s7  }
0x10: {  	[smem:$0x3FB0] =	sst s8  }
0x11: {  	[smem:$0x3FB1] =	sst s9;
	s0 =	simm.s32 @!p0 $0x0  }
0x12: {  	s1 =	sld [smem:$0x3F97];
	s0 =	simm.s32 @p0 $0x1  }
0x13: {  	[smem:$0x3FB2] =	sst s0;
	s0 =	simm.s32 @!p1 $0x0  }
0x14: {  	s2 =	sld [smem:$0x3F96];
	s0 =	simm.s32 @p1 $0x1  }
0x15: {  	[smem:$0x3FB3] =	sst s0;
	s0 =	simm.s32 @!p2 $0x0  }
0x16: {  	s3 =	sld [smem:$0x3FDB];
	s0 =	simm.s32 @p2 $0x1  }
0x17: {  	s4 =	simm.s32 $0x1BF5;
	[smem:$0x3FB5] =	sst s0  }
0x18: {  	s0 =	sld [smem:$0x3F98];
	_ =	swait.ge [sflag:s4], $0x0  }
0x19: {  	s7 =	sld [smem:$0x3F99]  }
0x1a: {  	s8 =	sadd.s32 $0xFFFFE003, lr  }
0x1b: {  	s9 =	sadd.s32 $0xFFFFFEF7, lr;
	s5 =	simm.s32 $0xFFFFFFFF;
	p2 =	slt.u32 s8, $0xFFFFF086  }
0x1c: {  	p1 =	slt.u32 s9, $0xF7A;
	s5 =	simm.s32 @!p2 $0x0  }
0x1d: {  	s5 =	simm.s32 @p1 $0x1;
	p0 =	seq.s32 s7, s2  }
0x1e: {  	s7 =	smul.u32 @!p0 $0xF7A, s2;
	p2 =	seq.s32 @!p0 s5, $0x0  }
0x1f: {  	s9 =	smul.u32 $0xF7A, s1;
	s8 =	simm.s32 @!p0 $0x1BF5;
	p2 =	por !p2, p0  }
0x20: {  	[sflag:s8] =	ssyncset.s32 @!p0 $0xFFFFF086;
	s6 =	sadd.s32 @!p0 s3, s7;
	s7 =	simm.s32 @!p0 $0x108  }
0x21: {  	s3 =	sadd.s32 s3, s9;
	s6 =	sadd.s32 @!p0 $0x88, s6;
	s7 =	simm.s32 @p2 $0x1082  }
0x22: {  	[simem:s7], [sflag:s8] =	dma.local @!p0 [hbm:s6], $0xF7A  }
0x23: {  	s9 =	sor.u32 $0xD0000000, s2;
	s6 =	simm.s32 $0x108;
	_ =	swait.ge @!p0 [sflag:s8], $0x0  }
0x24: {  	s3 =	sadd.s32 $0x88, s3;
	s6 =	simm.s32 @!p1 $0x1082;
	[sflag:s4] =	ssyncset.s32 $0xFFFFF086  }
0x25: {  	[simem:s6], [sflag:s4] =	dma.local [hbm:s3], $0xF7A  }
0x26: {  	[smem:$0x3F99] =	sst s1;
	(tag) =	ssettag s2;
	_ =	strace s9  }
0x27: {  	s1 =	sld [smem:$0x3FA9]  }
0x28: {  	s2 =	sld [smem:$0x3FAA]  }
0x29: {  	s4 =	sld [smem:$0x3FAC]  }
0x2a: {  	p0 =	seq.s32 s5, $0x0;
	s5 =	sld [smem:$0x3FAD]  }
0x2b: {  	s6 =	sld [smem:$0x3FAE]  }
0x2c: {  	s7 =	sld [smem:$0x3FAF]  }
0x2d: {  	s3 =	simm.s32 $0x108;
	s8 =	sld [smem:$0x3FB0]  }
0x2e: {  	s3 =	simm.s32 @!p0 $0x1082;
	s9 =	sld [smem:$0x3FB1]  }
0x2f: {  	lr =	sadd.s32 s0, s3;
	s0 =	sld [smem:$0x3FA8]  }
0x30: {  	s3 =	sld [smem:$0x3FAB]  }
0x31: {  	[smem:$0x3FB4] =	sst s10  }
0x32: {  	s10 =	sld [smem:$0x3FB2];
	_ =	sdelay $0x3  }
0x33: {  	p0 =	seq.s32 s10, $0x1;
	s10 =	sld [smem:$0x3FB4];
	_ =	sdelay $0x3  }
0x34: {  	[smem:$0x3FB4] =	sst s10  }
0x35: {  	s10 =	sld [smem:$0x3FB3];
	_ =	sdelay $0x3  }
0x36: {  	p1 =	seq.s32 s10, $0x1;
	s10 =	sld [smem:$0x3FB4];
	_ =	sdelay $0x3  }
0x37: {  	[smem:$0x3FB4] =	sst s10  }
0x38: {  	s10 =	sld [smem:$0x3FB5]  }
0x39: {  	_ = 	snop;
	(pc) =	sbr.ind lr, $3  }
0x3a: {  	_ = 	snop  }
0x3b: {  	_ = 	snop  }
0x3c: {  	p2 =	seq.s32 s10, $0x1;
	s10 =	sld [smem:$0x3FB4]  }
0x3d: {  	_ =	shalt  }
0x3e: {  	_ =	shalt  }
0x3f: {  	_ =	shalt  }
0x40: {  	_ =	shalt  }
0x41: {  	_ =	shalt  }
0x42: {  	_ =	shalt  }
0x43: {  	_ =	shalt  }
0x44: {  	_ =	shalt  }
0x45: {  	_ =	shalt  }
0x46: {  	_ =	shalt  }
0x47: {  	_ =	shalt  }
0x48: {  	_ =	shalt  }
0x49: {  	_ =	shalt  }
0x4a: {  	_ =	shalt  }
0x4b: {  	_ =	shalt  }
0x4c: {  	_ =	shalt  }
0x4d: {  	_ =	shalt  }
0x4e: {  	_ =	shalt  }
0x4f: {  	_ =	shalt  }
0x50: {  	_ =	shalt  }
0x51: {  	_ =	shalt  }
0x52: {  	_ =	shalt  }
0x53: {  	_ =	shalt  }
0x54: {  	_ =	shalt  }
0x55: {  	_ =	shalt  }
0x56: {  	_ =	shalt  }
0x57: {  	_ =	shalt  }
0x58: {  	_ =	shalt  }
0x59: {  	_ =	shalt  }
0x5a: {  	_ =	shalt  }
0x5b: {  	_ =	shalt  }
0x5c: {  	_ =	shalt  }
0x5d: {  	_ =	shalt  }
0x5e: {  	_ =	shalt  }
0x5f: {  	_ =	shalt  }
0x60: {  	_ =	shalt  }
0x61: {  	_ =	shalt  }
0x62: {  	_ =	shalt  }
0x63: {  	_ =	shalt  }
0x64: {  	_ =	shalt  }
0x65: {  	_ =	shalt  }
0x66: {  	_ =	shalt  }
0x67: {  	_ =	shalt  }
0x68: {  	_ =	shalt  }
0x69: {  	_ =	shalt  }
0x6a: {  	_ =	shalt  }
0x6b: {  	_ =	shalt  }
0x6c: {  	_ =	shalt  }
0x6d: {  	_ =	shalt  }
0x6e: {  	_ =	shalt  }
0x6f: {  	_ =	shalt  }
0x70: {  	_ =	shalt  }
0x71: {  	_ =	shalt  }
0x72: {  	_ =	shalt  }
0x73: {  	_ =	shalt  }
0x74: {  	_ =	shalt  }
0x75: {  	_ =	shalt  }
0x76: {  	_ =	shalt  }
0x77: {  	_ =	shalt  }
0x78: {  	_ =	shalt  }
0x79: {  	_ =	shalt  }
0x7a: {  	_ =	shalt  }
0x7b: {  	_ =	shalt  }
0x7c: {  	_ =	shalt  }
0x7d: {  	_ =	shalt  }
0x7e: {  	_ =	shalt  }
0x7f: {  	_ =	shalt  }
0x80: {  	_ =	shalt  }
0x81: {  	_ =	shalt  }
0x82: {  	_ =	shalt  }
0x83: {  	_ =	shalt  }
0x84: {  	_ =	shalt  }
0x85: {  	_ =	shalt  }
0x86: {  	_ =	shalt  }
0x87: {  	_ =	shalt  }
.Lfunc_end0:
.L_simem_size_0:
called_computation_lowered:
.L_overlay_start_0:
0x88: {  	s2 =	sld [smem:$0x3FD9]  }
0x89: {  	s3 =	sld [smem:$0x3FFE];
	_ =	sdelay $0x1  }
0x8a: {  	s1 =	srdreg.scid  }
0x8b: {  	s0 =	sand.u32 $0x1, s1  }
0x8c: {  	s16 =	sshll.u32 s0, $0xA;
	s2 =	sadd.s32 s3, s2  }
0x8d: {  	s2 =	sadd.s32 s2, s16  }
0x8e: {  	[smem:$0x3FC0] =	sst s2  }
0x8f: {  	_ = 	snop  }
0x90: {  	(tm) =	ssettm $0x1  }
0x91: {  	s17 =	sld [smem:$0x3FFB];
	_ =	sdelay $0x3  }
0x92: {  	_ =	strace s17  }
0x93: {  	s2 =	sld [smem:$0x3FFC];
	_ =	sdelay $0x3  }
0x94: {  	_ =	strace s2  }
0x95: {  	s2 =	sld [smem:$0x3FFD];
	_ =	sdelay $0x3  }
0x96: {  	_ =	strace s2  }
0x97: {  	_ =	strace $0x8FFFFFFF  }
0x98: {  	s18 =	sld [smem:$0x3FDB];
	_ =	sdelay $0x1  }
0x99: {  	s19 =	simm.s32 $_scs_section_size  }
0x9a: {  	s4 =	simm.s32 $_size__tile_overlayer_lowered;
	s5 =	simm.s32 $_tile_overlayer_lowered  }
0x9b: {  	s22 =	simm.s32 $0x1BFF;
	s21 =	sshll.u32 s5, $0x1;
	s2 =	sadd.s32 s19, s18  }
0x9c: {  	s6 =	simm.s32 $0x0;
	s20 =	sshll.u32 s4, $0x1;
	s4 =	sadd.s32 s21, s2  }
0x9d: {  	[timem:s6], [sflag:s22] =	dma.local [hbm:s4], s20  }
0x9e: {  	_ =	swait.ge [sflag:s22], s20  }
0x9f: {  	s3 =	ssub.s32 $0x0, s20;
	[sflag:s22] =	ssyncset.done $0x0  }
0xa0: {  	[sflag:s22] =	ssyncadd.s32 s3;
	_ =	sdelay $0x1  }
0xa1: {  	s23 =	simm.s32 $0x1B8B  }
0xa2: {  	_ =	swait.ge [sflag:s23], $0x1  }
0xa3: {  	[sflag:s23] =	ssyncset.done $0x0  }
0xa4: {  	s25 =	simm.s32 $0x1B8E;
	s24 =	sld [smem:$0x3FFE];
	[sflag:s23] =	ssyncadd.s32 $0xFFFFFFFF  }
0xa5: {  	s26 =	simm.s32 $execute0_lowered;
	[smem:$0x3FD2] =	sst s25  }
0xa6: {  	s4 =	sshll.u32 s26, $0x1;
	_ =	strace $0x80000046;
	[dreg:$0x1] =	wrdreg $0xFFFFFFFF  }
0xa7: {  	s28 =	simm.s32 $_size_execute0_lowered;
	s2 =	sadd.s32 s2, s4;
	[dreg:$0x0] =	wrdreg $0x0  }
0xa8: {  	s4 =	sshll.u32 s28, $0x1;
	[dreg:$0x2] =	wrdreg s2  }
0xa9: {  	[dreg:$0x3] =	wrdreg s4  }
0xaa: {  	[dreg:$0x4] =	wrdreg $0xC0  }
0xab: {  	_ =	task [dreg:s6], $0x5FFFF  }
0xac: {  	[dreg:$0x1] =	wrdreg $0xFFFFFFFF  }
0xad: {  	[dreg:$0x0] =	wrdreg $0x60  }
0xae: {  	[dreg:$0x2] =	wrdreg s24  }
0xaf: {  	[dreg:$0x3] =	wrdreg $0x2B000  }
0xb0: {  	[dreg:$0x4] =	wrdreg $0x9  }
0xb1: {  	_ =	task.clear_ibuf [dreg:s6], $0x5FFFF;
	_ =	strace $0x90000046  }
0xb2: {  	s29 =	simm.s32 $0x9;
	_ =	strace $0x80000048  }
0xb3: {  	_ =	swait.ge [sflag:s29], $0x1  }
0xb4: {  	[sflag:s29] =	ssyncadd.s32 $0xFFFFFFFF  }
0xb5: {  	_ =	strace $0x90000048  }
0xb6: {  	_ =	sfence  }
0xb7: {  	s30 =	sld [smem:$0x0];
	_ =	sdelay $0x2  }
0xb8: {  	s31 =	sshll.u32 s1, $0xD;
	s1 =	sshrl.u32 s1, $0x2  }
0xb9: {  	s3 =	sand.u32 $0x4000, s31;
	s1 =	sadd.s32 s1, s30  }
0xba: {  	s0 =	sor.u32 s3, s0;
	s1 =	sshll.u32 s1, $0x11  }
0xbb: {  	s0 =	sor.u32 s1, s0  }
0xbc: {  	s0 =	sadd.s32 $0x8F2B, s0  }
0xbd: {  	[sflag:s0] =	ssyncadd.remote.s32 $0x1  }
0xbe: {  	_ =	sfence.sel $0xFFFF  }
0xbf: {  	[dreg:$0x0] =	wrdreg $0xFFFFFFFF;
	(pc) =	sbr.abs _section_cstart, $3  }
0xc0: {  	[dreg:$0x1] =	wrdreg $0xFFFFFFFF  }
0xc1: {  	_ =	task.clear_ibuf [dreg:s6], $0x2FFFF;
	_ =	strace $0x9FFFFFFF  }
0xc2: {  	(tm) =	ssettm $0x7FFFFFFF  }
0xc3: {  	_ =	shalt  }
tec
execute0_lowered:
.L_overlay_start_1:
0x0: {  	(tag) =	ssettag $0x1  }
0x1: {  	s4 =	rddreg [dreg:$0x0]  }
0x2: {  	s1 =	rddreg [dreg:$0x1]  }
0x3: {  	s2 =	srdreg.scid;
	s0 =	rddreg [dreg:$0x2];
	s3 =	simm.s32 $0x0  }
0x4: {  	s10 =	simm.s32 $0x80;
	s11 =	simm.s32 $0x2800;
	s12 =	simm.s32 $0x1  }
0x5: {  	s15 =	simm.s32 $0x20;
	s16 =	simm.s32 $0x10;
	s17 =	simm.s32 $0x0  }
0x6: {  	s5 =	sand.u32 $0x1, s2;
	s2 =	stileid.u32;
	[smem:$0x7FF] =	sst s3  }
0x7: {  	s6 =	sshll.u32 s5, $0x4;
	s7 =	smul.u32 $0x500, s2;
	_ =	strace $0x80000047  }
0x8: {  	s8 =	sshll.u32 s5, $0x7;
	s5 =	ssub.s32 $0x2, s5;
	s30 =	smul.u32 $0xA00, s2  }
0x9: {  	s13 =	sshll.u32 s2, $0x6;
	s6 =	sor.u32 s2, s6;
	s9 =	sshrl.u32 s5, $0x1  }
0xa: {  	s13 =	sor.u32 $0x1C02, s13;
	s6 =	smul.u32 $0x500, s6;
	s7 =	sor.u32 s8, s7  }
0xb: {  	s9 =	ssub.s32 s5, s9;
	s31 =	sshrl.u32 s30, $0x2;
	s7 =	sshrl.u32 s7, $0x3  }
0xc: {  	s8 =	simm.s32 $0x2880;
	s6 =	sadd.s32 s6, s4;
	s7 =	sadd.s32 s7, s4  }
0xd: {  	s4 =	sadd.s32 s31, s1;
	s5 =	sadd.s32 $0x15800, s6;
	s6 =	sadd.s32 $0x29800, s7  }
0xe: {  	v0 =	vimm.f32 $1.000000000e+00;
	v1 =	vimm.f32 $0.0e+00;
	s7 =	smax.u32 s9, $0x1;
	s9 =	simm.s32 $0x2;
	s14 =	sshrl.u32 s4, $0x3  }
.LBB2_1:
0xf: {  	[tilespmem:$0x2800] =	vst v0  }
0x10: {  	[tilespmem:$0x2810] =	vst v0  }
0x11: {  	[tilespmem:$0x2820] =	vst v0  }
0x12: {  	[tilespmem:$0x2830] =	vst v0  }
0x13: {  	[tilespmem:$0x2840] =	vst v0  }
0x14: {  	[tilespmem:$0x2850] =	vst v0  }
0x15: {  	[tilespmem:$0x2860] =	vst v0  }
0x16: {  	[tilespmem:$0x2870] =	vst v0  }
0x17: {  	[tilespmem:$0x2880] =	vst v1  }
0x18: {  	[tilespmem:$0x2890] =	vst v1  }
0x19: {  	[tilespmem:$0x28A0] =	vst v1  }
0x1a: {  	[tilespmem:$0x28B0] =	vst v1  }
0x1b: {  	[tilespmem:$0x28C0] =	vst v1  }
0x1c: {  	[tilespmem:$0x28D0] =	vst v1  }
0x1d: {  	[tilespmem:$0x28E0] =	vst v1  }
0x1e: {  	[tilespmem:$0x28F0] =	vst v1  }
0x1f: {  	[tilespmem:$0x2900] =	vst v1  }
0x20: {  	[tilespmem:$0x2910] =	vst v1  }
0x21: {  	[tilespmem:$0x2920] =	vst v1  }
0x22: {  	[tilespmem:$0x2930] =	vst v1  }
0x23: {  	[tilespmem:$0x2940] =	vst v1  }
0x24: {  	[tilespmem:$0x2950] =	vst v1  }
0x25: {  	[tilespmem:$0x2960] =	vst v1  }
0x26: {  	[tilespmem:$0x2970] =	vst v1  }
0x27: {  	[tilespmem:$0x2980] =	vst v1  }
0x28: {  	[tilespmem:$0x2990] =	vst v1  }
0x29: {  	[tilespmem:$0x29A0] =	vst v1  }
0x2a: {  	[tilespmem:$0x29B0] =	vst v1  }
0x2b: {  	[tilespmem:$0x29C0] =	vst v1  }
0x2c: {  	[tilespmem:$0x29D0] =	vst v1  }
0x2d: {  	[tilespmem:$0x29E0] =	vst v1  }
0x2e: {  	[tilespmem:$0x29F0] =	vst v1  }
0x2f: {  	[tilespmem:$0x2A00] =	vst v1  }
0x30: {  	[tilespmem:$0x2A10] =	vst v1  }
0x31: {  	[tilespmem:$0x2A20] =	vst v1  }
0x32: {  	[tilespmem:$0x2A30] =	vst v1  }
0x33: {  	[tilespmem:$0x2A40] =	vst v1  }
0x34: {  	[tilespmem:$0x2A50] =	vst v1  }
0x35: {  	[tilespmem:$0x2A60] =	vst v1  }
0x36: {  	[tilespmem:$0x2A70] =	vst v1  }
0x37: {  	[tilespmem:$0x2A80] =	vst v1  }
0x38: {  	[tilespmem:$0x2A90] =	vst v1  }
0x39: {  	[tilespmem:$0x2AA0] =	vst v1  }
0x3a: {  	[tilespmem:$0x2AB0] =	vst v1  }
0x3b: {  	[tilespmem:$0x2AC0] =	vst v1  }
0x3c: {  	[tilespmem:$0x2AD0] =	vst v1  }
0x3d: {  	[tilespmem:$0x2AE0] =	vst v1  }
0x3e: {  	[tilespmem:$0x2AF0] =	vst v1  }
0x3f: {  	[spmem:s4] =	stream.linear.scatter [tilespmem:s8], [sflag:$0x2], $0x280, $0x38;
	[tilespmem:$0x2D80] =	vst v63  }
0x40: {  	_ =	swait.ge [sflag:s9], $0x280  }
0x41: {  	[sflag:s9] =	ssyncset.done $0x0  }
0x42: {  	[sflag:s9] =	ssyncadd.s32 $0xFFFFFD80  }
0x43: {  	[bflag:$0x0] =	sbarrier.arrive $0xFFFF  }
0x44: {  	[tilespmem:s3], [sflag:$0x2] =	stream.linear.gather [hbm4b:s5+s3], $0x2800, $0x38;
	[tilespmem:$0x2D80] =	vst v63  }
0x45: {  	_ =	swait.ge [sflag:s9], $0x2800  }
0x46: {  	[sflag:s9] =	ssyncset.done $0x0  }
0x47: {  	s18 =	simm.s32 $0x0;
	[sflag:s9] =	ssyncadd.s32 $0xFFFFD800  }
0x48: {  	[spmem:s1] =	stream.indirect.scatter.add.f32 [tilespmem:s11], [sflag:$0x1], $0x1, s18, s10, $0xb8;
	[tilespmem:$0x2D80] =	vst v63  }
0x49: {  	s29 =	simm.s32 $0x80  }
0x4a: {  	[spmem:s1] =	stream.indirect.scatter.add.f32 [tilespmem:s11], [sflag:$0x1], $0x1, s29, s10, $0xb8;
	[tilespmem:$0x2D80] =	vst v63  }
0x4b: {  	s30 =	simm.s32 $0x100  }
0x4c: {  	[spmem:s1] =	stream.indirect.scatter.add.f32 [tilespmem:s11], [sflag:$0x1], $0x1, s30, s10, $0xb8;
	[tilespmem:$0x2D80] =	vst v63  }
0x4d: {  	s31 =	simm.s32 $0x180  }
0x4e: {  	[spmem:s1] =	stream.indirect.scatter.add.f32 [tilespmem:s11], [sflag:$0x1], $0x1, s31, s10, $0xb8;
	[tilespmem:$0x2D80] =	vst v63  }
0x4f: {  	s19 =	simm.s32 $0x200  }
0x50: {  	[spmem:s1] =	stream.indirect.scatter.add.f32 [tilespmem:s11], [sflag:$0x1], $0x1, s19, s10, $0xb8;
	[tilespmem:$0x2D80] =	vst v63  }
0x51: {  	s20 =	simm.s32 $0x280  }
0x52: {  	[spmem:s1] =	stream.indirect.scatter.add.f32 [tilespmem:s11], [sflag:$0x1], $0x1, s20, s10, $0xb8;
	[tilespmem:$0x2D80] =	vst v63  }
0x53: {  	s21 =	simm.s32 $0x300  }
0x54: {  	[spmem:s1] =	stream.indirect.scatter.add.f32 [tilespmem:s11], [sflag:$0x1], $0x1, s21, s10, $0xb8;
	[tilespmem:$0x2D80] =	vst v63  }
0x55: {  	s22 =	simm.s32 $0x380  }
0x56: {  	[spmem:s1] =	stream.indirect.scatter.add.f32 [tilespmem:s11], [sflag:$0x1], $0x1, s22, s10, $0xb8;
	[tilespmem:$0x2D80] =	vst v63  }
0x57: {  	s23 =	simm.s32 $0x400  }
0x58: {  	[spmem:s1] =	stream.indirect.scatter.add.f32 [tilespmem:s11], [sflag:$0x1], $0x1, s23, s10, $0xb8;
	[tilespmem:$0x2D80] =	vst v63  }
0x59: {  	s24 =	simm.s32 $0x480  }
0x5a: {  	[spmem:s1] =	stream.indirect.scatter.add.f32 [tilespmem:s11], [sflag:$0x1], $0x1, s24, s10, $0xb8;
	[tilespmem:$0x2D80] =	vst v63  }
0x5b: {  	s25 =	simm.s32 $0x500  }
0x5c: {  	[spmem:s1] =	stream.indirect.scatter.add.f32 [tilespmem:s11], [sflag:$0x1], $0x1, s25, s10, $0xb8;
	[tilespmem:$0x2D80] =	vst v63  }
0x5d: {  	s26 =	simm.s32 $0x580  }
0x5e: {  	[spmem:s1] =	stream.indirect.scatter.add.f32 [tilespmem:s11], [sflag:$0x1], $0x1, s26, s10, $0xb8;
	[tilespmem:$0x2D80] =	vst v63  }
0x5f: {  	s28 =	simm.s32 $0x600  }
0x60: {  	[spmem:s1] =	stream.indirect.scatter.add.f32 [tilespmem:s11], [sflag:$0x1], $0x1, s28, s10, $0xb8;
	[tilespmem:$0x2D80] =	vst v63  }
0x61: {  	s29 =	simm.s32 $0x680  }
0x62: {  	[spmem:s1] =	stream.indirect.scatter.add.f32 [tilespmem:s11], [sflag:$0x1], $0x1, s29, s10, $0xb8;
	[tilespmem:$0x2D80] =	vst v63  }
0x63: {  	s30 =	simm.s32 $0x700  }
0x64: {  	[spmem:s1] =	stream.indirect.scatter.add.f32 [tilespmem:s11], [sflag:$0x1], $0x1, s30, s10, $0xb8;
	[tilespmem:$0x2D80] =	vst v63  }
0x65: {  	s31 =	simm.s32 $0x780  }
0x66: {  	[spmem:s1] =	stream.indirect.scatter.add.f32 [tilespmem:s11], [sflag:$0x1], $0x1, s31, s10, $0xb8;
	[tilespmem:$0x2D80] =	vst v63  }
0x67: {  	_ =	swait.ge [sflag:s12], $0x80  }
0x68: {  	[sflag:s12] =	ssyncset.done $0x0  }
0x69: {  	[sflag:s12] =	ssyncadd.s32 $0xFFFFFF80  }
0x6a: {  	_ =	swait.ge [sflag:s12], $0x80  }
0x6b: {  	[sflag:s12] =	ssyncset.done $0x0  }
0x6c: {  	[sflag:s12] =	ssyncadd.s32 $0xFFFFFF80  }
0x6d: {  	_ =	swait.ge [sflag:s12], $0x80  }
0x6e: {  	[sflag:s12] =	ssyncset.done $0x0  }
0x6f: {  	[sflag:s12] =	ssyncadd.s32 $0xFFFFFF80  }
0x70: {  	_ =	swait.ge [sflag:s12], $0x80  }
0x71: {  	[sflag:s12] =	ssyncset.done $0x0  }
0x72: {  	[sflag:s12] =	ssyncadd.s32 $0xFFFFFF80  }
0x73: {  	_ =	swait.ge [sflag:s12], $0x80  }
0x74: {  	[sflag:s12] =	ssyncset.done $0x0  }
0x75: {  	[sflag:s12] =	ssyncadd.s32 $0xFFFFFF80  }
0x76: {  	_ =	swait.ge [sflag:s12], $0x80  }
0x77: {  	[sflag:s12] =	ssyncset.done $0x0  }
0x78: {  	[sflag:s12] =	ssyncadd.s32 $0xFFFFFF80  }
0x79: {  	_ =	swait.ge [sflag:s12], $0x80  }
0x7a: {  	[sflag:s12] =	ssyncset.done $0x0  }
0x7b: {  	[sflag:s12] =	ssyncadd.s32 $0xFFFFFF80  }
0x7c: {  	_ =	swait.ge [sflag:s12], $0x80  }
0x7d: {  	[sflag:s12] =	ssyncset.done $0x0  }
0x7e: {  	[sflag:s12] =	ssyncadd.s32 $0xFFFFFF80  }
0x7f: {  	_ =	swait.ge [sflag:s12], $0x80  }
0x80: {  	[sflag:s12] =	ssyncset.done $0x0  }
0x81: {  	[sflag:s12] =	ssyncadd.s32 $0xFFFFFF80  }
0x82: {  	_ =	swait.ge [sflag:s12], $0x80  }
0x83: {  	[sflag:s12] =	ssyncset.done $0x0  }
0x84: {  	[sflag:s12] =	ssyncadd.s32 $0xFFFFFF80  }
0x85: {  	_ =	swait.ge [sflag:s12], $0x80  }
0x86: {  	[sflag:s12] =	ssyncset.done $0x0  }
0x87: {  	[sflag:s12] =	ssyncadd.s32 $0xFFFFFF80  }
0x88: {  	_ =	swait.ge [sflag:s12], $0x80  }
0x89: {  	[sflag:s12] =	ssyncset.done $0x0  }
0x8a: {  	[sflag:s12] =	ssyncadd.s32 $0xFFFFFF80  }
0x8b: {  	_ =	swait.ge [sflag:s12], $0x80  }
0x8c: {  	[sflag:s12] =	ssyncset.done $0x0  }
0x8d: {  	[sflag:s12] =	ssyncadd.s32 $0xFFFFFF80  }
0x8e: {  	_ =	swait.ge [sflag:s12], $0x80  }
0x8f: {  	[sflag:s12] =	ssyncset.done $0x0  }
0x90: {  	[sflag:s12] =	ssyncadd.s32 $0xFFFFFF80  }
0x91: {  	_ =	swait.ge [sflag:s12], $0x80  }
0x92: {  	[sflag:s12] =	ssyncset.done $0x0  }
0x93: {  	[sflag:s12] =	ssyncadd.s32 $0xFFFFFF80  }
0x94: {  	_ =	swait.ge [sflag:s12], $0x80  }
0x95: {  	s18 =	simm.s32 $0x2000;
	s21 =	simm.s32 $0x4000;
	[sflag:s12] =	ssyncset.done $0x0  }
.LBB2_2:
0x96: {  	s20 =	sshra.s32 s18, $0x2  }
0x97: {  	[sflag:s12] =	ssyncadd.s32 $0xFFFFFF80;
	s18 =	smov.u32 s21;
	s19 =	sadd.s32 $0x2000, s21  }
0x98: {  	[spmem:s1] =	stream.indirect.scatter.add.f32 [tilespmem:s11], [sflag:$0x1], $0x1, s20, s10, $0xb8;
	[tilespmem:$0x2D80] =	vst v63  }
0x99: {  	p0 =	sne.s32 s21, $0x8000;
	s21 =	sadd.s32 $0x80, s20  }
0x9a: {  	[spmem:s1] =	stream.indirect.scatter.add.f32 [tilespmem:s11], [sflag:$0x1], $0x1, s21, s10, $0xb8;
	[tilespmem:$0x2D80] =	vst v63  }
0x9b: {  	s21 =	sadd.s32 $0x100, s20  }
0x9c: {  	[spmem:s1] =	stream.indirect.scatter.add.f32 [tilespmem:s11], [sflag:$0x1], $0x1, s21, s10, $0xb8;
	[tilespmem:$0x2D80] =	vst v63  }
0x9d: {  	s21 =	sadd.s32 $0x180, s20  }
0x9e: {  	[spmem:s1] =	stream.indirect.scatter.add.f32 [tilespmem:s11], [sflag:$0x1], $0x1, s21, s10, $0xb8;
	[tilespmem:$0x2D80] =	vst v63  }
0x9f: {  	s21 =	sadd.s32 $0x200, s20  }
0xa0: {  	[spmem:s1] =	stream.indirect.scatter.add.f32 [tilespmem:s11], [sflag:$0x1], $0x1, s21, s10, $0xb8;
	[tilespmem:$0x2D80] =	vst v63  }
0xa1: {  	s21 =	sadd.s32 $0x280, s20  }
0xa2: {  	[spmem:s1] =	stream.indirect.scatter.add.f32 [tilespmem:s11], [sflag:$0x1], $0x1, s21, s10, $0xb8;
	[tilespmem:$0x2D80] =	vst v63  }
0xa3: {  	s21 =	sadd.s32 $0x300, s20  }
0xa4: {  	[spmem:s1] =	stream.indirect.scatter.add.f32 [tilespmem:s11], [sflag:$0x1], $0x1, s21, s10, $0xb8;
	[tilespmem:$0x2D80] =	vst v63  }
0xa5: {  	s21 =	sadd.s32 $0x380, s20  }
0xa6: {  	[spmem:s1] =	stream.indirect.scatter.add.f32 [tilespmem:s11], [sflag:$0x1], $0x1, s21, s10, $0xb8;
	[tilespmem:$0x2D80] =	vst v63  }
0xa7: {  	s21 =	sadd.s32 $0x400, s20  }
0xa8: {  	[spmem:s1] =	stream.indirect.scatter.add.f32 [tilespmem:s11], [sflag:$0x1], $0x1, s21, s10, $0xb8;
	[tilespmem:$0x2D80] =	vst v63  }
0xa9: {  	s21 =	sadd.s32 $0x480, s20  }
0xaa: {  	[spmem:s1] =	stream.indirect.scatter.add.f32 [tilespmem:s11], [sflag:$0x1], $0x1, s21, s10, $0xb8;
	[tilespmem:$0x2D80] =	vst v63  }
0xab: {  	s21 =	sadd.s32 $0x500, s20  }
0xac: {  	[spmem:s1] =	stream.indirect.scatter.add.f32 [tilespmem:s11], [sflag:$0x1], $0x1, s21, s10, $0xb8;
	[tilespmem:$0x2D80] =	vst v63  }
0xad: {  	s21 =	sadd.s32 $0x580, s20  }
0xae: {  	[spmem:s1] =	stream.indirect.scatter.add.f32 [tilespmem:s11], [sflag:$0x1], $0x1, s21, s10, $0xb8;
	[tilespmem:$0x2D80] =	vst v63  }
0xaf: {  	s21 =	sadd.s32 $0x600, s20  }
0xb0: {  	[spmem:s1] =	stream.indirect.scatter.add.f32 [tilespmem:s11], [sflag:$0x1], $0x1, s21, s10, $0xb8;
	[tilespmem:$0x2D80] =	vst v63  }
0xb1: {  	s21 =	sadd.s32 $0x680, s20  }
0xb2: {  	[spmem:s1] =	stream.indirect.scatter.add.f32 [tilespmem:s11], [sflag:$0x1], $0x1, s21, s10, $0xb8;
	[tilespmem:$0x2D80] =	vst v63  }
0xb3: {  	s21 =	sadd.s32 $0x700, s20  }
0xb4: {  	[spmem:s1] =	stream.indirect.scatter.add.f32 [tilespmem:s11], [sflag:$0x1], $0x1, s21, s10, $0xb8;
	[tilespmem:$0x2D80] =	vst v63  }
0xb5: {  	s20 =	sadd.s32 $0x780, s20  }
0xb6: {  	[spmem:s1] =	stream.indirect.scatter.add.f32 [tilespmem:s11], [sflag:$0x1], $0x1, s20, s10, $0xb8;
	[tilespmem:$0x2D80] =	vst v63  }
0xb7: {  	_ =	swait.ge [sflag:s12], $0x80  }
0xb8: {  	[sflag:s12] =	ssyncset.done $0x0  }
0xb9: {  	[sflag:s12] =	ssyncadd.s32 $0xFFFFFF80  }
0xba: {  	_ =	swait.ge [sflag:s12], $0x80  }
0xbb: {  	[sflag:s12] =	ssyncset.done $0x0  }
0xbc: {  	[sflag:s12] =	ssyncadd.s32 $0xFFFFFF80  }
0xbd: {  	_ =	swait.ge [sflag:s12], $0x80  }
0xbe: {  	[sflag:s12] =	ssyncset.done $0x0  }
0xbf: {  	[sflag:s12] =	ssyncadd.s32 $0xFFFFFF80  }
0xc0: {  	_ =	swait.ge [sflag:s12], $0x80  }
0xc1: {  	[sflag:s12] =	ssyncset.done $0x0  }
0xc2: {  	[sflag:s12] =	ssyncadd.s32 $0xFFFFFF80  }
0xc3: {  	_ =	swait.ge [sflag:s12], $0x80  }
0xc4: {  	[sflag:s12] =	ssyncset.done $0x0  }
0xc5: {  	[sflag:s12] =	ssyncadd.s32 $0xFFFFFF80  }
0xc6: {  	_ =	swait.ge [sflag:s12], $0x80  }
0xc7: {  	[sflag:s12] =	ssyncset.done $0x0  }
0xc8: {  	[sflag:s12] =	ssyncadd.s32 $0xFFFFFF80  }
0xc9: {  	_ =	swait.ge [sflag:s12], $0x80  }
0xca: {  	[sflag:s12] =	ssyncset.done $0x0  }
0xcb: {  	[sflag:s12] =	ssyncadd.s32 $0xFFFFFF80  }
0xcc: {  	_ =	swait.ge [sflag:s12], $0x80  }
0xcd: {  	[sflag:s12] =	ssyncset.done $0x0  }
0xce: {  	[sflag:s12] =	ssyncadd.s32 $0xFFFFFF80  }
0xcf: {  	_ =	swait.ge [sflag:s12], $0x80  }
0xd0: {  	[sflag:s12] =	ssyncset.done $0x0  }
0xd1: {  	[sflag:s12] =	ssyncadd.s32 $0xFFFFFF80  }
0xd2: {  	_ =	swait.ge [sflag:s12], $0x80  }
0xd3: {  	[sflag:s12] =	ssyncset.done $0x0  }
0xd4: {  	[sflag:s12] =	ssyncadd.s32 $0xFFFFFF80  }
0xd5: {  	_ =	swait.ge [sflag:s12], $0x80  }
0xd6: {  	[sflag:s12] =	ssyncset.done $0x0  }
0xd7: {  	[sflag:s12] =	ssyncadd.s32 $0xFFFFFF80  }
0xd8: {  	_ =	swait.ge [sflag:s12], $0x80  }
0xd9: {  	[sflag:s12] =	ssyncset.done $0x0  }
0xda: {  	[sflag:s12] =	ssyncadd.s32 $0xFFFFFF80  }
0xdb: {  	_ =	swait.ge [sflag:s12], $0x80  }
0xdc: {  	[sflag:s12] =	ssyncset.done $0x0  }
0xdd: {  	[sflag:s12] =	ssyncadd.s32 $0xFFFFFF80  }
0xde: {  	_ =	swait.ge [sflag:s12], $0x80  }
0xdf: {  	[sflag:s12] =	ssyncset.done $0x0  }
0xe0: {  	[sflag:s12] =	ssyncadd.s32 $0xFFFFFF80  }
.Ltmp0:
0xe1: {  	_ =	swait.ge [sflag:s12], $0x80;
	(pc) =	sbr.rel @p0 .LBB2_2-.Ltmp0, $4  }
0xe2: {  	[sflag:s12] =	ssyncset.done $0x0  }
0xe3: {  	[sflag:s12] =	ssyncadd.s32 $0xFFFFFF80  }
0xe4: {  	_ =	swait.ge [sflag:s12], $0x80  }
0xe5: {  	s21 =	smov.u32 s19;
	[sflag:s12] =	ssyncset.done $0x0  }
0xe6: {  	s18 =	sshra.s32 s18, $0x2;
	[sflag:s12] =	ssyncadd.s32 $0xFFFFFF80  }
0xe7: {  	[spmem:s1] =	stream.indirect.scatter.add.f32 [tilespmem:s11], [sflag:$0x1], $0x1, s18, s10, $0xb8;
	[tilespmem:$0x2D80] =	vst v63  }
0xe8: {  	s19 =	sadd.s32 $0x80, s18  }
0xe9: {  	[spmem:s1] =	stream.indirect.scatter.add.f32 [tilespmem:s11], [sflag:$0x1], $0x1, s19, s10, $0xb8;
	[tilespmem:$0x2D80] =	vst v63  }
0xea: {  	s30 =	sadd.s32 $0x100, s18  }
0xeb: {  	[spmem:s1] =	stream.indirect.scatter.add.f32 [tilespmem:s11], [sflag:$0x1], $0x1, s30, s10, $0xb8;
	[tilespmem:$0x2D80] =	vst v63  }
0xec: {  	s31 =	sadd.s32 $0x180, s18  }
0xed: {  	[spmem:s1] =	stream.indirect.scatter.add.f32 [tilespmem:s11], [sflag:$0x1], $0x1, s31, s10, $0xb8;
	[tilespmem:$0x2D80] =	vst v63  }
0xee: {  	s20 =	sadd.s32 $0x200, s18  }
0xef: {  	[spmem:s1] =	stream.indirect.scatter.add.f32 [tilespmem:s11], [sflag:$0x1], $0x1, s20, s10, $0xb8;
	[tilespmem:$0x2D80] =	vst v63  }
0xf0: {  	s21 =	sadd.s32 $0x280, s18  }
0xf1: {  	[spmem:s1] =	stream.indirect.scatter.add.f32 [tilespmem:s11], [sflag:$0x1], $0x1, s21, s10, $0xb8;
	[tilespmem:$0x2D80] =	vst v63  }
0xf2: {  	s22 =	sadd.s32 $0x300, s18  }
0xf3: {  	[spmem:s1] =	stream.indirect.scatter.add.f32 [tilespmem:s11], [sflag:$0x1], $0x1, s22, s10, $0xb8;
	[tilespmem:$0x2D80] =	vst v63  }
0xf4: {  	s23 =	sadd.s32 $0x380, s18  }
0xf5: {  	[spmem:s1] =	stream.indirect.scatter.add.f32 [tilespmem:s11], [sflag:$0x1], $0x1, s23, s10, $0xb8;
	[tilespmem:$0x2D80] =	vst v63  }
0xf6: {  	s24 =	sadd.s32 $0x400, s18  }
0xf7: {  	[spmem:s1] =	stream.indirect.scatter.add.f32 [tilespmem:s11], [sflag:$0x1], $0x1, s24, s10, $0xb8;
	[tilespmem:$0x2D80] =	vst v63  }
0xf8: {  	s25 =	sadd.s32 $0x480, s18  }
0xf9: {  	[spmem:s1] =	stream.indirect.scatter.add.f32 [tilespmem:s11], [sflag:$0x1], $0x1, s25, s10, $0xb8;
	[tilespmem:$0x2D80] =	vst v63  }
0xfa: {  	s26 =	sadd.s32 $0x500, s18  }
0xfb: {  	[spmem:s1] =	stream.indirect.scatter.add.f32 [tilespmem:s11], [sflag:$0x1], $0x1, s26, s10, $0xb8;
	[tilespmem:$0x2D80] =	vst v63  }
0xfc: {  	s28 =	sadd.s32 $0x580, s18  }
0xfd: {  	[spmem:s1] =	stream.indirect.scatter.add.f32 [tilespmem:s11], [sflag:$0x1], $0x1, s28, s10, $0xb8;
	[tilespmem:$0x2D80] =	vst v63  }
0xfe: {  	s29 =	sadd.s32 $0x600, s18  }
0xff: {  	[spmem:s1] =	stream.indirect.scatter.add.f32 [tilespmem:s11], [sflag:$0x1], $0x1, s29, s10, $0xb8;
	[tilespmem:$0x2D80] =	vst v63  }
0x100: {  	s30 =	sadd.s32 $0x680, s18  }
0x101: {  	[spmem:s1] =	stream.indirect.scatter.add.f32 [tilespmem:s11], [sflag:$0x1], $0x1, s30, s10, $0xb8;
	[tilespmem:$0x2D80] =	vst v63  }
0x102: {  	s31 =	sadd.s32 $0x700, s18  }
0x103: {  	[spmem:s1] =	stream.indirect.scatter.add.f32 [tilespmem:s11], [sflag:$0x1], $0x1, s31, s10, $0xb8;
	[tilespmem:$0x2D80] =	vst v63  }
0x104: {  	s18 =	sadd.s32 $0x780, s18  }
0x105: {  	[spmem:s1] =	stream.indirect.scatter.add.f32 [tilespmem:s11], [sflag:$0x1], $0x1, s18, s10, $0xb8;
	[tilespmem:$0x2D80] =	vst v63  }
0x106: {  	_ =	swait.ge [sflag:s12], $0x80  }
0x107: {  	[sflag:s12] =	ssyncset.done $0x0  }
0x108: {  	[sflag:s12] =	ssyncadd.s32 $0xFFFFFF80  }
0x109: {  	_ =	swait.ge [sflag:s12], $0x80  }
0x10a: {  	[sflag:s12] =	ssyncset.done $0x0  }
0x10b: {  	[sflag:s12] =	ssyncadd.s32 $0xFFFFFF80  }
0x10c: {  	_ =	swait.ge [sflag:s12], $0x80  }
0x10d: {  	[sflag:s12] =	ssyncset.done $0x0  }
0x10e: {  	[sflag:s12] =	ssyncadd.s32 $0xFFFFFF80  }
0x10f: {  	_ =	swait.ge [sflag:s12], $0x80  }
0x110: {  	[sflag:s12] =	ssyncset.done $0x0  }
0x111: {  	[sflag:s12] =	ssyncadd.s32 $0xFFFFFF80  }
0x112: {  	_ =	swait.ge [sflag:s12], $0x80  }
0x113: {  	[sflag:s12] =	ssyncset.done $0x0  }
0x114: {  	[sflag:s12] =	ssyncadd.s32 $0xFFFFFF80  }
0x115: {  	_ =	swait.ge [sflag:s12], $0x80  }
0x116: {  	[sflag:s12] =	ssyncset.done $0x0  }
0x117: {  	[sflag:s12] =	ssyncadd.s32 $0xFFFFFF80  }
0x118: {  	_ =	swait.ge [sflag:s12], $0x80  }
0x119: {  	[sflag:s12] =	ssyncset.done $0x0  }
0x11a: {  	[sflag:s12] =	ssyncadd.s32 $0xFFFFFF80  }
0x11b: {  	_ =	swait.ge [sflag:s12], $0x80  }
0x11c: {  	[sflag:s12] =	ssyncset.done $0x0  }
0x11d: {  	[sflag:s12] =	ssyncadd.s32 $0xFFFFFF80  }
0x11e: {  	_ =	swait.ge [sflag:s12], $0x80  }
0x11f: {  	[sflag:s12] =	ssyncset.done $0x0  }
0x120: {  	[sflag:s12] =	ssyncadd.s32 $0xFFFFFF80  }
0x121: {  	_ =	swait.ge [sflag:s12], $0x80  }
0x122: {  	[sflag:s12] =	ssyncset.done $0x0  }
0x123: {  	[sflag:s12] =	ssyncadd.s32 $0xFFFFFF80  }
0x124: {  	_ =	swait.ge [sflag:s12], $0x80  }
0x125: {  	[sflag:s12] =	ssyncset.done $0x0  }
0x126: {  	[sflag:s12] =	ssyncadd.s32 $0xFFFFFF80  }
0x127: {  	_ =	swait.ge [sflag:s12], $0x80  }
0x128: {  	[sflag:s12] =	ssyncset.done $0x0  }
0x129: {  	[sflag:s12] =	ssyncadd.s32 $0xFFFFFF80  }
0x12a: {  	_ =	swait.ge [sflag:s12], $0x80  }
0x12b: {  	[sflag:s12] =	ssyncset.done $0x0  }
0x12c: {  	[sflag:s12] =	ssyncadd.s32 $0xFFFFFF80  }
0x12d: {  	_ =	swait.ge [sflag:s12], $0x80  }
0x12e: {  	[sflag:s12] =	ssyncset.done $0x0  }
0x12f: {  	[sflag:s12] =	ssyncadd.s32 $0xFFFFFF80  }
0x130: {  	_ =	swait.ge [sflag:s12], $0x80  }
0x131: {  	[sflag:s12] =	ssyncset.done $0x0  }
0x132: {  	[sflag:s12] =	ssyncadd.s32 $0xFFFFFF80  }
0x133: {  	_ =	swait.ge [sflag:s12], $0x80  }
0x134: {  	s17 =	sadd.s32 $0x1, s17;
	[sflag:s12] =	ssyncset.done $0x0  }
0x135: {  	p0 =	sne.s32 s17, s7;
	[sflag:s12] =	ssyncadd.s32 $0xFFFFFF80  }
.Ltmp1:
0x136: {  	[bflag:$0x0] =	sbarrier.arrive $0xFFFF;
	(pc) =	sbr.rel @p0 .LBB2_1-.Ltmp1, $4  }
0x137: {  	[hbm:s6@s15], [sflag:s13] =	dma.strided [spmem:s14@s16], $0x50, s12, $0x10   }
0x138: {  	_ =	swait.ge [sflag:s9], $0x50  }
0x139: {  	[sflag:s9] =	ssyncset.done $0x0  }
0x13a: {  	[sflag:s9] =	ssyncadd.s32 $0xFFFFFFB0  }
0x13b: {  	_ =	sfence.sel $0x180000  }
0x13c: {  	[bflag:$0x0] =	sbarrier.arrive $0xFFFF  }
0x13d: {  	p0 =	sne.s32 s2, $0x0;
	_ =	strace $0x90000047  }
0x13e: {  	s0 =	sadd.s32 @!p0 $0x100000, s0;
	[bflag:$0x2] =	sbarrier.arrive $0xFFFF  }
0x13f: {  	[sflag:s0] =	ssyncadd.tile.s32 @!p0 $0x1;
	_ =	shalt  }
.Lfunc_end2:
_tile_overlayer_lowered:
.L_overlay_start_2:
0x140: {  	(tag) =	ssettag $0x2  }
0x141: {  	s0 =	rddreg [dreg:$0x0];
	s2 =	stileid.u32  }
0x142: {  	s1 =	rddreg [dreg:$0x1];
	p0 =	sne.s32 s2, $0x0  }
0x143: {  	s3 =	rddreg [dreg:$0x2];
	[bflag:$0x3] =	sbarrier.arrive $0xFFFF;
	s2 =	simm.s32 @!p0 $0x1C02  }
0x144: {  	[timem:s3], [sflag:s2] =	dma.local @!p0 [hbm:s0], s1  }
0x145: {  	s0 =	simm.s32 @!p0 $0x2  }
0x146: {  	_ =	swait.ge @!p0 [sflag:s0], s1  }
0x147: {  	s1 =	ssub.s32 @!p0 $0x0, s1;
	[sflag:s0] =	ssyncset.done @!p0 $0x0  }
0x148: {  	[sflag:s0] =	ssyncadd.s32 @!p0 s1  }
0x149: {  	[bflag:$0x3] =	sbarrier.arrive $0xFFFF  }
0x14a: {  	_ =	shalt  }

// kernel: kernel.13.cloned.1.call-start
scs
__scs_entry_jumppad:
0x0: {  	(pc) =	sbr.rel $0x88, $3  }
0x1: {  	(tag) =	ssettag $0x0;
	lr =	simm.s32 $0x1  }
0x2: {  	[smem:$0x3F99] =	sst lr;
	_ =	strace $0xD0000000  }
0x3: {  	_ = 	snop  }
0x4: {  	_ = 	snop  }
0x5: {  	_ = 	snop  }
0x6: {  	_ = 	snop  }
0x7: {  	_ = 	snop  }
__scs_overlays_trampoline_lowered:
0x8: {  	[smem:$0x3FA8] =	sst s0  }
0x9: {  	[smem:$0x3FA9] =	sst s1  }
0xa: {  	[smem:$0x3FAA] =	sst s2  }
0xb: {  	[smem:$0x3FAB] =	sst s3  }
0xc: {  	[smem:$0x3FAC] =	sst s4  }
0xd: {  	[smem:$0x3FAD] =	sst s5  }
0xe: {  	[smem:$0x3FAE] =	sst s6  }
0xf: {  	[smem:$0x3FAF] =	sst s7  }
0x10: {  	[smem:$0x3FB0] =	sst s8  }
0x11: {  	[smem:$0x3FB1] =	sst s9;
	s0 =	simm.s32 @!p0 $0x0  }
0x12: {  	s1 =	sld [smem:$0x3F97];
	s0 =	simm.s32 @p0 $0x1  }
0x13: {  	[smem:$0x3FB2] =	sst s0;
	s0 =	simm.s32 @!p1 $0x0  }
0x14: {  	s2 =	sld [smem:$0x3F96];
	s0 =	simm.s32 @p1 $0x1  }
0x15: {  	[smem:$0x3FB3] =	sst s0;
	s0 =	simm.s32 @!p2 $0x0  }
0x16: {  	s3 =	sld [smem:$0x3FDB];
	s0 =	simm.s32 @p2 $0x1  }
0x17: {  	s4 =	simm.s32 $0x1BF5;
	[smem:$0x3FB5] =	sst s0  }
0x18: {  	s0 =	sld [smem:$0x3F98];
	_ =	swait.ge [sflag:s4], $0x0  }
0x19: {  	s7 =	sld [smem:$0x3F99]  }
0x1a: {  	s8 =	sadd.s32 $0xFFFFE003, lr  }
0x1b: {  	s9 =	sadd.s32 $0xFFFFFEF7, lr;
	s5 =	simm.s32 $0xFFFFFFFF;
	p2 =	slt.u32 s8, $0xFFFFF086  }
0x1c: {  	p1 =	slt.u32 s9, $0xF7A;
	s5 =	simm.s32 @!p2 $0x0  }
0x1d: {  	s5 =	simm.s32 @p1 $0x1;
	p0 =	seq.s32 s7, s2  }
0x1e: {  	s7 =	smul.u32 @!p0 $0xF7A, s2;
	p2 =	seq.s32 @!p0 s5, $0x0  }
0x1f: {  	s9 =	smul.u32 $0xF7A, s1;
	s8 =	simm.s32 @!p0 $0x1BF5;
	p2 =	por !p2, p0  }
0x20: {  	[sflag:s8] =	ssyncset.s32 @!p0 $0xFFFFF086;
	s6 =	sadd.s32 @!p0 s3, s7;
	s7 =	simm.s32 @!p0 $0x108  }
0x21: {  	s3 =	sadd.s32 s3, s9;
	s6 =	sadd.s32 @!p0 $0x88, s6;
	s7 =	simm.s32 @p2 $0x1082  }
0x22: {  	[simem:s7], [sflag:s8] =	dma.local @!p0 [hbm:s6], $0xF7A  }
0x23: {  	s9 =	sor.u32 $0xD0000000, s2;
	s6 =	simm.s32 $0x108;
	_ =	swait.ge @!p0 [sflag:s8], $0x0  }
0x24: {  	s3 =	sadd.s32 $0x88, s3;
	s6 =	simm.s32 @!p1 $0x1082;
	[sflag:s4] =	ssyncset.s32 $0xFFFFF086  }
0x25: {  	[simem:s6], [sflag:s4] =	dma.local [hbm:s3], $0xF7A  }
0x26: {  	[smem:$0x3F99] =	sst s1;
	(tag) =	ssettag s2;
	_ =	strace s9  }
0x27: {  	s1 =	sld [smem:$0x3FA9]  }
0x28: {  	s2 =	sld [smem:$0x3FAA]  }
0x29: {  	s4 =	sld [smem:$0x3FAC]  }
0x2a: {  	p0 =	seq.s32 s5, $0x0;
	s5 =	sld [smem:$0x3FAD]  }
0x2b: {  	s6 =	sld [smem:$0x3FAE]  }
0x2c: {  	s7 =	sld [smem:$0x3FAF]  }
0x2d: {  	s3 =	simm.s32 $0x108;
	s8 =	sld [smem:$0x3FB0]  }
0x2e: {  	s3 =	simm.s32 @!p0 $0x1082;
	s9 =	sld [smem:$0x3FB1]  }
0x2f: {  	lr =	sadd.s32 s0, s3;
	s0 =	sld [smem:$0x3FA8]  }
0x30: {  	s3 =	sld [smem:$0x3FAB]  }
0x31: {  	[smem:$0x3FB4] =	sst s10  }
0x32: {  	s10 =	sld [smem:$0x3FB2];
	_ =	sdelay $0x3  }
0x33: {  	p0 =	seq.s32 s10, $0x1;
	s10 =	sld [smem:$0x3FB4];
	_ =	sdelay $0x3  }
0x34: {  	[smem:$0x3FB4] =	sst s10  }
0x35: {  	s10 =	sld [smem:$0x3FB3];
	_ =	sdelay $0x3  }
0x36: {  	p1 =	seq.s32 s10, $0x1;
	s10 =	sld [smem:$0x3FB4];
	_ =	sdelay $0x3  }
0x37: {  	[smem:$0x3FB4] =	sst s10  }
0x38: {  	s10 =	sld [smem:$0x3FB5]  }
0x39: {  	_ = 	snop;
	(pc) =	sbr.ind lr, $3  }
0x3a: {  	_ = 	snop  }
0x3b: {  	_ = 	snop  }
0x3c: {  	p2 =	seq.s32 s10, $0x1;
	s10 =	sld [smem:$0x3FB4]  }
0x3d: {  	_ =	shalt  }
0x3e: {  	_ =	shalt  }
0x3f: {  	_ =	shalt  }
0x40: {  	_ =	shalt  }
0x41: {  	_ =	shalt  }
0x42: {  	_ =	shalt  }
0x43: {  	_ =	shalt  }
0x44: {  	_ =	shalt  }
0x45: {  	_ =	shalt  }
0x46: {  	_ =	shalt  }
0x47: {  	_ =	shalt  }
0x48: {  	_ =	shalt  }
0x49: {  	_ =	shalt  }
0x4a: {  	_ =	shalt  }
0x4b: {  	_ =	shalt  }
0x4c: {  	_ =	shalt  }
0x4d: {  	_ =	shalt  }
0x4e: {  	_ =	shalt  }
0x4f: {  	_ =	shalt  }
0x50: {  	_ =	shalt  }
0x51: {  	_ =	shalt  }
0x52: {  	_ =	shalt  }
0x53: {  	_ =	shalt  }
0x54: {  	_ =	shalt  }
0x55: {  	_ =	shalt  }
0x56: {  	_ =	shalt  }
0x57: {  	_ =	shalt  }
0x58: {  	_ =	shalt  }
0x59: {  	_ =	shalt  }
0x5a: {  	_ =	shalt  }
0x5b: {  	_ =	shalt  }
0x5c: {  	_ =	shalt  }
0x5d: {  	_ =	shalt  }
0x5e: {  	_ =	shalt  }
0x5f: {  	_ =	shalt  }
0x60: {  	_ =	shalt  }
0x61: {  	_ =	shalt  }
0x62: {  	_ =	shalt  }
0x63: {  	_ =	shalt  }
0x64: {  	_ =	shalt  }
0x65: {  	_ =	shalt  }
0x66: {  	_ =	shalt  }
0x67: {  	_ =	shalt  }
0x68: {  	_ =	shalt  }
0x69: {  	_ =	shalt  }
0x6a: {  	_ =	shalt  }
0x6b: {  	_ =	shalt  }
0x6c: {  	_ =	shalt  }
0x6d: {  	_ =	shalt  }
0x6e: {  	_ =	shalt  }
0x6f: {  	_ =	shalt  }
0x70: {  	_ =	shalt  }
0x71: {  	_ =	shalt  }
0x72: {  	_ =	shalt  }
0x73: {  	_ =	shalt  }
0x74: {  	_ =	shalt  }
0x75: {  	_ =	shalt  }
0x76: {  	_ =	shalt  }
0x77: {  	_ =	shalt  }
0x78: {  	_ =	shalt  }
0x79: {  	_ =	shalt  }
0x7a: {  	_ =	shalt  }
0x7b: {  	_ =	shalt  }
0x7c: {  	_ =	shalt  }
0x7d: {  	_ =	shalt  }
0x7e: {  	_ =	shalt  }
0x7f: {  	_ =	shalt  }
0x80: {  	_ =	shalt  }
0x81: {  	_ =	shalt  }
0x82: {  	_ =	shalt  }
0x83: {  	_ =	shalt  }
0x84: {  	_ =	shalt  }
0x85: {  	_ =	shalt  }
0x86: {  	_ =	shalt  }
0x87: {  	_ =	shalt  }
.Lfunc_end0:
.L_simem_size_0:
called_computation.1_lowered:
.L_overlay_start_0:
0x88: {  	s2 =	sld [smem:$0x3FD9]  }
0x89: {  	s3 =	sld [smem:$0x3FFE];
	_ =	sdelay $0x1  }
0x8a: {  	s1 =	srdreg.scid  }
0x8b: {  	s0 =	sand.u32 $0x1, s1  }
0x8c: {  	s16 =	sshll.u32 s0, $0xA;
	s2 =	sadd.s32 s3, s2  }
0x8d: {  	s2 =	sadd.s32 s2, s16  }
0x8e: {  	[smem:$0x3FC0] =	sst s2  }
0x8f: {  	_ = 	snop  }
0x90: {  	(tm) =	ssettm $0x1  }
0x91: {  	s17 =	sld [smem:$0x3FFB];
	_ =	sdelay $0x3  }
0x92: {  	_ =	strace s17  }
0x93: {  	s2 =	sld [smem:$0x3FFC];
	_ =	sdelay $0x3  }
0x94: {  	_ =	strace s2  }
0x95: {  	s2 =	sld [smem:$0x3FFD];
	_ =	sdelay $0x3  }
0x96: {  	_ =	strace s2  }
0x97: {  	_ =	strace $0x8FFFFFFF  }
0x98: {  	s18 =	sld [smem:$0x3FDB];
	_ =	sdelay $0x1  }
0x99: {  	s19 =	simm.s32 $_scs_section_size  }
0x9a: {  	s4 =	simm.s32 $_size__tile_overlayer_lowered;
	s5 =	simm.s32 $_tile_overlayer_lowered  }
0x9b: {  	s22 =	simm.s32 $0x1BFF;
	s21 =	sshll.u32 s5, $0x1;
	s2 =	sadd.s32 s19, s18  }
0x9c: {  	s6 =	simm.s32 $0x0;
	s20 =	sshll.u32 s4, $0x1;
	s4 =	sadd.s32 s21, s2  }
0x9d: {  	[timem:s6], [sflag:s22] =	dma.local [hbm:s4], s20  }
0x9e: {  	_ =	swait.ge [sflag:s22], s20  }
0x9f: {  	s3 =	ssub.s32 $0x0, s20;
	[sflag:s22] =	ssyncset.done $0x0  }
0xa0: {  	[sflag:s22] =	ssyncadd.s32 s3;
	_ =	sdelay $0x1  }
0xa1: {  	s23 =	simm.s32 $0x1B8B  }
0xa2: {  	_ =	swait.ge [sflag:s23], $0x1  }
0xa3: {  	[sflag:s23] =	ssyncset.done $0x0  }
0xa4: {  	s25 =	simm.s32 $0x1B8E;
	s24 =	sld [smem:$0x3FFE];
	[sflag:s23] =	ssyncadd.s32 $0xFFFFFFFF  }
0xa5: {  	s26 =	simm.s32 $execute0_lowered;
	[smem:$0x3FD2] =	sst s25  }
0xa6: {  	s4 =	sshll.u32 s26, $0x1;
	_ =	strace $0x80000049;
	[dreg:$0x1] =	wrdreg $0xFFFFFFFF  }
0xa7: {  	s28 =	simm.s32 $_size_execute0_lowered;
	s2 =	sadd.s32 s2, s4;
	[dreg:$0x0] =	wrdreg $0x0  }
0xa8: {  	s4 =	sshll.u32 s28, $0x1;
	[dreg:$0x2] =	wrdreg s2  }
0xa9: {  	[dreg:$0x3] =	wrdreg s4  }
0xaa: {  	[dreg:$0x4] =	wrdreg $0xC0  }
0xab: {  	_ =	task [dreg:s6], $0x5FFFF  }
0xac: {  	[dreg:$0x1] =	wrdreg $0xFFFFFFFF  }
0xad: {  	[dreg:$0x0] =	wrdreg $0x60  }
0xae: {  	[dreg:$0x2] =	wrdreg s24  }
0xaf: {  	[dreg:$0x3] =	wrdreg $0xA0000  }
0xb0: {  	[dreg:$0x4] =	wrdreg $0x9  }
0xb1: {  	_ =	task.clear_ibuf [dreg:s6], $0x5FFFF;
	_ =	strace $0x90000049  }
0xb2: {  	s29 =	simm.s32 $0x9;
	_ =	strace $0x8000004B  }
0xb3: {  	_ =	swait.ge [sflag:s29], $0x1  }
0xb4: {  	[sflag:s29] =	ssyncadd.s32 $0xFFFFFFFF  }
0xb5: {  	_ =	strace $0x9000004B  }
0xb6: {  	_ =	sfence  }
0xb7: {  	s30 =	sld [smem:$0x0];
	_ =	sdelay $0x2  }
0xb8: {  	s31 =	sshll.u32 s1, $0xD;
	s1 =	sshrl.u32 s1, $0x2  }
0xb9: {  	s3 =	sand.u32 $0x4000, s31;
	s1 =	sadd.s32 s1, s30  }
0xba: {  	s0 =	sor.u32 s3, s0;
	s1 =	sshll.u32 s1, $0x11  }
0xbb: {  	s0 =	sor.u32 s1, s0  }
0xbc: {  	s0 =	sadd.s32 $0x8F2B, s0  }
0xbd: {  	[sflag:s0] =	ssyncadd.remote.s32 $0x1  }
0xbe: {  	_ =	sfence.sel $0xFFFF  }
0xbf: {  	[dreg:$0x0] =	wrdreg $0xFFFFFFFF;
	(pc) =	sbr.abs _section_cstart, $3  }
0xc0: {  	[dreg:$0x1] =	wrdreg $0xFFFFFFFF  }
0xc1: {  	_ =	task.clear_ibuf [dreg:s6], $0x2FFFF;
	_ =	strace $0x9FFFFFFF  }
0xc2: {  	(tm) =	ssettm $0x7FFFFFFF  }
0xc3: {  	_ =	shalt  }
tec
execute0_lowered:
.L_overlay_start_1:
0x0: {  	(tag) =	ssettag $0x1  }
0x1: {  	s0 =	srdreg.scid;
	s3 =	rddreg [dreg:$0x0]  }
0x2: {  	s4 =	stileid.u32;
	s2 =	rddreg [dreg:$0x1]  }
0x3: {  	s6 =	simm.s32 $0x0;
	s14 =	simm.s32 $0x9000;
	s15 =	simm.s32 $0x9  }
0x4: {  	s16 =	simm.s32 $0x2800;
	s17 =	simm.s32 $0x80;
	s18 =	simm.s32 $0x5000  }
0x5: {  	s19 =	simm.s32 $0x6000;
	s20 =	simm.s32 $0x1;
	s22 =	simm.s32 $0x7000  }
0x6: {  	s23 =	simm.s32 $0x2;
	s28 =	simm.s32 $0x3;
	s30 =	simm.s32 $0x5  }
0x7: {  	s21 =	simm.s32 $0x6;
	s29 =	simm.s32 $0x8;
	s5 =	smul.u32 $0x5000, s4  }
0x8: {  	s31 =	simm.s32 $0x0;
	s0 =	sand.u32 $0x1, s0;
	s7 =	smul.u32 $0x14000, s4  }
0x9: {  	[smem:$0x7FF] =	sst s6;
	s1 =	sshll.u32 s0, $0x4;
	s25 =	smul.u32 $0x50000, s0  }
0xa: {  	_ =	strace $0x8000004A;
	s0 =	ssub.s32 $0x2, s0;
	s1 =	sor.u32 s4, s1  }
0xb: {  	s4 =	sadd.s32 $0x29800, s3;
	s8 =	sshrl.u32 s0, $0x1;
	s7 =	sshrl.u32 s7, $0x2  }
0xc: {  	s1 =	smul.u32 $0x500, s1;
	s6 =	sadd.s32 s5, s25;
	s0 =	ssub.s32 s0, s8  }
0xd: {  	s9 =	sadd.s32 s7, s2;
	s5 =	sadd.s32 s5, s2;
	s25 =	simm.s32 $0x7  }
.Ltmp0:
0xe: {  	s6 =	sshrl.u32 s6, $0x3;
	s26 =	sadd.s32 $0x1000, s9;
	(pc) =	sbr.rel .LBB2_1-.Ltmp0, $4  }
0xf: {  	s7 =	sadd.s32 $0x2000, s9;
	s8 =	sadd.s32 $0x3000, s9;
	s9 =	sadd.s32 $0x4000, s9  }
0x10: {  	s13 =	smax.u32 s0, $0x1;
	s1 =	sadd.s32 s1, s3;
	s3 =	sadd.s32 s6, s3  }
0x11: {  	[dreg:$0x3] =	wrdreg s26;
	s26 =	simm.s32 $0x8000;
	s10 =	sadd.s32 $0xB800, s1  }
0x12: {  	v0 =	vimm.f32 $0.0e+00;
	s11 =	sadd.s32 $0x1800, s1;
	s12 =	sadd.s32 $0x33800, s3;
	s1 =	simm.s32 $0x4  }
.LBB2_6:
0x13: {  	_ =	swait.ge [sflag:s1], $0x1000  }
0x14: {  	[sflag:s1] =	ssyncset.done $0x0  }
0x15: {  	[sflag:s1] =	ssyncadd.s32 $0xFFFFF000  }
0x16: {  	[spmem:s2] =	stream.indirect.scatter.add.f32 [tilespmem:s26], [sflag:$0x8], $0x20, s3, s17, $0xb8;
	[tilespmem:$0xF000] =	vst v63  }
0x17: {  	_ =	swait.ge [sflag:s30], $0x1000  }
0x18: {  	[sflag:s30] =	ssyncset.done $0x0  }
0x19: {  	[sflag:s30] =	ssyncadd.s32 $0xFFFFF000  }
0x1a: {  	_ =	swait.ge [sflag:s21], $0x1000  }
0x1b: {  	[sflag:s21] =	ssyncset.done $0x0  }
0x1c: {  	[sflag:s21] =	ssyncadd.s32 $0xFFFFF000  }
0x1d: {  	_ =	swait.ge [sflag:s25], $0x1000  }
0x1e: {  	[sflag:s25] =	ssyncset.done $0x0  }
0x1f: {  	[sflag:s25] =	ssyncadd.s32 $0xFFFFF000  }
0x20: {  	s0 =	stileid.u32;
	_ =	swait.ge [sflag:s29], $0x1000  }
0x21: {  	s24 =	sshrl.u32 s5, $0x3;
	s31 =	sadd.s32 $0x1, s31;
	[sflag:s29] =	ssyncset.done $0x0  }
0x22: {  	s0 =	sshll.u32 s0, $0x6;
	p0 =	sne.s32 s31, s13;
	[sflag:s29] =	ssyncadd.s32 $0xFFFFF000  }
.Ltmp1:
0x23: {  	s0 =	sor.u32 $0x1C09, s0;
	[bflag:$0x0] =	sbarrier.arrive $0xFFFF;
	(pc) =	sbr.rel @!p0 .LBB2_7-.Ltmp1, $4  }
0x24: {  	[hbm:s12], [sflag:s0] =	dma.local [spmem:s24], $0xA00  }
0x25: {  	_ =	swait.ge [sflag:s15], $0xA00  }
0x26: {  	[sflag:s15] =	ssyncset.done $0x0  }
0x27: {  	[sflag:s15] =	ssyncadd.s32 $0xFFFFF600  }
.LBB2_1:
0x28: {  	s3 =	simm.s32 $0x0  }
0x29: {  	s0 =	sand.u32 $0x3F80, s3  }
0x2a: {  	s3 =	sand.u32 $0x10, s3;
	s24 =	sshrl.u32 s0, $0x2  }
0x2b: {  	s0 =	simm.s32 $0x40;
	s3 =	sor.u32 s3, s24;
	s24 =	simm.s32 $0x0  }
.LBB2_2:
0x2c: {  	p0 =	sne.s32 s0, $0x3FC0  }
0x2d: {  	[tilespmem:s3+$0x9000] =	vst v0;
	s24 =	sadd.s32 $0x10, s24;
	s3 =	smov.u32 s0;
	s0 =	sadd.s32 $0x40, s0  }
.Ltmp2:
0x2e: {  	(pc) =	sbr.rel @p0 .LBB2_2-.Ltmp2, $4  }
0x2f: {  	_ = 	snop  }
0x30: {  	s3 =	sand.u32 $0x3F80, s3  }
0x31: {  	s6 =	sand.u32 $0x10, s24;
	s3 =	sshrl.u32 s3, $0x2  }
0x32: {  	s3 =	sor.u32 s6, s3  }
0x33: {  	[tilespmem:s3+$0x9000] =	vst v0  }
0x34: {  	[spmem:s5] =	stream.linear.scatter [tilespmem:s14], [sflag:$0x9], $0x1000, $0x38;
	[tilespmem:$0xF000] =	vst v63  }
0x35: {  	_ =	swait.ge [sflag:s15], $0x1000  }
0x36: {  	[sflag:s15] =	ssyncset.done $0x0  }
0x37: {  	s0 =	rddreg [dreg:$0x3];
	[sflag:s15] =	ssyncadd.s32 $0xFFFFF000  }
0x38: {  	[spmem:s0] =	stream.linear.scatter [tilespmem:s14], [sflag:$0x9], $0x1000, $0x38;
	[tilespmem:$0xF000] =	vst v63  }
0x39: {  	_ =	swait.ge [sflag:s15], $0x1000  }
0x3a: {  	[sflag:s15] =	ssyncset.done $0x0  }
0x3b: {  	[sflag:s15] =	ssyncadd.s32 $0xFFFFF000  }
0x3c: {  	[spmem:s7] =	stream.linear.scatter [tilespmem:s14], [sflag:$0x9], $0x1000, $0x38;
	[tilespmem:$0xF000] =	vst v63  }
0x3d: {  	_ =	swait.ge [sflag:s15], $0x1000  }
0x3e: {  	[sflag:s15] =	ssyncset.done $0x0  }
0x3f: {  	[sflag:s15] =	ssyncadd.s32 $0xFFFFF000  }
0x40: {  	[spmem:s8] =	stream.linear.scatter [tilespmem:s14], [sflag:$0x9], $0x1000, $0x38;
	[tilespmem:$0xF000] =	vst v63  }
0x41: {  	_ =	swait.ge [sflag:s15], $0x1000  }
0x42: {  	[sflag:s15] =	ssyncset.done $0x0  }
0x43: {  	[sflag:s15] =	ssyncadd.s32 $0xFFFFF000  }
0x44: {  	[spmem:s9] =	stream.linear.scatter [tilespmem:s14], [sflag:$0x9], $0x1000, $0x38;
	[tilespmem:$0xF000] =	vst v63  }
0x45: {  	_ =	swait.ge [sflag:s15], $0x1000  }
0x46: {  	[sflag:s15] =	ssyncset.done $0x0  }
0x47: {  	[sflag:s15] =	ssyncadd.s32 $0xFFFFF000  }
0x48: {  	s0 =	simm.s32 $0x0;
	[bflag:$0x0] =	sbarrier.arrive $0xFFFF  }
0x49: {  	[tilespmem:s0], [sflag:$0x9] =	stream.linear.gather [hbm4b:s10+s0], $0x2800, $0x38;
	[tilespmem:$0xF000] =	vst v63  }
0x4a: {  	_ =	swait.ge [sflag:s15], $0x2800  }
0x4b: {  	[sflag:s15] =	ssyncset.done $0x0  }
0x4c: {  	[sflag:s15] =	ssyncadd.s32 $0xFFFFD800  }
0x4d: {  	[tilespmem:s16], [sflag:$0x9] =	stream.linear.gather [hbm4b:s11+s0], $0x2800, $0x38;
	[tilespmem:$0xF000] =	vst v63  }
0x4e: {  	_ =	swait.ge [sflag:s15], $0x2800  }
0x4f: {  	[sflag:s15] =	ssyncset.done $0x0  }
0x50: {  	[sflag:s15] =	ssyncadd.s32 $0xFFFFD800  }
0x51: {  	[tilespmem:s18], [sflag:$0x1] =	stream.indirect.gather [hbm4b:s4+s17], $0x20, s0, s17, $0xb8;
	[tilespmem:$0xF000] =	vst v63  }
0x52: {  	_ = 	snop  }
0x53: {  	[tilespmem:s19], [sflag:$0x2] =	stream.indirect.gather [hbm4b:s4+s17], $0x20, s17, s17, $0xb8;
	[tilespmem:$0xF000] =	vst v63  }
0x54: {  	_ =	swait.ge [sflag:s20], $0x1000  }
0x55: {  	[sflag:s20] =	ssyncset.done $0x0  }
0x56: {  	[sflag:s20] =	ssyncadd.s32 $0xFFFFF000  }
0x57: {  	[spmem:s2] =	stream.indirect.scatter.add.f32 [tilespmem:s18], [sflag:$0x5], $0x20, s16, s17, $0xb8;
	[tilespmem:$0xF000] =	vst v63  }
0x58: {  	s24 =	simm.s32 $0x100  }
0x59: {  	[tilespmem:s22], [sflag:$0x3] =	stream.indirect.gather [hbm4b:s4+s17], $0x20, s24, s17, $0xb8;
	[tilespmem:$0xF000] =	vst v63  }
0x5a: {  	_ =	swait.ge [sflag:s23], $0x1000  }
0x5b: {  	[sflag:s23] =	ssyncset.done $0x0  }
0x5c: {  	s6 =	simm.s32 $0x2880;
	[sflag:s23] =	ssyncadd.s32 $0xFFFFF000  }
0x5d: {  	[spmem:s2] =	stream.indirect.scatter.add.f32 [tilespmem:s19], [sflag:$0x6], $0x20, s6, s17, $0xb8;
	[tilespmem:$0xF000] =	vst v63  }
0x5e: {  	s24 =	simm.s32 $0x180  }
0x5f: {  	[tilespmem:s26], [sflag:$0x4] =	stream.indirect.gather [hbm4b:s4+s17], $0x20, s24, s17, $0xb8;
	[tilespmem:$0xF000] =	vst v63  }
0x60: {  	_ =	swait.ge [sflag:s28], $0x1000  }
0x61: {  	[sflag:s28] =	ssyncset.done $0x0  }
0x62: {  	s6 =	simm.s32 $0x2900;
	[sflag:s28] =	ssyncadd.s32 $0xFFFFF000  }
0x63: {  	[spmem:s2] =	stream.indirect.scatter.add.f32 [tilespmem:s22], [sflag:$0x7], $0x20, s6, s17, $0xb8;
	[tilespmem:$0xF000] =	vst v63  }
0x64: {  	_ =	swait.ge [sflag:s30], $0x1000  }
0x65: {  	[sflag:s30] =	ssyncset.done $0x0  }
0x66: {  	s24 =	simm.s32 $0x200;
	[sflag:s30] =	ssyncadd.s32 $0xFFFFF000  }
0x67: {  	[tilespmem:s18], [sflag:$0x1] =	stream.indirect.gather [hbm4b:s4+s17], $0x20, s24, s17, $0xb8;
	[tilespmem:$0xF000] =	vst v63  }
0x68: {  	_ =	swait.ge [sflag:s1], $0x1000  }
0x69: {  	[sflag:s1] =	ssyncset.done $0x0  }
0x6a: {  	s6 =	simm.s32 $0x2980;
	[sflag:s1] =	ssyncadd.s32 $0xFFFFF000  }
0x6b: {  	[spmem:s2] =	stream.indirect.scatter.add.f32 [tilespmem:s26], [sflag:$0x8], $0x20, s6, s17, $0xb8;
	[tilespmem:$0xF000] =	vst v63  }
0x6c: {  	_ =	swait.ge [sflag:s21], $0x1000  }
0x6d: {  	[sflag:s21] =	ssyncset.done $0x0  }
0x6e: {  	s24 =	simm.s32 $0x280;
	[sflag:s21] =	ssyncadd.s32 $0xFFFFF000  }
0x6f: {  	[tilespmem:s19], [sflag:$0x2] =	stream.indirect.gather [hbm4b:s4+s17], $0x20, s24, s17, $0xb8;
	[tilespmem:$0xF000] =	vst v63  }
.LBB2_4:
0x70: {  	_ =	swait.ge [sflag:s20], $0x1000  }
0x71: {  	s24 =	sshra.s32 s0, $0x2;
	[sflag:s20] =	ssyncset.done $0x0  }
0x72: {  	s3 =	sadd.s32 $0x2A00, s24;
	[sflag:s20] =	ssyncadd.s32 $0xFFFFF000  }
0x73: {  	[spmem:s2] =	stream.indirect.scatter.add.f32 [tilespmem:s18], [sflag:$0x5], $0x20, s3, s17, $0xb8;
	[tilespmem:$0xF000] =	vst v63  }
0x74: {  	_ =	swait.ge [sflag:s25], $0x1000  }
0x75: {  	[sflag:s25] =	ssyncset.done $0x0  }
0x76: {  	s6 =	sadd.s32 $0x300, s24;
	[sflag:s25] =	ssyncadd.s32 $0xFFFFF000  }
0x77: {  	[tilespmem:s22], [sflag:$0x3] =	stream.indirect.gather [hbm4b:s4+s17], $0x20, s6, s17, $0xb8;
	[tilespmem:$0xF000] =	vst v63  }
0x78: {  	_ =	swait.ge [sflag:s23], $0x1000  }
0x79: {  	[sflag:s23] =	ssyncset.done $0x0  }
0x7a: {  	s6 =	sadd.s32 $0x2A80, s24;
	[sflag:s23] =	ssyncadd.s32 $0xFFFFF000  }
0x7b: {  	[spmem:s2] =	stream.indirect.scatter.add.f32 [tilespmem:s19], [sflag:$0x6], $0x20, s6, s17, $0xb8;
	[tilespmem:$0xF000] =	vst v63  }
0x7c: {  	_ =	swait.ge [sflag:s29], $0x1000  }
0x7d: {  	[sflag:s29] =	ssyncset.done $0x0  }
0x7e: {  	p0 =	seq.s32 s0, $0x9000;
	s6 =	sadd.s32 $0x380, s24;
	[sflag:s29] =	ssyncadd.s32 $0xFFFFF000  }
0x7f: {  	[tilespmem:s26], [sflag:$0x4] =	stream.indirect.gather [hbm4b:s4+s17], $0x20, s6, s17, $0xb8;
	[tilespmem:$0xF000] =	vst v63  }
.Ltmp3:
0x80: {  	_ = 	snop;
	(pc) =	sbr.rel @p0 .LBB2_6-.Ltmp3, $4  }
0x81: {  	_ =	swait.ge [sflag:s28], $0x1000  }
0x82: {  	[sflag:s28] =	ssyncset.done $0x0  }
0x83: {  	s3 =	sadd.s32 $0x2B80, s24;
	s6 =	sadd.s32 $0x2B00, s24;
	[sflag:s28] =	ssyncadd.s32 $0xFFFFF000  }
0x84: {  	[spmem:s2] =	stream.indirect.scatter.add.f32 [tilespmem:s22], [sflag:$0x7], $0x20, s6, s17, $0xb8;
	[tilespmem:$0xF000] =	vst v63  }
0x85: {  	_ =	swait.ge [sflag:s30], $0x1000  }
0x86: {  	[sflag:s30] =	ssyncset.done $0x0  }
0x87: {  	s6 =	sadd.s32 $0x400, s24;
	[sflag:s30] =	ssyncadd.s32 $0xFFFFF000  }
0x88: {  	[tilespmem:s18], [sflag:$0x1] =	stream.indirect.gather [hbm4b:s4+s17], $0x20, s6, s17, $0xb8;
	[tilespmem:$0xF000] =	vst v63  }
0x89: {  	_ =	swait.ge [sflag:s1], $0x1000  }
0x8a: {  	[sflag:s1] =	ssyncset.done $0x0  }
0x8b: {  	[sflag:s1] =	ssyncadd.s32 $0xFFFFF000  }
0x8c: {  	[spmem:s2] =	stream.indirect.scatter.add.f32 [tilespmem:s26], [sflag:$0x8], $0x20, s3, s17, $0xb8;
	[tilespmem:$0xF000] =	vst v63  }
.Ltmp4:
0x8d: {  	_ = 	snop;
	(pc) =	sbr.rel .LBB2_4-.Ltmp4, $4  }
0x8e: {  	_ =	swait.ge [sflag:s21], $0x1000  }
0x8f: {  	[sflag:s21] =	ssyncset.done $0x0  }
0x90: {  	s24 =	sadd.s32 $0x480, s24;
	s0 =	sadd.s32 $0x800, s0;
	[sflag:s21] =	ssyncadd.s32 $0xFFFFF000  }
0x91: {  	[tilespmem:s19], [sflag:$0x2] =	stream.indirect.gather [hbm4b:s4+s17], $0x20, s24, s17, $0xb8;
	[tilespmem:$0xF000] =	vst v63  }
.LBB2_7:
0x92: {  	_ =	sfence.sel $0x180000  }
0x93: {  	[bflag:$0x0] =	sbarrier.arrive $0xFFFF  }
0x94: {  	_ =	strace $0x9000004A  }
0x95: {  	s0 =	stileid.u32;
	[bflag:$0x2] =	sbarrier.arrive $0xFFFF  }
0x96: {  	p0 =	sne.s32 s0, $0x0;
	s0 =	rddreg [dreg:$0x2]  }
0x97: {  	s0 =	sadd.s32 @!p0 $0x100000, s0  }
0x98: {  	[sflag:s0] =	ssyncadd.tile.s32 @!p0 $0x1;
	_ =	shalt  }
.Lfunc_end2:
_tile_overlayer_lowered:
.L_overlay_start_2:
0x99: {  	(tag) =	ssettag $0x2  }
0x9a: {  	s0 =	rddreg [dreg:$0x0];
	s2 =	stileid.u32  }
0x9b: {  	s1 =	rddreg [dreg:$0x1];
	p0 =	sne.s32 s2, $0x0  }
0x9c: {  	s3 =	rddreg [dreg:$0x2];
	[bflag:$0x3] =	sbarrier.arrive $0xFFFF;
	s2 =	simm.s32 @!p0 $0x1C09  }
0x9d: {  	[timem:s3], [sflag:s2] =	dma.local @!p0 [hbm:s0], s1  }
0x9e: {  	s0 =	simm.s32 @!p0 $0x9  }
0x9f: {  	_ =	swait.ge @!p0 [sflag:s0], s1  }
0xa0: {  	s1 =	ssub.s32 @!p0 $0x0, s1;
	[sflag:s0] =	ssyncset.done @!p0 $0x0  }
0xa1: {  	[sflag:s0] =	ssyncadd.s32 @!p0 s1  }
0xa2: {  	[bflag:$0x3] =	sbarrier.arrive $0xFFFF  }
0xa3: {  	_ =	shalt  }

// kernel: kernel.16.cloned.1.call-start
scs
__scs_entry_jumppad:
0x0: {  	(pc) =	sbr.rel $0x88, $3  }
0x1: {  	(tag) =	ssettag $0x0;
	lr =	simm.s32 $0x1  }
0x2: {  	[smem:$0x3F99] =	sst lr;
	_ =	strace $0xD0000000  }
0x3: {  	_ = 	snop  }
0x4: {  	_ = 	snop  }
0x5: {  	_ = 	snop  }
0x6: {  	_ = 	snop  }
0x7: {  	_ = 	snop  }
__scs_overlays_trampoline_lowered:
0x8: {  	[smem:$0x3FA8] =	sst s0  }
0x9: {  	[smem:$0x3FA9] =	sst s1  }
0xa: {  	[smem:$0x3FAA] =	sst s2  }
0xb: {  	[smem:$0x3FAB] =	sst s3  }
0xc: {  	[smem:$0x3FAC] =	sst s4  }
0xd: {  	[smem:$0x3FAD] =	sst s5  }
0xe: {  	[smem:$0x3FAE] =	sst s6  }
0xf: {  	[smem:$0x3FAF] =	sst s7  }
0x10: {  	[smem:$0x3FB0] =	sst s8  }
0x11: {  	[smem:$0x3FB1] =	sst s9;
	s0 =	simm.s32 @!p0 $0x0  }
0x12: {  	s1 =	sld [smem:$0x3F97];
	s0 =	simm.s32 @p0 $0x1  }
0x13: {  	[smem:$0x3FB2] =	sst s0;
	s0 =	simm.s32 @!p1 $0x0  }
0x14: {  	s2 =	sld [smem:$0x3F96];
	s0 =	simm.s32 @p1 $0x1  }
0x15: {  	[smem:$0x3FB3] =	sst s0;
	s0 =	simm.s32 @!p2 $0x0  }
0x16: {  	s3 =	sld [smem:$0x3FDB];
	s0 =	simm.s32 @p2 $0x1  }
0x17: {  	s4 =	simm.s32 $0x1BF5;
	[smem:$0x3FB5] =	sst s0  }
0x18: {  	s0 =	sld [smem:$0x3F98];
	_ =	swait.ge [sflag:s4], $0x0  }
0x19: {  	s7 =	sld [smem:$0x3F99]  }
0x1a: {  	s8 =	sadd.s32 $0xFFFFE003, lr  }
0x1b: {  	s9 =	sadd.s32 $0xFFFFFEF7, lr;
	s5 =	simm.s32 $0xFFFFFFFF;
	p2 =	slt.u32 s8, $0xFFFFF086  }
0x1c: {  	p1 =	slt.u32 s9, $0xF7A;
	s5 =	simm.s32 @!p2 $0x0  }
0x1d: {  	s5 =	simm.s32 @p1 $0x1;
	p0 =	seq.s32 s7, s2  }
0x1e: {  	s7 =	smul.u32 @!p0 $0xF7A, s2;
	p2 =	seq.s32 @!p0 s5, $0x0  }
0x1f: {  	s9 =	smul.u32 $0xF7A, s1;
	s8 =	simm.s32 @!p0 $0x1BF5;
	p2 =	por !p2, p0  }
0x20: {  	[sflag:s8] =	ssyncset.s32 @!p0 $0xFFFFF086;
	s6 =	sadd.s32 @!p0 s3, s7;
	s7 =	simm.s32 @!p0 $0x108  }
0x21: {  	s3 =	sadd.s32 s3, s9;
	s6 =	sadd.s32 @!p0 $0x88, s6;
	s7 =	simm.s32 @p2 $0x1082  }
0x22: {  	[simem:s7], [sflag:s8] =	dma.local @!p0 [hbm:s6], $0xF7A  }
0x23: {  	s9 =	sor.u32 $0xD0000000, s2;
	s6 =	simm.s32 $0x108;
	_ =	swait.ge @!p0 [sflag:s8], $0x0  }
0x24: {  	s3 =	sadd.s32 $0x88, s3;
	s6 =	simm.s32 @!p1 $0x1082;
	[sflag:s4] =	ssyncset.s32 $0xFFFFF086  }
0x25: {  	[simem:s6], [sflag:s4] =	dma.local [hbm:s3], $0xF7A  }
0x26: {  	[smem:$0x3F99] =	sst s1;
	(tag) =	ssettag s2;
	_ =	strace s9  }
0x27: {  	s1 =	sld [smem:$0x3FA9]  }
0x28: {  	s2 =	sld [smem:$0x3FAA]  }
0x29: {  	s4 =	sld [smem:$0x3FAC]  }
0x2a: {  	p0 =	seq.s32 s5, $0x0;
	s5 =	sld [smem:$0x3FAD]  }
0x2b: {  	s6 =	sld [smem:$0x3FAE]  }
0x2c: {  	s7 =	sld [smem:$0x3FAF]  }
0x2d: {  	s3 =	simm.s32 $0x108;
	s8 =	sld [smem:$0x3FB0]  }
0x2e: {  	s3 =	simm.s32 @!p0 $0x1082;
	s9 =	sld [smem:$0x3FB1]  }
0x2f: {  	lr =	sadd.s32 s0, s3;
	s0 =	sld [smem:$0x3FA8]  }
0x30: {  	s3 =	sld [smem:$0x3FAB]  }
0x31: {  	[smem:$0x3FB4] =	sst s10  }
0x32: {  	s10 =	sld [smem:$0x3FB2];
	_ =	sdelay $0x3  }
0x33: {  	p0 =	seq.s32 s10, $0x1;
	s10 =	sld [smem:$0x3FB4];
	_ =	sdelay $0x3  }
0x34: {  	[smem:$0x3FB4] =	sst s10  }
0x35: {  	s10 =	sld [smem:$0x3FB3];
	_ =	sdelay $0x3  }
0x36: {  	p1 =	seq.s32 s10, $0x1;
	s10 =	sld [smem:$0x3FB4];
	_ =	sdelay $0x3  }
0x37: {  	[smem:$0x3FB4] =	sst s10  }
0x38: {  	s10 =	sld [smem:$0x3FB5]  }
0x39: {  	_ = 	snop;
	(pc) =	sbr.ind lr, $3  }
0x3a: {  	_ = 	snop  }
0x3b: {  	_ = 	snop  }
0x3c: {  	p2 =	seq.s32 s10, $0x1;
	s10 =	sld [smem:$0x3FB4]  }
0x3d: {  	_ =	shalt  }
0x3e: {  	_ =	shalt  }
0x3f: {  	_ =	shalt  }
0x40: {  	_ =	shalt  }
0x41: {  	_ =	shalt  }
0x42: {  	_ =	shalt  }
0x43: {  	_ =	shalt  }
0x44: {  	_ =	shalt  }
0x45: {  	_ =	shalt  }
0x46: {  	_ =	shalt  }
0x47: {  	_ =	shalt  }
0x48: {  	_ =	shalt  }
0x49: {  	_ =	shalt  }
0x4a: {  	_ =	shalt  }
0x4b: {  	_ =	shalt  }
0x4c: {  	_ =	shalt  }
0x4d: {  	_ =	shalt  }
0x4e: {  	_ =	shalt  }
0x4f: {  	_ =	shalt  }
0x50: {  	_ =	shalt  }
0x51: {  	_ =	shalt  }
0x52: {  	_ =	shalt  }
0x53: {  	_ =	shalt  }
0x54: {  	_ =	shalt  }
0x55: {  	_ =	shalt  }
0x56: {  	_ =	shalt  }
0x57: {  	_ =	shalt  }
0x58: {  	_ =	shalt  }
0x59: {  	_ =	shalt  }
0x5a: {  	_ =	shalt  }
0x5b: {  	_ =	shalt  }
0x5c: {  	_ =	shalt  }
0x5d: {  	_ =	shalt  }
0x5e: {  	_ =	shalt  }
0x5f: {  	_ =	shalt  }
0x60: {  	_ =	shalt  }
0x61: {  	_ =	shalt  }
0x62: {  	_ =	shalt  }
0x63: {  	_ =	shalt  }
0x64: {  	_ =	shalt  }
0x65: {  	_ =	shalt  }
0x66: {  	_ =	shalt  }
0x67: {  	_ =	shalt  }
0x68: {  	_ =	shalt  }
0x69: {  	_ =	shalt  }
0x6a: {  	_ =	shalt  }
0x6b: {  	_ =	shalt  }
0x6c: {  	_ =	shalt  }
0x6d: {  	_ =	shalt  }
0x6e: {  	_ =	shalt  }
0x6f: {  	_ =	shalt  }
0x70: {  	_ =	shalt  }
0x71: {  	_ =	shalt  }
0x72: {  	_ =	shalt  }
0x73: {  	_ =	shalt  }
0x74: {  	_ =	shalt  }
0x75: {  	_ =	shalt  }
0x76: {  	_ =	shalt  }
0x77: {  	_ =	shalt  }
0x78: {  	_ =	shalt  }
0x79: {  	_ =	shalt  }
0x7a: {  	_ =	shalt  }
0x7b: {  	_ =	shalt  }
0x7c: {  	_ =	shalt  }
0x7d: {  	_ =	shalt  }
0x7e: {  	_ =	shalt  }
0x7f: {  	_ =	shalt  }
0x80: {  	_ =	shalt  }
0x81: {  	_ =	shalt  }
0x82: {  	_ =	shalt  }
0x83: {  	_ =	shalt  }
0x84: {  	_ =	shalt  }
0x85: {  	_ =	shalt  }
0x86: {  	_ =	shalt  }
0x87: {  	_ =	shalt  }
.Lfunc_end0:
.L_simem_size_0:
called_computation.2_lowered:
.L_overlay_start_0:
0x88: {  	s2 =	sld [smem:$0x3FD9]  }
0x89: {  	s3 =	sld [smem:$0x3FFE];
	_ =	sdelay $0x1  }
0x8a: {  	s1 =	srdreg.scid  }
0x8b: {  	s0 =	sand.u32 $0x1, s1  }
0x8c: {  	s16 =	sshll.u32 s0, $0xA;
	s2 =	sadd.s32 s3, s2  }
0x8d: {  	s2 =	sadd.s32 s2, s16  }
0x8e: {  	[smem:$0x3FC0] =	sst s2  }
0x8f: {  	_ = 	snop  }
0x90: {  	(tm) =	ssettm $0x1  }
0x91: {  	s17 =	sld [smem:$0x3FFB];
	_ =	sdelay $0x3  }
0x92: {  	_ =	strace s17  }
0x93: {  	s2 =	sld [smem:$0x3FFC];
	_ =	sdelay $0x3  }
0x94: {  	_ =	strace s2  }
0x95: {  	s2 =	sld [smem:$0x3FFD];
	_ =	sdelay $0x3  }
0x96: {  	_ =	strace s2  }
0x97: {  	_ =	strace $0x8FFFFFFF  }
0x98: {  	s18 =	sld [smem:$0x3FDB];
	_ =	sdelay $0x1  }
0x99: {  	s19 =	simm.s32 $_scs_section_size  }
0x9a: {  	s4 =	simm.s32 $_size__tile_overlayer_lowered;
	s5 =	simm.s32 $_tile_overlayer_lowered  }
0x9b: {  	s22 =	simm.s32 $0x1BFF;
	s21 =	sshll.u32 s5, $0x1;
	s2 =	sadd.s32 s19, s18  }
0x9c: {  	s6 =	simm.s32 $0x0;
	s20 =	sshll.u32 s4, $0x1;
	s4 =	sadd.s32 s21, s2  }
0x9d: {  	[timem:s6], [sflag:s22] =	dma.local [hbm:s4], s20  }
0x9e: {  	_ =	swait.ge [sflag:s22], s20  }
0x9f: {  	s3 =	ssub.s32 $0x0, s20;
	[sflag:s22] =	ssyncset.done $0x0  }
0xa0: {  	[sflag:s22] =	ssyncadd.s32 s3;
	_ =	sdelay $0x1  }
0xa1: {  	s23 =	simm.s32 $0x1B8B  }
0xa2: {  	_ =	swait.ge [sflag:s23], $0x1  }
0xa3: {  	[sflag:s23] =	ssyncset.done $0x0  }
0xa4: {  	s25 =	simm.s32 $0x1B8E;
	s24 =	sld [smem:$0x3FFE];
	[sflag:s23] =	ssyncadd.s32 $0xFFFFFFFF  }
0xa5: {  	s26 =	simm.s32 $execute0_lowered;
	[smem:$0x3FD2] =	sst s25  }
0xa6: {  	s4 =	sshll.u32 s26, $0x1;
	_ =	strace $0x8000004C;
	[dreg:$0x1] =	wrdreg $0xFFFFFFFF  }
0xa7: {  	s28 =	simm.s32 $_size_execute0_lowered;
	s2 =	sadd.s32 s2, s4;
	[dreg:$0x0] =	wrdreg $0x0  }
0xa8: {  	s4 =	sshll.u32 s28, $0x1;
	[dreg:$0x2] =	wrdreg s2  }
0xa9: {  	[dreg:$0x3] =	wrdreg s4  }
0xaa: {  	[dreg:$0x4] =	wrdreg $0xC0  }
0xab: {  	_ =	task [dreg:s6], $0x5FFFF  }
0xac: {  	[dreg:$0x1] =	wrdreg $0xFFFFFFFF  }
0xad: {  	[dreg:$0x0] =	wrdreg $0x60  }
0xae: {  	[dreg:$0x2] =	wrdreg s24  }
0xaf: {  	[dreg:$0x3] =	wrdreg $0x78000  }
0xb0: {  	[dreg:$0x4] =	wrdreg $0x9  }
0xb1: {  	_ =	task.clear_ibuf [dreg:s6], $0x5FFFF;
	_ =	strace $0x9000004C  }
0xb2: {  	s29 =	simm.s32 $0x9;
	_ =	strace $0x8000004E  }
0xb3: {  	_ =	swait.ge [sflag:s29], $0x1  }
0xb4: {  	[sflag:s29] =	ssyncadd.s32 $0xFFFFFFFF  }
0xb5: {  	_ =	strace $0x9000004E  }
0xb6: {  	_ =	sfence  }
0xb7: {  	s30 =	sld [smem:$0x0];
	_ =	sdelay $0x2  }
0xb8: {  	s31 =	sshll.u32 s1, $0xD;
	s1 =	sshrl.u32 s1, $0x2  }
0xb9: {  	s3 =	sand.u32 $0x4000, s31;
	s1 =	sadd.s32 s1, s30  }
0xba: {  	s0 =	sor.u32 s3, s0;
	s1 =	sshll.u32 s1, $0x11  }
0xbb: {  	s0 =	sor.u32 s1, s0  }
0xbc: {  	s0 =	sadd.s32 $0x8F2B, s0  }
0xbd: {  	[sflag:s0] =	ssyncadd.remote.s32 $0x1  }
0xbe: {  	_ =	sfence.sel $0xFFFF  }
0xbf: {  	[dreg:$0x0] =	wrdreg $0xFFFFFFFF;
	(pc) =	sbr.abs _section_cstart, $3  }
0xc0: {  	[dreg:$0x1] =	wrdreg $0xFFFFFFFF  }
0xc1: {  	_ =	task.clear_ibuf [dreg:s6], $0x2FFFF;
	_ =	strace $0x9FFFFFFF  }
0xc2: {  	(tm) =	ssettm $0x7FFFFFFF  }
0xc3: {  	_ =	shalt  }
tec
execute0_lowered:
.L_overlay_start_1:
0x0: {  	(tag) =	ssettag $0x1  }
0x1: {  	s0 =	srdreg.scid  }
0x2: {  	s4 =	stileid.u32;
	s5 =	rddreg [dreg:$0x0]  }
0x3: {  	s2 =	rddreg [dreg:$0x1];
	s3 =	simm.s32 $0x0;
	s14 =	simm.s32 $0x7000  }
0x4: {  	s15 =	simm.s32 $0x9;
	s16 =	simm.s32 $0x2800;
	s17 =	simm.s32 $0x80  }
0x5: {  	s18 =	simm.s32 $0x5000;
	s19 =	simm.s32 $0x5800;
	s20 =	simm.s32 $0x1  }
0x6: {  	s22 =	simm.s32 $0x6000;
	s23 =	simm.s32 $0x2;
	s28 =	simm.s32 $0x3  }
0x7: {  	s30 =	simm.s32 $0x5;
	s21 =	simm.s32 $0x6;
	s25 =	simm.s32 $0x7  }
0x8: {  	s29 =	simm.s32 $0x8;
	s0 =	sand.u32 $0x1, s0;
	s6 =	smul.u32 $0x2800, s4  }
0x9: {  	[smem:$0x7FF] =	sst s3;
	s8 =	smul.u32 $0xA000, s4;
	s1 =	sshll.u32 s0, $0x4  }
0xa: {  	s7 =	smul.u32 $0x28000, s0;
	_ =	strace $0x8000004D;
	s0 =	ssub.s32 $0x2, s0  }
0xb: {  	s1 =	sor.u32 s4, s1;
	s4 =	sadd.s32 $0x29800, s5;
	s8 =	sshrl.u32 s8, $0x2  }
0xc: {  	s26 =	sshrl.u32 s0, $0x1;
	s1 =	smul.u32 $0x500, s1;
	s7 =	sadd.s32 s6, s7  }
0xd: {  	s9 =	sadd.s32 s8, s2;
	s0 =	ssub.s32 s0, s26;
	s26 =	simm.s32 $0x6800  }
.Ltmp0:
0xe: {  	s7 =	sshrl.u32 s7, $0x3;
	s31 =	sadd.s32 $0x800, s9;
	(pc) =	sbr.rel .LBB2_1-.Ltmp0, $4  }
0xf: {  	s8 =	sadd.s32 $0x1800, s9;
	s13 =	smax.u32 s0, $0x1;
	s1 =	sadd.s32 s1, s5  }
0x10: {  	s12 =	sadd.s32 s7, s5;
	s5 =	sadd.s32 s6, s2;
	[dreg:$0x3] =	wrdreg s31  }
0x11: {  	s7 =	sadd.s32 $0x1000, s9;
	s9 =	sadd.s32 $0x2000, s9;
	s10 =	sadd.s32 $0xB800, s1  }
0x12: {  	v0 =	vimm.f32 $0.0e+00;
	s11 =	sadd.s32 $0x1800, s1;
	s12 =	sadd.s32 $0x2E800, s12;
	s1 =	simm.s32 $0x4  }
.LBB2_6:
0x13: {  	_ =	swait.ge [sflag:s1], $0x800  }
0x14: {  	[sflag:s1] =	ssyncset.done $0x0  }
0x15: {  	[sflag:s1] =	ssyncadd.s32 $0xFFFFF800  }
0x16: {  	[spmem:s2] =	stream.indirect.scatter.add.f32 [tilespmem:s26], [sflag:$0x8], $0x10, s24, s17, $0xb8;
	[tilespmem:$0xA000] =	vst v63  }
0x17: {  	_ =	swait.ge [sflag:s30], $0x800  }
0x18: {  	[sflag:s30] =	ssyncset.done $0x0  }
0x19: {  	[sflag:s30] =	ssyncadd.s32 $0xFFFFF800  }
0x1a: {  	_ =	swait.ge [sflag:s21], $0x800  }
0x1b: {  	[sflag:s21] =	ssyncset.done $0x0  }
0x1c: {  	[sflag:s21] =	ssyncadd.s32 $0xFFFFF800  }
0x1d: {  	_ =	swait.ge [sflag:s25], $0x800  }
0x1e: {  	[sflag:s25] =	ssyncset.done $0x0  }
0x1f: {  	[sflag:s25] =	ssyncadd.s32 $0xFFFFF800  }
0x20: {  	s0 =	stileid.u32;
	_ =	swait.ge [sflag:s29], $0x800  }
0x21: {  	s6 =	sshrl.u32 s5, $0x3;
	s3 =	sadd.s32 $0x1, s3;
	[sflag:s29] =	ssyncset.done $0x0  }
0x22: {  	s0 =	sshll.u32 s0, $0x6;
	p0 =	sne.s32 s3, s13;
	[sflag:s29] =	ssyncadd.s32 $0xFFFFF800  }
.Ltmp1:
0x23: {  	s0 =	sor.u32 $0x1C09, s0;
	[bflag:$0x0] =	sbarrier.arrive $0xFFFF;
	(pc) =	sbr.rel @!p0 .LBB2_7-.Ltmp1, $4  }
0x24: {  	[hbm:s12], [sflag:s0] =	dma.local [spmem:s6], $0x500  }
0x25: {  	_ =	swait.ge [sflag:s15], $0x500  }
0x26: {  	[sflag:s15] =	ssyncset.done $0x0  }
0x27: {  	[sflag:s15] =	ssyncadd.s32 $0xFFFFFB00  }
.LBB2_1:
0x28: {  	s0 =	simm.s32 $0x40;
	s24 =	simm.s32 $0x0  }
.LBB2_2:
0x29: {  	p0 =	sne.s32 s0, $0x1FC0;
	[tilespmem:s24+$0x7000] =	vst v0;
	s24 =	smov.u32 s0;
	s0 =	sadd.s32 $0x40, s0  }
.Ltmp2:
0x2a: {  	(pc) =	sbr.rel @p0 .LBB2_2-.Ltmp2, $2  }
0x2b: {  	_ =	sdelay $0x2  }
0x2c: {  	s24 =	sshra.s32 s24, $0x2  }
0x2d: {  	[tilespmem:s24+$0x7000] =	vst v0  }
0x2e: {  	[spmem:s5] =	stream.linear.scatter [tilespmem:s14], [sflag:$0x9], $0x800, $0x38;
	[tilespmem:$0xA000] =	vst v63  }
0x2f: {  	_ =	swait.ge [sflag:s15], $0x800  }
0x30: {  	[sflag:s15] =	ssyncset.done $0x0  }
0x31: {  	s0 =	rddreg [dreg:$0x3];
	[sflag:s15] =	ssyncadd.s32 $0xFFFFF800  }
0x32: {  	[spmem:s0] =	stream.linear.scatter [tilespmem:s14], [sflag:$0x9], $0x800, $0x38;
	[tilespmem:$0xA000] =	vst v63  }
0x33: {  	_ =	swait.ge [sflag:s15], $0x800  }
0x34: {  	[sflag:s15] =	ssyncset.done $0x0  }
0x35: {  	[sflag:s15] =	ssyncadd.s32 $0xFFFFF800  }
0x36: {  	[spmem:s7] =	stream.linear.scatter [tilespmem:s14], [sflag:$0x9], $0x800, $0x38;
	[tilespmem:$0xA000] =	vst v63  }
0x37: {  	_ =	swait.ge [sflag:s15], $0x800  }
0x38: {  	[sflag:s15] =	ssyncset.done $0x0  }
0x39: {  	[sflag:s15] =	ssyncadd.s32 $0xFFFFF800  }
0x3a: {  	[spmem:s8] =	stream.linear.scatter [tilespmem:s14], [sflag:$0x9], $0x800, $0x38;
	[tilespmem:$0xA000] =	vst v63  }
0x3b: {  	_ =	swait.ge [sflag:s15], $0x800  }
0x3c: {  	[sflag:s15] =	ssyncset.done $0x0  }
0x3d: {  	[sflag:s15] =	ssyncadd.s32 $0xFFFFF800  }
0x3e: {  	[spmem:s9] =	stream.linear.scatter [tilespmem:s14], [sflag:$0x9], $0x800, $0x38;
	[tilespmem:$0xA000] =	vst v63  }
0x3f: {  	_ =	swait.ge [sflag:s15], $0x800  }
0x40: {  	[sflag:s15] =	ssyncset.done $0x0  }
0x41: {  	[sflag:s15] =	ssyncadd.s32 $0xFFFFF800  }
0x42: {  	s31 =	simm.s32 $0x0;
	[bflag:$0x0] =	sbarrier.arrive $0xFFFF  }
0x43: {  	[tilespmem:s31], [sflag:$0x9] =	stream.linear.gather [hbm4b:s10+s31], $0x2800, $0x38;
	[tilespmem:$0xA000] =	vst v63  }
0x44: {  	_ =	swait.ge [sflag:s15], $0x2800  }
0x45: {  	[sflag:s15] =	ssyncset.done $0x0  }
0x46: {  	[sflag:s15] =	ssyncadd.s32 $0xFFFFD800  }
0x47: {  	[tilespmem:s16], [sflag:$0x9] =	stream.linear.gather [hbm4b:s11+s31], $0x2800, $0x38;
	[tilespmem:$0xA000] =	vst v63  }
0x48: {  	_ =	swait.ge [sflag:s15], $0x2800  }
0x49: {  	[sflag:s15] =	ssyncset.done $0x0  }
0x4a: {  	[sflag:s15] =	ssyncadd.s32 $0xFFFFD800  }
0x4b: {  	[tilespmem:s18], [sflag:$0x1] =	stream.indirect.gather [hbm4b:s4+s17], $0x10, s31, s17, $0xb8;
	[tilespmem:$0xA000] =	vst v63  }
0x4c: {  	_ = 	snop  }
0x4d: {  	[tilespmem:s19], [sflag:$0x2] =	stream.indirect.gather [hbm4b:s4+s17], $0x10, s17, s17, $0xb8;
	[tilespmem:$0xA000] =	vst v63  }
0x4e: {  	_ =	swait.ge [sflag:s20], $0x800  }
0x4f: {  	[sflag:s20] =	ssyncset.done $0x0  }
0x50: {  	[sflag:s20] =	ssyncadd.s32 $0xFFFFF800  }
0x51: {  	[spmem:s2] =	stream.indirect.scatter.add.f32 [tilespmem:s18], [sflag:$0x5], $0x10, s16, s17, $0xb8;
	[tilespmem:$0xA000] =	vst v63  }
0x52: {  	s24 =	simm.s32 $0x100  }
0x53: {  	[tilespmem:s22], [sflag:$0x3] =	stream.indirect.gather [hbm4b:s4+s17], $0x10, s24, s17, $0xb8;
	[tilespmem:$0xA000] =	vst v63  }
0x54: {  	_ =	swait.ge [sflag:s23], $0x800  }
0x55: {  	[sflag:s23] =	ssyncset.done $0x0  }
0x56: {  	s6 =	simm.s32 $0x2880;
	[sflag:s23] =	ssyncadd.s32 $0xFFFFF800  }
0x57: {  	[spmem:s2] =	stream.indirect.scatter.add.f32 [tilespmem:s19], [sflag:$0x6], $0x10, s6, s17, $0xb8;
	[tilespmem:$0xA000] =	vst v63  }
0x58: {  	s24 =	simm.s32 $0x180  }
0x59: {  	[tilespmem:s26], [sflag:$0x4] =	stream.indirect.gather [hbm4b:s4+s17], $0x10, s24, s17, $0xb8;
	[tilespmem:$0xA000] =	vst v63  }
0x5a: {  	_ =	swait.ge [sflag:s28], $0x800  }
0x5b: {  	[sflag:s28] =	ssyncset.done $0x0  }
0x5c: {  	s6 =	simm.s32 $0x2900;
	[sflag:s28] =	ssyncadd.s32 $0xFFFFF800  }
0x5d: {  	[spmem:s2] =	stream.indirect.scatter.add.f32 [tilespmem:s22], [sflag:$0x7], $0x10, s6, s17, $0xb8;
	[tilespmem:$0xA000] =	vst v63  }
0x5e: {  	_ =	swait.ge [sflag:s30], $0x800  }
0x5f: {  	[sflag:s30] =	ssyncset.done $0x0  }
0x60: {  	s24 =	simm.s32 $0x200;
	[sflag:s30] =	ssyncadd.s32 $0xFFFFF800  }
0x61: {  	[tilespmem:s18], [sflag:$0x1] =	stream.indirect.gather [hbm4b:s4+s17], $0x10, s24, s17, $0xb8;
	[tilespmem:$0xA000] =	vst v63  }
0x62: {  	_ =	swait.ge [sflag:s1], $0x800  }
0x63: {  	[sflag:s1] =	ssyncset.done $0x0  }
0x64: {  	s6 =	simm.s32 $0x2980;
	[sflag:s1] =	ssyncadd.s32 $0xFFFFF800  }
0x65: {  	[spmem:s2] =	stream.indirect.scatter.add.f32 [tilespmem:s26], [sflag:$0x8], $0x10, s6, s17, $0xb8;
	[tilespmem:$0xA000] =	vst v63  }
0x66: {  	_ =	swait.ge [sflag:s21], $0x800  }
0x67: {  	[sflag:s21] =	ssyncset.done $0x0  }
0x68: {  	s24 =	simm.s32 $0x280;
	[sflag:s21] =	ssyncadd.s32 $0xFFFFF800  }
0x69: {  	[tilespmem:s19], [sflag:$0x2] =	stream.indirect.gather [hbm4b:s4+s17], $0x10, s24, s17, $0xb8;
	[tilespmem:$0xA000] =	vst v63  }
.LBB2_4:
0x6a: {  	_ =	swait.ge [sflag:s20], $0x800  }
0x6b: {  	s0 =	sshra.s32 s31, $0x2;
	[sflag:s20] =	ssyncset.done $0x0  }
0x6c: {  	s24 =	sadd.s32 $0x2A00, s0;
	[sflag:s20] =	ssyncadd.s32 $0xFFFFF800  }
0x6d: {  	[spmem:s2] =	stream.indirect.scatter.add.f32 [tilespmem:s18], [sflag:$0x5], $0x10, s24, s17, $0xb8;
	[tilespmem:$0xA000] =	vst v63  }
0x6e: {  	_ =	swait.ge [sflag:s25], $0x800  }
0x6f: {  	[sflag:s25] =	ssyncset.done $0x0  }
0x70: {  	s6 =	sadd.s32 $0x300, s0;
	[sflag:s25] =	ssyncadd.s32 $0xFFFFF800  }
0x71: {  	[tilespmem:s22], [sflag:$0x3] =	stream.indirect.gather [hbm4b:s4+s17], $0x10, s6, s17, $0xb8;
	[tilespmem:$0xA000] =	vst v63  }
0x72: {  	_ =	swait.ge [sflag:s23], $0x800  }
0x73: {  	[sflag:s23] =	ssyncset.done $0x0  }
0x74: {  	s6 =	sadd.s32 $0x2A80, s0;
	[sflag:s23] =	ssyncadd.s32 $0xFFFFF800  }
0x75: {  	[spmem:s2] =	stream.indirect.scatter.add.f32 [tilespmem:s19], [sflag:$0x6], $0x10, s6, s17, $0xb8;
	[tilespmem:$0xA000] =	vst v63  }
0x76: {  	_ =	swait.ge [sflag:s29], $0x800  }
0x77: {  	[sflag:s29] =	ssyncset.done $0x0  }
0x78: {  	p0 =	seq.s32 s31, $0x9000;
	s6 =	sadd.s32 $0x380, s0;
	[sflag:s29] =	ssyncadd.s32 $0xFFFFF800  }
0x79: {  	[tilespmem:s26], [sflag:$0x4] =	stream.indirect.gather [hbm4b:s4+s17], $0x10, s6, s17, $0xb8;
	[tilespmem:$0xA000] =	vst v63  }
.Ltmp3:
0x7a: {  	_ = 	snop;
	(pc) =	sbr.rel @p0 .LBB2_6-.Ltmp3, $4  }
0x7b: {  	_ =	swait.ge [sflag:s28], $0x800  }
0x7c: {  	[sflag:s28] =	ssyncset.done $0x0  }
0x7d: {  	s24 =	sadd.s32 $0x2B80, s0;
	s6 =	sadd.s32 $0x2B00, s0;
	[sflag:s28] =	ssyncadd.s32 $0xFFFFF800  }
0x7e: {  	[spmem:s2] =	stream.indirect.scatter.add.f32 [tilespmem:s22], [sflag:$0x7], $0x10, s6, s17, $0xb8;
	[tilespmem:$0xA000] =	vst v63  }
0x7f: {  	_ =	swait.ge [sflag:s30], $0x800  }
0x80: {  	[sflag:s30] =	ssyncset.done $0x0  }
0x81: {  	s6 =	sadd.s32 $0x400, s0;
	[sflag:s30] =	ssyncadd.s32 $0xFFFFF800  }
0x82: {  	[tilespmem:s18], [sflag:$0x1] =	stream.indirect.gather [hbm4b:s4+s17], $0x10, s6, s17, $0xb8;
	[tilespmem:$0xA000] =	vst v63  }
0x83: {  	_ =	swait.ge [sflag:s1], $0x800  }
0x84: {  	[sflag:s1] =	ssyncset.done $0x0  }
0x85: {  	[sflag:s1] =	ssyncadd.s32 $0xFFFFF800  }
0x86: {  	[spmem:s2] =	stream.indirect.scatter.add.f32 [tilespmem:s26], [sflag:$0x8], $0x10, s24, s17, $0xb8;
	[tilespmem:$0xA000] =	vst v63  }
.Ltmp4:
0x87: {  	_ = 	snop;
	(pc) =	sbr.rel .LBB2_4-.Ltmp4, $4  }
0x88: {  	_ =	swait.ge [sflag:s21], $0x800  }
0x89: {  	[sflag:s21] =	ssyncset.done $0x0  }
0x8a: {  	s31 =	sadd.s32 $0x800, s31;
	s24 =	sadd.s32 $0x480, s0;
	[sflag:s21] =	ssyncadd.s32 $0xFFFFF800  }
0x8b: {  	[tilespmem:s19], [sflag:$0x2] =	stream.indirect.gather [hbm4b:s4+s17], $0x10, s24, s17, $0xb8;
	[tilespmem:$0xA000] =	vst v63  }
.LBB2_7:
0x8c: {  	_ =	sfence.sel $0x180000  }
0x8d: {  	[bflag:$0x0] =	sbarrier.arrive $0xFFFF  }
0x8e: {  	_ =	strace $0x9000004D  }
0x8f: {  	s0 =	stileid.u32;
	[bflag:$0x2] =	sbarrier.arrive $0xFFFF  }
0x90: {  	p0 =	sne.s32 s0, $0x0;
	s0 =	rddreg [dreg:$0x2]  }
0x91: {  	s0 =	sadd.s32 @!p0 $0x100000, s0  }
0x92: {  	[sflag:s0] =	ssyncadd.tile.s32 @!p0 $0x1;
	_ =	shalt  }
.Lfunc_end2:
_tile_overlayer_lowered:
.L_overlay_start_2:
0x93: {  	(tag) =	ssettag $0x2  }
0x94: {  	s0 =	rddreg [dreg:$0x0];
	s2 =	stileid.u32  }
0x95: {  	s1 =	rddreg [dreg:$0x1];
	p0 =	sne.s32 s2, $0x0  }
0x96: {  	s3 =	rddreg [dreg:$0x2];
	[bflag:$0x3] =	sbarrier.arrive $0xFFFF;
	s2 =	simm.s32 @!p0 $0x1C09  }
0x97: {  	[timem:s3], [sflag:s2] =	dma.local @!p0 [hbm:s0], s1  }
0x98: {  	s0 =	simm.s32 @!p0 $0x9  }
0x99: {  	_ =	swait.ge @!p0 [sflag:s0], s1  }
0x9a: {  	s1 =	ssub.s32 @!p0 $0x0, s1;
	[sflag:s0] =	ssyncset.done @!p0 $0x0  }
0x9b: {  	[sflag:s0] =	ssyncadd.s32 @!p0 s1  }
0x9c: {  	[bflag:$0x3] =	sbarrier.arrive $0xFFFF  }
0x9d: {  	_ =	shalt  }

// kernel: kernel.19.cloned.1.call-start
scs
__scs_entry_jumppad:
0x0: {  	(pc) =	sbr.rel $0x88, $3  }
0x1: {  	(tag) =	ssettag $0x0;
	lr =	simm.s32 $0x1  }
0x2: {  	[smem:$0x3F99] =	sst lr;
	_ =	strace $0xD0000000  }
0x3: {  	_ = 	snop  }
0x4: {  	_ = 	snop  }
0x5: {  	_ = 	snop  }
0x6: {  	_ = 	snop  }
0x7: {  	_ = 	snop  }
__scs_overlays_trampoline_lowered:
0x8: {  	[smem:$0x3FA8] =	sst s0  }
0x9: {  	[smem:$0x3FA9] =	sst s1  }
0xa: {  	[smem:$0x3FAA] =	sst s2  }
0xb: {  	[smem:$0x3FAB] =	sst s3  }
0xc: {  	[smem:$0x3FAC] =	sst s4  }
0xd: {  	[smem:$0x3FAD] =	sst s5  }
0xe: {  	[smem:$0x3FAE] =	sst s6  }
0xf: {  	[smem:$0x3FAF] =	sst s7  }
0x10: {  	[smem:$0x3FB0] =	sst s8  }
0x11: {  	[smem:$0x3FB1] =	sst s9;
	s0 =	simm.s32 @!p0 $0x0  }
0x12: {  	s1 =	sld [smem:$0x3F97];
	s0 =	simm.s32 @p0 $0x1  }
0x13: {  	[smem:$0x3FB2] =	sst s0;
	s0 =	simm.s32 @!p1 $0x0  }
0x14: {  	s2 =	sld [smem:$0x3F96];
	s0 =	simm.s32 @p1 $0x1  }
0x15: {  	[smem:$0x3FB3] =	sst s0;
	s0 =	simm.s32 @!p2 $0x0  }
0x16: {  	s3 =	sld [smem:$0x3FDB];
	s0 =	simm.s32 @p2 $0x1  }
0x17: {  	s4 =	simm.s32 $0x1BF5;
	[smem:$0x3FB5] =	sst s0  }
0x18: {  	s0 =	sld [smem:$0x3F98];
	_ =	swait.ge [sflag:s4], $0x0  }
0x19: {  	s7 =	sld [smem:$0x3F99]  }
0x1a: {  	s8 =	sadd.s32 $0xFFFFE003, lr  }
0x1b: {  	s9 =	sadd.s32 $0xFFFFFEF7, lr;
	s5 =	simm.s32 $0xFFFFFFFF;
	p2 =	slt.u32 s8, $0xFFFFF086  }
0x1c: {  	p1 =	slt.u32 s9, $0xF7A;
	s5 =	simm.s32 @!p2 $0x0  }
0x1d: {  	s5 =	simm.s32 @p1 $0x1;
	p0 =	seq.s32 s7, s2  }
0x1e: {  	s7 =	smul.u32 @!p0 $0xF7A, s2;
	p2 =	seq.s32 @!p0 s5, $0x0  }
0x1f: {  	s9 =	smul.u32 $0xF7A, s1;
	s8 =	simm.s32 @!p0 $0x1BF5;
	p2 =	por !p2, p0  }
0x20: {  	[sflag:s8] =	ssyncset.s32 @!p0 $0xFFFFF086;
	s6 =	sadd.s32 @!p0 s3, s7;
	s7 =	simm.s32 @!p0 $0x108  }
0x21: {  	s3 =	sadd.s32 s3, s9;
	s6 =	sadd.s32 @!p0 $0x88, s6;
	s7 =	simm.s32 @p2 $0x1082  }
0x22: {  	[simem:s7], [sflag:s8] =	dma.local @!p0 [hbm:s6], $0xF7A  }
0x23: {  	s9 =	sor.u32 $0xD0000000, s2;
	s6 =	simm.s32 $0x108;
	_ =	swait.ge @!p0 [sflag:s8], $0x0  }
0x24: {  	s3 =	sadd.s32 $0x88, s3;
	s6 =	simm.s32 @!p1 $0x1082;
	[sflag:s4] =	ssyncset.s32 $0xFFFFF086  }
0x25: {  	[simem:s6], [sflag:s4] =	dma.local [hbm:s3], $0xF7A  }
0x26: {  	[smem:$0x3F99] =	sst s1;
	(tag) =	ssettag s2;
	_ =	strace s9  }
0x27: {  	s1 =	sld [smem:$0x3FA9]  }
0x28: {  	s2 =	sld [smem:$0x3FAA]  }
0x29: {  	s4 =	sld [smem:$0x3FAC]  }
0x2a: {  	p0 =	seq.s32 s5, $0x0;
	s5 =	sld [smem:$0x3FAD]  }
0x2b: {  	s6 =	sld [smem:$0x3FAE]  }
0x2c: {  	s7 =	sld [smem:$0x3FAF]  }
0x2d: {  	s3 =	simm.s32 $0x108;
	s8 =	sld [smem:$0x3FB0]  }
0x2e: {  	s3 =	simm.s32 @!p0 $0x1082;
	s9 =	sld [smem:$0x3FB1]  }
0x2f: {  	lr =	sadd.s32 s0, s3;
	s0 =	sld [smem:$0x3FA8]  }
0x30: {  	s3 =	sld [smem:$0x3FAB]  }
0x31: {  	[smem:$0x3FB4] =	sst s10  }
0x32: {  	s10 =	sld [smem:$0x3FB2];
	_ =	sdelay $0x3  }
0x33: {  	p0 =	seq.s32 s10, $0x1;
	s10 =	sld [smem:$0x3FB4];
	_ =	sdelay $0x3  }
0x34: {  	[smem:$0x3FB4] =	sst s10  }
0x35: {  	s10 =	sld [smem:$0x3FB3];
	_ =	sdelay $0x3  }
0x36: {  	p1 =	seq.s32 s10, $0x1;
	s10 =	sld [smem:$0x3FB4];
	_ =	sdelay $0x3  }
0x37: {  	[smem:$0x3FB4] =	sst s10  }
0x38: {  	s10 =	sld [smem:$0x3FB5]  }
0x39: {  	_ = 	snop;
	(pc) =	sbr.ind lr, $3  }
0x3a: {  	_ = 	snop  }
0x3b: {  	_ = 	snop  }
0x3c: {  	p2 =	seq.s32 s10, $0x1;
	s10 =	sld [smem:$0x3FB4]  }
0x3d: {  	_ =	shalt  }
0x3e: {  	_ =	shalt  }
0x3f: {  	_ =	shalt  }
0x40: {  	_ =	shalt  }
0x41: {  	_ =	shalt  }
0x42: {  	_ =	shalt  }
0x43: {  	_ =	shalt  }
0x44: {  	_ =	shalt  }
0x45: {  	_ =	shalt  }
0x46: {  	_ =	shalt  }
0x47: {  	_ =	shalt  }
0x48: {  	_ =	shalt  }
0x49: {  	_ =	shalt  }
0x4a: {  	_ =	shalt  }
0x4b: {  	_ =	shalt  }
0x4c: {  	_ =	shalt  }
0x4d: {  	_ =	shalt  }
0x4e: {  	_ =	shalt  }
0x4f: {  	_ =	shalt  }
0x50: {  	_ =	shalt  }
0x51: {  	_ =	shalt  }
0x52: {  	_ =	shalt  }
0x53: {  	_ =	shalt  }
0x54: {  	_ =	shalt  }
0x55: {  	_ =	shalt  }
0x56: {  	_ =	shalt  }
0x57: {  	_ =	shalt  }
0x58: {  	_ =	shalt  }
0x59: {  	_ =	shalt  }
0x5a: {  	_ =	shalt  }
0x5b: {  	_ =	shalt  }
0x5c: {  	_ =	shalt  }
0x5d: {  	_ =	shalt  }
0x5e: {  	_ =	shalt  }
0x5f: {  	_ =	shalt  }
0x60: {  	_ =	shalt  }
0x61: {  	_ =	shalt  }
0x62: {  	_ =	shalt  }
0x63: {  	_ =	shalt  }
0x64: {  	_ =	shalt  }
0x65: {  	_ =	shalt  }
0x66: {  	_ =	shalt  }
0x67: {  	_ =	shalt  }
0x68: {  	_ =	shalt  }
0x69: {  	_ =	shalt  }
0x6a: {  	_ =	shalt  }
0x6b: {  	_ =	shalt  }
0x6c: {  	_ =	shalt  }
0x6d: {  	_ =	shalt  }
0x6e: {  	_ =	shalt  }
0x6f: {  	_ =	shalt  }
0x70: {  	_ =	shalt  }
0x71: {  	_ =	shalt  }
0x72: {  	_ =	shalt  }
0x73: {  	_ =	shalt  }
0x74: {  	_ =	shalt  }
0x75: {  	_ =	shalt  }
0x76: {  	_ =	shalt  }
0x77: {  	_ =	shalt  }
0x78: {  	_ =	shalt  }
0x79: {  	_ =	shalt  }
0x7a: {  	_ =	shalt  }
0x7b: {  	_ =	shalt  }
0x7c: {  	_ =	shalt  }
0x7d: {  	_ =	shalt  }
0x7e: {  	_ =	shalt  }
0x7f: {  	_ =	shalt  }
0x80: {  	_ =	shalt  }
0x81: {  	_ =	shalt  }
0x82: {  	_ =	shalt  }
0x83: {  	_ =	shalt  }
0x84: {  	_ =	shalt  }
0x85: {  	_ =	shalt  }
0x86: {  	_ =	shalt  }
0x87: {  	_ =	shalt  }
.Lfunc_end0:
.L_simem_size_0:
called_computation.3_lowered:
.L_overlay_start_0:
0x88: {  	s2 =	sld [smem:$0x3FD9]  }
0x89: {  	s3 =	sld [smem:$0x3FFE];
	_ =	sdelay $0x1  }
0x8a: {  	s1 =	srdreg.scid  }
0x8b: {  	s0 =	sand.u32 $0x1, s1  }
0x8c: {  	s16 =	sshll.u32 s0, $0xA;
	s2 =	sadd.s32 s3, s2  }
0x8d: {  	s2 =	sadd.s32 s2, s16  }
0x8e: {  	[smem:$0x3FC0] =	sst s2  }
0x8f: {  	_ = 	snop  }
0x90: {  	(tm) =	ssettm $0x1  }
0x91: {  	s17 =	sld [smem:$0x3FFB];
	_ =	sdelay $0x3  }
0x92: {  	_ =	strace s17  }
0x93: {  	s2 =	sld [smem:$0x3FFC];
	_ =	sdelay $0x3  }
0x94: {  	_ =	strace s2  }
0x95: {  	s2 =	sld [smem:$0x3FFD];
	_ =	sdelay $0x3  }
0x96: {  	_ =	strace s2  }
0x97: {  	_ =	strace $0x8FFFFFFF  }
0x98: {  	s18 =	sld [smem:$0x3FDB];
	_ =	sdelay $0x1  }
0x99: {  	s19 =	simm.s32 $_scs_section_size  }
0x9a: {  	s4 =	simm.s32 $_size__tile_overlayer_lowered;
	s5 =	simm.s32 $_tile_overlayer_lowered  }
0x9b: {  	s22 =	simm.s32 $0x1BFF;
	s21 =	sshll.u32 s5, $0x1;
	s2 =	sadd.s32 s19, s18  }
0x9c: {  	s6 =	simm.s32 $0x0;
	s20 =	sshll.u32 s4, $0x1;
	s4 =	sadd.s32 s21, s2  }
0x9d: {  	[timem:s6], [sflag:s22] =	dma.local [hbm:s4], s20  }
0x9e: {  	_ =	swait.ge [sflag:s22], s20  }
0x9f: {  	s3 =	ssub.s32 $0x0, s20;
	[sflag:s22] =	ssyncset.done $0x0  }
0xa0: {  	[sflag:s22] =	ssyncadd.s32 s3;
	_ =	sdelay $0x1  }
0xa1: {  	s23 =	simm.s32 $0x1B8B  }
0xa2: {  	_ =	swait.ge [sflag:s23], $0x1  }
0xa3: {  	[sflag:s23] =	ssyncset.done $0x0  }
0xa4: {  	s25 =	simm.s32 $0x1B8E;
	s24 =	sld [smem:$0x3FFE];
	[sflag:s23] =	ssyncadd.s32 $0xFFFFFFFF  }
0xa5: {  	s26 =	simm.s32 $execute0_lowered;
	[smem:$0x3FD2] =	sst s25  }
0xa6: {  	s4 =	sshll.u32 s26, $0x1;
	_ =	strace $0x8000004F;
	[dreg:$0x1] =	wrdreg $0xFFFFFFFF  }
0xa7: {  	s28 =	simm.s32 $_size_execute0_lowered;
	s2 =	sadd.s32 s2, s4;
	[dreg:$0x0] =	wrdreg $0x0  }
0xa8: {  	s4 =	sshll.u32 s28, $0x1;
	[dreg:$0x2] =	wrdreg s2  }
0xa9: {  	[dreg:$0x3] =	wrdreg s4  }
0xaa: {  	[dreg:$0x4] =	wrdreg $0xC0  }
0xab: {  	_ =	task [dreg:s6], $0x5FFFF  }
0xac: {  	[dreg:$0x1] =	wrdreg $0xFFFFFFFF  }
0xad: {  	[dreg:$0x0] =	wrdreg $0x60  }
0xae: {  	[dreg:$0x2] =	wrdreg s24  }
0xaf: {  	[dreg:$0x3] =	wrdreg $0x54800  }
0xb0: {  	[dreg:$0x4] =	wrdreg $0x9  }
0xb1: {  	_ =	task.clear_ibuf [dreg:s6], $0x5FFFF;
	_ =	strace $0x9000004F  }
0xb2: {  	s29 =	simm.s32 $0x9;
	_ =	strace $0x80000051  }
0xb3: {  	_ =	swait.ge [sflag:s29], $0x1  }
0xb4: {  	[sflag:s29] =	ssyncadd.s32 $0xFFFFFFFF  }
0xb5: {  	_ =	strace $0x90000051  }
0xb6: {  	_ =	sfence  }
0xb7: {  	s30 =	sld [smem:$0x0];
	_ =	sdelay $0x2  }
0xb8: {  	s31 =	sshll.u32 s1, $0xD;
	s1 =	sshrl.u32 s1, $0x2  }
0xb9: {  	s3 =	sand.u32 $0x4000, s31;
	s1 =	sadd.s32 s1, s30  }
0xba: {  	s0 =	sor.u32 s3, s0;
	s1 =	sshll.u32 s1, $0x11  }
0xbb: {  	s0 =	sor.u32 s1, s0  }
0xbc: {  	s0 =	sadd.s32 $0x8F2B, s0  }
0xbd: {  	[sflag:s0] =	ssyncadd.remote.s32 $0x1  }
0xbe: {  	_ =	sfence.sel $0xFFFF  }
0xbf: {  	[dreg:$0x0] =	wrdreg $0xFFFFFFFF;
	(pc) =	sbr.abs _section_cstart, $3  }
0xc0: {  	[dreg:$0x1] =	wrdreg $0xFFFFFFFF  }
0xc1: {  	_ =	task.clear_ibuf [dreg:s6], $0x2FFFF;
	_ =	strace $0x9FFFFFFF  }
0xc2: {  	(tm) =	ssettm $0x7FFFFFFF  }
0xc3: {  	_ =	shalt  }
tec
execute0_lowered:
.L_overlay_start_1:
0x0: {  	(tag) =	ssettag $0x1  }
0x1: {  	s1 =	rddreg [dreg:$0x0]  }
0x2: {  	s0 =	srdreg.scid;
	s2 =	rddreg [dreg:$0x1]  }
0x3: {  	s8 =	stileid.u32;
	s3 =	simm.s32 $0x0;
	s11 =	simm.s32 $0x9  }
0x4: {  	s12 =	simm.s32 $0x2800;
	s13 =	simm.s32 $0x80;
	s14 =	simm.s32 $0x5000  }
0x5: {  	s15 =	simm.s32 $0x5080;
	s16 =	simm.s32 $0x1;
	s18 =	simm.s32 $0x5100  }
0x6: {  	s19 =	simm.s32 $0x2;
	s22 =	simm.s32 $0x5180;
	s23 =	simm.s32 $0x3  }
0x7: {  	s25 =	simm.s32 $0x5;
	s28 =	simm.s32 $0x4;
	s30 =	simm.s32 $0x6  }
0x8: {  	s31 =	simm.s32 $0x280;
	s10 =	simm.s32 $0x20;
	s17 =	simm.s32 $0x10  }
0x9: {  	s20 =	simm.s32 $0x0;
	s0 =	sand.u32 $0x1, s0;
	[smem:$0x7FF] =	sst s3  }
0xa: {  	s5 =	smul.u32 $0x500, s8;
	s4 =	sshll.u32 s0, $0x4;
	s6 =	sshll.u32 s0, $0x7  }
0xb: {  	s0 =	ssub.s32 $0x2, s0;
	s4 =	sor.u32 s8, s4;
	s8 =	smul.u32 $0xA00, s8  }
0xc: {  	_ =	strace $0x80000050;
	s29 =	sshrl.u32 s0, $0x1;
	s4 =	smul.u32 $0x500, s4  }
.Ltmp0:
0xd: {  	s5 =	sor.u32 s6, s5;
	s0 =	ssub.s32 s0, s29;
	(pc) =	sbr.rel .LBB2_1-.Ltmp0, $4  }
0xe: {  	s5 =	sshrl.u32 s5, $0x3;
	s8 =	sshrl.u32 s8, $0x2;
	s9 =	smax.u32 s0, $0x1  }
0xf: {  	s0 =	simm.s32 $0x7;
	s7 =	sadd.s32 s4, s1;
	s4 =	sadd.s32 $0x1800, s1  }
0x10: {  	s1 =	sadd.s32 s5, s1;
	s5 =	sadd.s32 s8, s2;
	s6 =	sadd.s32 $0x1F800, s7  }
0x11: {  	v0 =	vimm.f32 $0.0e+00;
	s7 =	sadd.s32 $0x15800, s7;
	s8 =	sadd.s32 $0x1E00, s1;
	s1 =	simm.s32 $0x8  }
.LBB2_4:
0x12: {  	_ =	swait.ge [sflag:s28], $0x80  }
0x13: {  	[sflag:s28] =	ssyncset.done $0x0  }
0x14: {  	[sflag:s28] =	ssyncadd.s32 $0xFFFFFF80  }
0x15: {  	[spmem:s2] =	stream.indirect.scatter.add.f32 [tilespmem:s22], [sflag:$0x8], $0x1, s26, s13, $0xb8;
	[tilespmem:$0x5700] =	vst v63  }
0x16: {  	_ =	swait.ge [sflag:s25], $0x80  }
0x17: {  	[sflag:s25] =	ssyncset.done $0x0  }
0x18: {  	[sflag:s25] =	ssyncadd.s32 $0xFFFFFF80  }
0x19: {  	_ =	swait.ge [sflag:s30], $0x80  }
0x1a: {  	[sflag:s30] =	ssyncset.done $0x0  }
0x1b: {  	[sflag:s30] =	ssyncadd.s32 $0xFFFFFF80  }
0x1c: {  	_ =	swait.ge [sflag:s0], $0x80  }
0x1d: {  	[sflag:s0] =	ssyncset.done $0x0  }
0x1e: {  	[sflag:s0] =	ssyncadd.s32 $0xFFFFFF80  }
0x1f: {  	s21 =	stileid.u32;
	_ =	swait.ge [sflag:s1], $0x80  }
0x20: {  	s24 =	sshrl.u32 s5, $0x3;
	s20 =	sadd.s32 $0x1, s20;
	[sflag:s1] =	ssyncset.done $0x0  }
0x21: {  	s21 =	sshll.u32 s21, $0x6;
	p0 =	sne.s32 s20, s9;
	[sflag:s1] =	ssyncadd.s32 $0xFFFFFF80  }
.Ltmp1:
0x22: {  	s21 =	sor.u32 $0x1C09, s21;
	[bflag:$0x0] =	sbarrier.arrive $0xFFFF;
	(pc) =	sbr.rel @!p0 .LBB2_5-.Ltmp1, $4  }
0x23: {  	[hbm:s8@s10], [sflag:s21] =	dma.strided [spmem:s24@s17], $0x50, s16, $0x10   }
0x24: {  	_ =	swait.ge [sflag:s11], $0x50  }
0x25: {  	[sflag:s11] =	ssyncset.done $0x0  }
0x26: {  	[sflag:s11] =	ssyncadd.s32 $0xFFFFFFB0  }
.LBB2_1:
0x27: {  	[tilespmem:$0x5200] =	vst v0  }
0x28: {  	[tilespmem:$0x5210] =	vst v0  }
0x29: {  	[tilespmem:$0x5220] =	vst v0  }
0x2a: {  	[tilespmem:$0x5230] =	vst v0  }
0x2b: {  	[tilespmem:$0x5240] =	vst v0  }
0x2c: {  	[tilespmem:$0x5250] =	vst v0  }
0x2d: {  	[tilespmem:$0x5260] =	vst v0  }
0x2e: {  	[tilespmem:$0x5270] =	vst v0  }
0x2f: {  	[tilespmem:$0x5280] =	vst v0  }
0x30: {  	[tilespmem:$0x5290] =	vst v0  }
0x31: {  	[tilespmem:$0x52A0] =	vst v0  }
0x32: {  	[tilespmem:$0x52B0] =	vst v0  }
0x33: {  	[tilespmem:$0x52C0] =	vst v0  }
0x34: {  	[tilespmem:$0x52D0] =	vst v0  }
0x35: {  	[tilespmem:$0x52E0] =	vst v0  }
0x36: {  	[tilespmem:$0x52F0] =	vst v0  }
0x37: {  	[tilespmem:$0x5300] =	vst v0  }
0x38: {  	[tilespmem:$0x5310] =	vst v0  }
0x39: {  	[tilespmem:$0x5320] =	vst v0  }
0x3a: {  	[tilespmem:$0x5330] =	vst v0  }
0x3b: {  	[tilespmem:$0x5340] =	vst v0  }
0x3c: {  	[tilespmem:$0x5350] =	vst v0  }
0x3d: {  	[tilespmem:$0x5360] =	vst v0  }
0x3e: {  	[tilespmem:$0x5370] =	vst v0  }
0x3f: {  	[tilespmem:$0x5380] =	vst v0  }
0x40: {  	[tilespmem:$0x5390] =	vst v0  }
0x41: {  	[tilespmem:$0x53A0] =	vst v0  }
0x42: {  	[tilespmem:$0x53B0] =	vst v0  }
0x43: {  	[tilespmem:$0x53C0] =	vst v0  }
0x44: {  	[tilespmem:$0x53D0] =	vst v0  }
0x45: {  	[tilespmem:$0x53E0] =	vst v0  }
0x46: {  	[tilespmem:$0x53F0] =	vst v0  }
0x47: {  	[tilespmem:$0x5400] =	vst v0  }
0x48: {  	[tilespmem:$0x5410] =	vst v0  }
0x49: {  	[tilespmem:$0x5420] =	vst v0  }
0x4a: {  	[tilespmem:$0x5430] =	vst v0  }
0x4b: {  	[tilespmem:$0x5440] =	vst v0  }
0x4c: {  	[tilespmem:$0x5450] =	vst v0  }
0x4d: {  	[tilespmem:$0x5460] =	vst v0  }
0x4e: {  	[tilespmem:$0x5470] =	vst v0;
	s21 =	simm.s32 $0x5200  }
0x4f: {  	[spmem:s5] =	stream.linear.scatter [tilespmem:s21], [sflag:$0x9], $0x280, $0x38;
	[tilespmem:$0x5700] =	vst v63  }
0x50: {  	_ =	swait.ge [sflag:s11], $0x280  }
0x51: {  	[sflag:s11] =	ssyncset.done $0x0  }
0x52: {  	[sflag:s11] =	ssyncadd.s32 $0xFFFFFD80  }
0x53: {  	[bflag:$0x0] =	sbarrier.arrive $0xFFFF  }
0x54: {  	[tilespmem:s3], [sflag:$0x9] =	stream.linear.gather [hbm4b:s6+s3], $0x2800, $0x38;
	[tilespmem:$0x5700] =	vst v63  }
0x55: {  	_ =	swait.ge [sflag:s11], $0x2800  }
0x56: {  	[sflag:s11] =	ssyncset.done $0x0  }
0x57: {  	[sflag:s11] =	ssyncadd.s32 $0xFFFFD800  }
0x58: {  	[tilespmem:s12], [sflag:$0x9] =	stream.linear.gather [hbm4b:s7+s3], $0x2800, $0x38;
	[tilespmem:$0x5700] =	vst v63  }
0x59: {  	_ =	swait.ge [sflag:s11], $0x2800  }
0x5a: {  	[sflag:s11] =	ssyncset.done $0x0  }
0x5b: {  	[sflag:s11] =	ssyncadd.s32 $0xFFFFD800  }
0x5c: {  	[tilespmem:s14], [sflag:$0x1] =	stream.indirect.gather [hbm4b:s4+s13], $0x1, s3, s13, $0xb8;
	[tilespmem:$0x5700] =	vst v63  }
0x5d: {  	_ = 	snop  }
0x5e: {  	[tilespmem:s15], [sflag:$0x2] =	stream.indirect.gather [hbm4b:s4+s13], $0x1, s13, s13, $0xb8;
	[tilespmem:$0x5700] =	vst v63  }
0x5f: {  	_ =	swait.ge [sflag:s16], $0x80  }
0x60: {  	[sflag:s16] =	ssyncset.done $0x0  }
0x61: {  	[sflag:s16] =	ssyncadd.s32 $0xFFFFFF80  }
0x62: {  	[spmem:s2] =	stream.indirect.scatter.add.f32 [tilespmem:s14], [sflag:$0x5], $0x1, s12, s13, $0xb8;
	[tilespmem:$0x5700] =	vst v63  }
0x63: {  	s24 =	simm.s32 $0x100  }
0x64: {  	[tilespmem:s18], [sflag:$0x3] =	stream.indirect.gather [hbm4b:s4+s13], $0x1, s24, s13, $0xb8;
	[tilespmem:$0x5700] =	vst v63  }
0x65: {  	_ =	swait.ge [sflag:s19], $0x80  }
0x66: {  	[sflag:s19] =	ssyncset.done $0x0  }
0x67: {  	s26 =	simm.s32 $0x2880;
	[sflag:s19] =	ssyncadd.s32 $0xFFFFFF80  }
0x68: {  	[spmem:s2] =	stream.indirect.scatter.add.f32 [tilespmem:s15], [sflag:$0x6], $0x1, s26, s13, $0xb8;
	[tilespmem:$0x5700] =	vst v63  }
0x69: {  	s29 =	simm.s32 $0x180  }
0x6a: {  	[tilespmem:s22], [sflag:$0x4] =	stream.indirect.gather [hbm4b:s4+s13], $0x1, s29, s13, $0xb8;
	[tilespmem:$0x5700] =	vst v63  }
0x6b: {  	_ =	swait.ge [sflag:s23], $0x80  }
0x6c: {  	[sflag:s23] =	ssyncset.done $0x0  }
0x6d: {  	s24 =	simm.s32 $0x2900;
	[sflag:s23] =	ssyncadd.s32 $0xFFFFFF80  }
0x6e: {  	[spmem:s2] =	stream.indirect.scatter.add.f32 [tilespmem:s18], [sflag:$0x7], $0x1, s24, s13, $0xb8;
	[tilespmem:$0x5700] =	vst v63  }
0x6f: {  	_ =	swait.ge [sflag:s25], $0x80  }
0x70: {  	[sflag:s25] =	ssyncset.done $0x0  }
0x71: {  	s26 =	simm.s32 $0x200;
	[sflag:s25] =	ssyncadd.s32 $0xFFFFFF80  }
0x72: {  	[tilespmem:s14], [sflag:$0x1] =	stream.indirect.gather [hbm4b:s4+s13], $0x1, s26, s13, $0xb8;
	[tilespmem:$0x5700] =	vst v63  }
0x73: {  	_ =	swait.ge [sflag:s28], $0x80  }
0x74: {  	[sflag:s28] =	ssyncset.done $0x0  }
0x75: {  	s29 =	simm.s32 $0x2980;
	[sflag:s28] =	ssyncadd.s32 $0xFFFFFF80  }
0x76: {  	[spmem:s2] =	stream.indirect.scatter.add.f32 [tilespmem:s22], [sflag:$0x8], $0x1, s29, s13, $0xb8;
	[tilespmem:$0x5700] =	vst v63  }
0x77: {  	_ =	swait.ge [sflag:s30], $0x80  }
0x78: {  	[sflag:s30] =	ssyncset.done $0x0  }
0x79: {  	s21 =	simm.s32 $0x0;
	[sflag:s30] =	ssyncadd.s32 $0xFFFFFF80  }
0x7a: {  	[tilespmem:s15], [sflag:$0x2] =	stream.indirect.gather [hbm4b:s4+s13], $0x1, s31, s13, $0xb8;
	[tilespmem:$0x5700] =	vst v63  }
.LBB2_2:
0x7b: {  	_ =	swait.ge [sflag:s16], $0x80  }
0x7c: {  	s24 =	sshra.s32 s21, $0x2;
	[sflag:s16] =	ssyncset.done $0x0  }
0x7d: {  	s26 =	sadd.s32 $0x2A00, s24;
	[sflag:s16] =	ssyncadd.s32 $0xFFFFFF80  }
0x7e: {  	[spmem:s2] =	stream.indirect.scatter.add.f32 [tilespmem:s14], [sflag:$0x5], $0x1, s26, s13, $0xb8;
	[tilespmem:$0x5700] =	vst v63  }
0x7f: {  	_ =	swait.ge [sflag:s0], $0x80  }
0x80: {  	[sflag:s0] =	ssyncset.done $0x0  }
0x81: {  	s29 =	sadd.s32 $0x300, s24;
	[sflag:s0] =	ssyncadd.s32 $0xFFFFFF80  }
0x82: {  	[tilespmem:s18], [sflag:$0x3] =	stream.indirect.gather [hbm4b:s4+s13], $0x1, s29, s13, $0xb8;
	[tilespmem:$0x5700] =	vst v63  }
0x83: {  	_ =	swait.ge [sflag:s19], $0x80  }
0x84: {  	[sflag:s19] =	ssyncset.done $0x0  }
0x85: {  	s29 =	sadd.s32 $0x2A80, s24;
	[sflag:s19] =	ssyncadd.s32 $0xFFFFFF80  }
0x86: {  	[spmem:s2] =	stream.indirect.scatter.add.f32 [tilespmem:s15], [sflag:$0x6], $0x1, s29, s13, $0xb8;
	[tilespmem:$0x5700] =	vst v63  }
0x87: {  	_ =	swait.ge [sflag:s1], $0x80  }
0x88: {  	[sflag:s1] =	ssyncset.done $0x0  }
0x89: {  	p0 =	seq.s32 s21, $0x9000;
	s29 =	sadd.s32 $0x380, s24;
	[sflag:s1] =	ssyncadd.s32 $0xFFFFFF80  }
0x8a: {  	[tilespmem:s22], [sflag:$0x4] =	stream.indirect.gather [hbm4b:s4+s13], $0x1, s29, s13, $0xb8;
	[tilespmem:$0x5700] =	vst v63  }
.Ltmp2:
0x8b: {  	_ = 	snop;
	(pc) =	sbr.rel @p0 .LBB2_4-.Ltmp2, $4  }
0x8c: {  	_ =	swait.ge [sflag:s23], $0x80  }
0x8d: {  	[sflag:s23] =	ssyncset.done $0x0  }
0x8e: {  	s26 =	sadd.s32 $0x2B80, s24;
	s29 =	sadd.s32 $0x2B00, s24;
	[sflag:s23] =	ssyncadd.s32 $0xFFFFFF80  }
0x8f: {  	[spmem:s2] =	stream.indirect.scatter.add.f32 [tilespmem:s18], [sflag:$0x7], $0x1, s29, s13, $0xb8;
	[tilespmem:$0x5700] =	vst v63  }
0x90: {  	_ =	swait.ge [sflag:s25], $0x80  }
0x91: {  	[sflag:s25] =	ssyncset.done $0x0  }
0x92: {  	s29 =	sadd.s32 $0x400, s24;
	[sflag:s25] =	ssyncadd.s32 $0xFFFFFF80  }
0x93: {  	[tilespmem:s14], [sflag:$0x1] =	stream.indirect.gather [hbm4b:s4+s13], $0x1, s29, s13, $0xb8;
	[tilespmem:$0x5700] =	vst v63  }
0x94: {  	_ =	swait.ge [sflag:s28], $0x80  }
0x95: {  	[sflag:s28] =	ssyncset.done $0x0  }
0x96: {  	[sflag:s28] =	ssyncadd.s32 $0xFFFFFF80  }
0x97: {  	[spmem:s2] =	stream.indirect.scatter.add.f32 [tilespmem:s22], [sflag:$0x8], $0x1, s26, s13, $0xb8;
	[tilespmem:$0x5700] =	vst v63  }
.Ltmp3:
0x98: {  	_ = 	snop;
	(pc) =	sbr.rel .LBB2_2-.Ltmp3, $4  }
0x99: {  	_ =	swait.ge [sflag:s30], $0x80  }
0x9a: {  	[sflag:s30] =	ssyncset.done $0x0  }
0x9b: {  	s21 =	sadd.s32 $0x800, s21;
	s29 =	sadd.s32 $0x480, s24;
	[sflag:s30] =	ssyncadd.s32 $0xFFFFFF80  }
0x9c: {  	[tilespmem:s15], [sflag:$0x2] =	stream.indirect.gather [hbm4b:s4+s13], $0x1, s29, s13, $0xb8;
	[tilespmem:$0x5700] =	vst v63  }
.LBB2_5:
0x9d: {  	_ =	sfence.sel $0x180000  }
0x9e: {  	[bflag:$0x0] =	sbarrier.arrive $0xFFFF  }
0x9f: {  	_ =	strace $0x90000050  }
0xa0: {  	s0 =	stileid.u32;
	[bflag:$0x2] =	sbarrier.arrive $0xFFFF  }
0xa1: {  	p0 =	sne.s32 s0, $0x0;
	s0 =	rddreg [dreg:$0x2]  }
0xa2: {  	s0 =	sadd.s32 @!p0 $0x100000, s0  }
0xa3: {  	[sflag:s0] =	ssyncadd.tile.s32 @!p0 $0x1;
	_ =	shalt  }
.Lfunc_end2:
_tile_overlayer_lowered:
.L_overlay_start_2:
0xa4: {  	(tag) =	ssettag $0x2  }
0xa5: {  	s0 =	rddreg [dreg:$0x0];
	s2 =	stileid.u32  }
0xa6: {  	s1 =	rddreg [dreg:$0x1];
	p0 =	sne.s32 s2, $0x0  }
0xa7: {  	s3 =	rddreg [dreg:$0x2];
	[bflag:$0x3] =	sbarrier.arrive $0xFFFF;
	s2 =	simm.s32 @!p0 $0x1C09  }
0xa8: {  	[timem:s3], [sflag:s2] =	dma.local @!p0 [hbm:s0], s1  }
0xa9: {  	s0 =	simm.s32 @!p0 $0x9  }
0xaa: {  	_ =	swait.ge @!p0 [sflag:s0], s1  }
0xab: {  	s1 =	ssub.s32 @!p0 $0x0, s1;
	[sflag:s0] =	ssyncset.done @!p0 $0x0  }
0xac: {  	[sflag:s0] =	ssyncadd.s32 @!p0 s1  }
0xad: {  	[bflag:$0x3] =	sbarrier.arrive $0xFFFF  }
0xae: {  	_ =	shalt  }

</sc_bundles>
